<compile_context>
chip_gen: v7x
topology: tpu7x:2x2x1
jax: 0.10.2.dev20260603
libtpu: 0.0.44.dev20260713+nightly
codegen_flags: <defaults>
</compile_context>

<pallas_src>
import functools

import jax
import jax.numpy as jnp
from jax import lax
from jax.experimental import pallas as pl
from jax.experimental.pallas import tpu as pltpu
from jax.experimental.pallas import tpu_sc as plsc

N_NODES = 10000
N_EDGES = 320000
D_FEAT = 128
HIDDEN = 256
OUT_CH = 64

NC = 2
NS = 16
NW = NC * NS
EPW = N_EDGES // NW
CH = 80
NCHUNK = EPW // CH
SPAN = 32
EPAD = 10112
RPT = 1000
ZROWS = 40
DEGC = 1000


def _sc_aggregate(x, ei3):
    mesh = plsc.VectorSubcoreMesh(core_axis_name="c", subcore_axis_name="s")

    @functools.partial(
        pl.kernel,
        out_type=[
            jax.ShapeDtypeStruct((NC, N_NODES, D_FEAT), jnp.float32),
            jax.ShapeDtypeStruct((NC * N_NODES,), jnp.float32),
        ],
        mesh=mesh,
        scratch_types=[
            pltpu.VMEM((SPAN * CH,), jnp.int32),
            pltpu.VMEM((SPAN * CH,), jnp.int32),
            pltpu.VMEM((CH, D_FEAT), jnp.float32),
            pltpu.VMEM((CH, D_FEAT), jnp.float32),
            pltpu.VMEM((CH, D_FEAT), jnp.float32),
            pltpu.VMEM((CH,), jnp.float32),
            pltpu.VMEM((1008,), jnp.float32),
            pltpu.VMEM_SHARED((N_NODES, D_FEAT), jnp.float32),
            pltpu.VMEM_SHARED((N_NODES,), jnp.float32),
            pltpu.SemaphoreType.DMA,
            pltpu.SemaphoreType.DMA,
            pltpu.SemaphoreType.DMA,
            pltpu.SemaphoreType.DMA,
            pltpu.SemaphoreType.DMA,
            pltpu.SemaphoreType.DMA,
            pltpu.SemaphoreType.DMA,
        ],
    )
    def k(x_hbm, ei_hbm, agg_out, deg_out,
          srcv, dstv, rows, rows1, rows2, ones, zdeg, agg_sh, deg_sh,
          gsem0, gsem1, gsem2, ssem0, ssem1, ssem2, osem):
        c = lax.axis_index("c")
        s = lax.axis_index("s")
        wid = c * NS + s

        zeros16 = jnp.zeros((16,), jnp.float32)

        def zero_rows(i, _):
            r = i // (D_FEAT // 16)
            col = (i % (D_FEAT // 16)) * 16
            rows[r, pl.ds(col, 16)] = zeros16
            return 0

        lax.fori_loop(0, CH * (D_FEAT // 16), zero_rows, 0)

        def zero_zdeg(i, _):
            zdeg[pl.ds(i * 16, 16)] = zeros16
            return 0

        lax.fori_loop(0, 1008 // 16, zero_zdeg, 0)

        ones16 = jnp.ones((16,), jnp.float32)

        def fill_ones(i, _):
            ones[pl.ds(i * 16, 16)] = ones16
            return 0

        lax.fori_loop(0, CH // 16, fill_ones, 0)

        @pl.when(s < N_NODES // RPT)
        def _():
            def zero_agg(t, _):
                pltpu.async_copy(rows.at[pl.ds(0, ZROWS), :],
                                 agg_sh.at[pl.ds(s * RPT + t * ZROWS, ZROWS), :],
                                 ssem0)
                return 0

            lax.fori_loop(0, RPT // ZROWS, zero_agg, 0)
            pltpu.sync_copy(zdeg.at[pl.ds(0, DEGC)], deg_sh.at[pl.ds(s * DEGC, DEGC)])

            def drain_zero(t, _):
                pltpu.make_async_copy(rows.at[pl.ds(0, ZROWS), :],
                                      agg_sh.at[pl.ds(s * RPT, ZROWS), :],
                                      ssem0).wait()
                return 0

            lax.fori_loop(0, RPT // ZROWS, drain_zero, 0)

        plsc.subcore_barrier()

        bufs = (rows, rows1, rows2)
        gsems = (gsem0, gsem1, gsem2)
        ssems = (ssem0, ssem1, ssem2)

        def run_span(base, nch):
            ne = -(-nch * CH // 128) * 128
            pltpu.sync_copy(ei_hbm.at[0, wid, pl.ds(base * CH, ne)],
                            srcv.at[pl.ds(0, ne)])
            pltpu.sync_copy(ei_hbm.at[1, wid, pl.ds(base * CH, ne)],
                            dstv.at[pl.ds(0, ne)])

            def sidx(c):
                return srcv.at[pl.ds(c * CH, CH)]

            def didx(c):
                return dstv.at[pl.ds(c * CH, CH)]

            pltpu.async_copy(x_hbm.at[sidx(0)], rows, gsem0)

            def triple(t, _):
                for j in range(3):
                    c = 3 * t + j
                    jn = (j + 1) % 3

                    @pl.when(jnp.logical_and(c >= 2, c < nch))
                    def _(jn=jn):
                        pltpu.make_async_copy(
                            bufs[jn], agg_sh.at[didx(0)], ssems[jn]).wait()

                    @pl.when(c + 1 < nch)
                    def _(jn=jn, c=c):
                        pltpu.async_copy(x_hbm.at[sidx(c + 1)], bufs[jn],
                                         gsems[jn])

                    @pl.when(c < nch)
                    def _(j=j, c=c):
                        pltpu.make_async_copy(x_hbm.at[sidx(0)], bufs[j],
                                              gsems[j]).wait()
                        pltpu.async_copy(ones, deg_sh.at[didx(c)], osem,
                                         add=True)
                        pltpu.async_copy(bufs[j], agg_sh.at[didx(c)],
                                         ssems[j], add=True)

                    @pl.when(jnp.logical_and(c >= 2, c < nch))
                    def _():
                        pltpu.make_async_copy(ones, deg_sh.at[didx(0)],
                                              osem).wait()
                return 0

            lax.fori_loop(0, (nch + 2) // 3, triple, 0)

            for c in (nch - 2, nch - 1):
                pltpu.make_async_copy(bufs[c % 3], agg_sh.at[didx(0)],
                                      ssems[c % 3]).wait()
                pltpu.make_async_copy(ones, deg_sh.at[didx(0)], osem).wait()

        run_span(0, SPAN)
        run_span(SPAN, SPAN)
        run_span(2 * SPAN, SPAN)
        run_span(3 * SPAN, NCHUNK - 3 * SPAN)

        plsc.subcore_barrier()

        @pl.when(s < N_NODES // RPT)
        def _():
            pltpu.async_copy(agg_sh.at[pl.ds(s * RPT, RPT), :],
                             agg_out.at[c, pl.ds(s * RPT, RPT), :], ssem0)
            pltpu.sync_copy(deg_sh.at[pl.ds(s * DEGC, DEGC)], zdeg.at[pl.ds(0, DEGC)])
            pltpu.sync_copy(zdeg.at[pl.ds(0, DEGC)],
                            deg_out.at[pl.ds(c * N_NODES + s * DEGC, DEGC)])
            pltpu.make_async_copy(agg_sh.at[pl.ds(s * RPT, RPT), :],
                                  agg_out.at[c, pl.ds(s * RPT, RPT), :],
                                  ssem0).wait()

    return k(x, ei3)


BN = 2560


def _tc_mlp_body(x_ref, a0_ref, a1_ref, degt_ref, w0a_ref, w0b_ref, b0_ref,
                 w1_ref, b1_ref, out_ref):
    deg = jnp.maximum(degt_ref[:, 0:1] + degt_ref[:, 1:2], 1.0)
    agg = (a0_ref[0] + a1_ref[0]) / deg
    h = (jnp.dot(x_ref[...], w0a_ref[...], preferred_element_type=jnp.float32)
         + jnp.dot(agg, w0b_ref[...], preferred_element_type=jnp.float32)
         + b0_ref[...])
    h = jnp.maximum(h, 0.0)
    o = jnp.dot(h, w1_ref[...], preferred_element_type=jnp.float32) + b1_ref[...]
    n2 = jnp.sum(o * o, axis=1, keepdims=True)
    out_ref[...] = jnp.transpose(o * lax.rsqrt(jnp.maximum(n2, 1e-24)))


def _tc_mlp(x, agg_p, degt, W0, b0, W1, b1):
    grid = (-(-N_NODES // BN),)
    return pl.pallas_call(
        _tc_mlp_body,
        grid=grid,
        in_specs=[
            pl.BlockSpec((BN, D_FEAT), lambda i: (i, 0)),
            pl.BlockSpec((1, BN, D_FEAT), lambda i: (0, i, 0)),
            pl.BlockSpec((1, BN, D_FEAT), lambda i: (1, i, 0)),
            pl.BlockSpec((BN, 2), lambda i: (i, 0)),
            pl.BlockSpec((D_FEAT, HIDDEN), lambda i: (0, 0)),
            pl.BlockSpec((D_FEAT, HIDDEN), lambda i: (1, 0)),
            pl.BlockSpec((1, HIDDEN), lambda i: (0, 0)),
            pl.BlockSpec((HIDDEN, OUT_CH), lambda i: (0, 0)),
            pl.BlockSpec((1, OUT_CH), lambda i: (0, 0)),
        ],
        out_specs=pl.BlockSpec((OUT_CH, BN), lambda i: (0, i)),
        out_shape=jax.ShapeDtypeStruct((OUT_CH, N_NODES), jnp.float32),
    )(x, agg_p, agg_p, degt, W0, W0, b0, W1, b1)


def kernel(x, edge_index, W0, b0, W1, b1):
    ei3 = jnp.pad(edge_index.reshape(2, NW, EPW),
                  ((0, 0), (0, 0), (0, EPAD - EPW)))
    agg_p, deg_p = _sc_aggregate(x, ei3)
    degt = deg_p.reshape(NC, N_NODES).T
    out_t = _tc_mlp(x, agg_p, degt, W0, b0.reshape(1, HIDDEN),
                    W1, b1.reshape(1, OUT_CH))
    return out_t.T

# --- scband reference (transcript-rebuilt; emitter-appended) ---
"""Pipeline reference for scband-net-36275293782472 (READ-ONLY COPY).

The authoritative reference and input builder live on the scoring server;
editing this copy changes nothing except your own understanding.
"""

import jax, jax.numpy as jnp
import numpy as np

N_NODES = 10000
N_EDGES = 320000
D_FEAT = 128
HIDDEN = 256
OUT_CH = 64


def setup_inputs(seed: int = 0) -> dict:
    key = jax.random.key(seed)
    ks = jax.random.split(key, 6)
    x = jax.random.normal(ks[0], (N_NODES, D_FEAT), dtype=jnp.float32)
    edge_index = jax.random.randint(ks[1], (2, N_EDGES), 0, N_NODES, dtype=jnp.int32)
    # MLP params: in_channels = 2 * D_FEAT (root || aggregated), per n_hops=1, order=1, GCN path (nkd=1)
    in_ch = 2 * D_FEAT
    W0 = jax.random.normal(ks[2], (in_ch, HIDDEN), dtype=jnp.float32) * (1.0 / np.sqrt(in_ch))
    b0 = jnp.zeros((HIDDEN,), dtype=jnp.float32)
    W1 = jax.random.normal(ks[3], (HIDDEN, OUT_CH), dtype=jnp.float32) * (1.0 / np.sqrt(HIDDEN))
    b1 = jnp.zeros((OUT_CH,), dtype=jnp.float32)
    return {"x": x, "edge_index": edge_index, "W0": W0, "b0": b0, "W1": W1, "b1": b1}


def reference(x, edge_index, W0, b0, W1, b1):
    # Single-hop full-graph pass: adjs = [(edge_index, None, (N, N))], GCN=True so K is ignored.
    src = edge_index[0]
    dst = edge_index[1]
    n = x.shape[0]
    # AnisoConv with adj_norm: degree-normalized (mean) neighbor aggregation via scatter-add
    msgs = jnp.take(x, src, axis=0)                               # gather  [E, d]
    agg = jax.ops.segment_sum(msgs, dst, num_segments=n)          # scatter-add [N, d]
    deg = jax.ops.segment_sum(jnp.ones((msgs.shape[0],), dtype=x.dtype), dst, num_segments=n)
    agg = agg / jnp.maximum(deg, 1.0)[:, None]
    # root concat (root_weight=True) -> [N, 2d]; single hop so out = this
    h = jnp.concatenate([x, agg], axis=-1)
    # MLP: Linear -> ReLU -> Linear (n_lin_layers=2, dropout=0 at eval, no batch norm)
    h = jax.nn.relu(h @ W0 + b0)
    out = h @ W1 + b1
    # vec_norm: F.normalize(out, p=2, dim=-1)
    norm = jnp.maximum(jnp.linalg.norm(out, axis=-1, keepdims=True), 1e-12)
    return out / norm

if __name__ == "__main__":
    import jax
    _d = setup_inputs()
    print(jax.jit(kernel)(*tuple(_d.values())))

</pallas_src>

<mosaic_0001>
#map = affine_map<(d0, d1) -> (0, 0)>
#map1 = affine_map<(d0, d1) -> (0, 0, 0)>
#map2 = affine_map<(d0, d1) -> (0)>
module attributes {stable_mosaic.version = 14 : i64} {
  func.func @k(%arg0: i32, %arg1: i32, %arg2: memref<10000x128xf32, #tpu.memory_space<hbm>>, %arg3: memref<2x32x10112xi32, #tpu.memory_space<hbm>>, %arg4: memref<2x10000x128xf32, #tpu.memory_space<hbm>>, %arg5: memref<20000xf32, #tpu.memory_space<hbm>>, %arg6: memref<2560xi32, #tpu.memory_space<vmem>>, %arg7: memref<2560xi32, #tpu.memory_space<vmem>>, %arg8: memref<80x128xf32, #tpu.memory_space<vmem>>, %arg9: memref<80x128xf32, #tpu.memory_space<vmem>>, %arg10: memref<80x128xf32, #tpu.memory_space<vmem>>, %arg11: memref<80xf32, #tpu.memory_space<vmem>>, %arg12: memref<1008xf32, #tpu.memory_space<vmem>>, %arg13: memref<10000x128xf32, #tpu.memory_space<vmem_shared>>, %arg14: memref<10000xf32, #tpu.memory_space<vmem_shared>>, %arg15: memref<!tpu.dma_semaphore, #tpu.memory_space<semaphore_mem>>, %arg16: memref<!tpu.dma_semaphore, #tpu.memory_space<semaphore_mem>>, %arg17: memref<!tpu.dma_semaphore, #tpu.memory_space<semaphore_mem>>, %arg18: memref<!tpu.dma_semaphore, #tpu.memory_space<semaphore_mem>>, %arg19: memref<!tpu.dma_semaphore, #tpu.memory_space<semaphore_mem>>, %arg20: memref<!tpu.dma_semaphore, #tpu.memory_space<semaphore_mem>>, %arg21: memref<!tpu.dma_semaphore, #tpu.memory_space<semaphore_mem>>) attributes {dimension_semantics = [#tpu.dimension_semantics<core_parallel>, #tpu.dimension_semantics<subcore_parallel>], iteration_bounds = array<i64: 2, 16>, scalar_prefetch = 0 : i64, scratch_operands = 16 : i64, tpu.core_type = #tpu.core_type<sc_vector_subcore>, window_params = [{transform_indices = #map}, {transform_indices = #map1}, {transform_indices = #map1}, {transform_indices = #map2}]} {
    %mul3A = arith.constant 16 : i32
    %mul3A_0 = arith.muli %arg0, %mul3A : i32
    %add3A = arith.addi %mul3A_0, %arg1 : i32
    %broadcast_in_dim3A = arith.constant 0.000000e+00 : f32
    %broadcast_in_dim3A_1 = vector.broadcast %broadcast_in_dim3A : f32 to vector<16xf32>
    %scan3A = arith.constant 0 : i32
    %scan3A_2 = arith.constant 0 : i32
    %scan3A_3 = arith.constant 640 : i32
    %scan3A_4 = arith.addi %scan3A_2, %scan3A_3 : i32
    %scan3A_5 = arith.constant 1 : i32
    %scan3A_6 = scf.for %scan3A_157 = %scan3A_2 to %scan3A_4 step %scan3A_5 iter_args(%scan3A_158 = %scan3A) -> (i32)  : i32 {
      %jit3A = arith.constant 8 : i32
      %div3A = arith.divsi %scan3A_157, %jit3A : i32
      %sign3A = arith.constant 0 : i32
      %sign3A_159 = arith.cmpi sgt, %scan3A_157, %sign3A : i32
      %sign3A_160 = arith.extui %sign3A_159 : i1 to i32
      %sign3A_161 = arith.constant 0 : i32
      %sign3A_162 = arith.cmpi slt, %scan3A_157, %sign3A_161 : i32
      %sign3A_163 = arith.extui %sign3A_162 : i1 to i32
      %sign3A_164 = arith.subi %sign3A_160, %sign3A_163 : i32
      %sign3A_165 = arith.constant 0 : i32
      %sign3A_166 = arith.cmpi sgt, %jit3A, %sign3A_165 : i32
      %sign3A_167 = arith.extui %sign3A_166 : i1 to i32
      %sign3A_168 = arith.constant 0 : i32
      %sign3A_169 = arith.cmpi slt, %jit3A, %sign3A_168 : i32
      %sign3A_170 = arith.extui %sign3A_169 : i1 to i32
      %sign3A_171 = arith.subi %sign3A_167, %sign3A_170 : i32
      %ne3A = arith.cmpi ne, %sign3A_164, %sign3A_171 : i32
      %rem3A = arith.remsi %scan3A_157, %jit3A : i32
      %ne3A_172 = arith.constant 0 : i32
      %ne3A_173 = arith.cmpi ne, %rem3A, %ne3A_172 : i32
      %and3A = arith.andi %ne3A, %ne3A_173 : i1
      %sub3A = arith.constant 1 : i32
      %sub3A_174 = arith.subi %div3A, %sub3A : i32
      %select_n3A = arith.select %and3A, %sub3A_174, %div3A : i32
      %jit3A_175 = arith.constant 8 : i32
      %eq3A = arith.constant 0 : i32
      %eq3A_176 = arith.cmpi eq, %jit3A_175, %eq3A : i32
      %jit3A_177 = arith.constant 1 : i32
      %select_n3A_178 = arith.select %eq3A_176, %jit3A_177, %jit3A_175 : i32
      %rem3A_179 = arith.remsi %scan3A_157, %select_n3A_178 : i32
      %ne3A_180 = arith.constant 0 : i32
      %ne3A_181 = arith.cmpi ne, %rem3A_179, %ne3A_180 : i32
      %lt3A_182 = arith.constant 0 : i32
      %lt3A_183 = arith.cmpi slt, %rem3A_179, %lt3A_182 : i32
      %lt3A_184 = arith.constant 0 : i32
      %lt3A_185 = arith.cmpi slt, %select_n3A_178, %lt3A_184 : i32
      %ne3A_186 = arith.xori %lt3A_183, %lt3A_185 : i1
      %and3A_187 = arith.andi %ne3A_186, %ne3A_181 : i1
      %add3A_188 = arith.addi %rem3A_179, %select_n3A_178 : i32
      %select_n3A_189 = arith.select %and3A_187, %add3A_188, %rem3A_179 : i32
      %mul3A_190 = arith.constant 16 : i32
      %mul3A_191 = arith.muli %select_n3A_189, %mul3A_190 : i32
      %swap3A = arith.index_cast %select_n3A : i32 to index
      %swap3A_192 = arith.index_cast %mul3A_191 : i32 to index
      %swap3A_193 = tpu.vector_load %arg8[%swap3A, %swap3A_192] {strides = array<i32>} : memref<80x128xf32, #tpu.memory_space<vmem>>, vector<1x16xf32>,
      %swap3A_194 = vector.shape_cast %swap3A_193 : vector<1x16xf32> to vector<16xf32>
      %swap3A_195 = vector.shape_cast %broadcast_in_dim3A_1 : vector<16xf32> to vector<1x16xf32>
      tpu.vector_store %arg8[%swap3A, %swap3A_192], %swap3A_195 {strides = array<i32>} : memref<80x128xf32, #tpu.memory_space<vmem>>, vector<1x16xf32>,
      %scan3A_196 = arith.constant 0 : i32
      scf.yield %scan3A_196 : i32
    }
    %scan3A_7 = arith.constant 640 : i32
    %scan3A_8 = arith.constant 0 : i32
    %scan3A_9 = arith.constant 0 : i32
    %scan3A_10 = arith.constant 63 : i32
    %scan3A_11 = arith.addi %scan3A_9, %scan3A_10 : i32
    %scan3A_12 = arith.constant 1 : i32
    %scan3A_13 = scf.for %scan3A_157 = %scan3A_9 to %scan3A_11 step %scan3A_12 iter_args(%scan3A_158 = %scan3A_8) -> (i32)  : i32 {
      %mul3A_159 = arith.constant 16 : i32
      %mul3A_160 = arith.muli %scan3A_157, %mul3A_159 : i32
      %swap3A = arith.index_cast %mul3A_160 : i32 to index
      %swap3A_161 = tpu.vector_load %arg12[%swap3A] {strides = array<i32>} : memref<1008xf32, #tpu.memory_space<vmem>>, vector<16xf32>,
      %swap3A_162 = vector.shape_cast %swap3A_161 : vector<16xf32> to vector<16xf32>
      %swap3A_163 = vector.shape_cast %broadcast_in_dim3A_1 : vector<16xf32> to vector<16xf32>
      tpu.vector_store %arg12[%swap3A], %swap3A_163 {strides = array<i32>} : memref<1008xf32, #tpu.memory_space<vmem>>, vector<16xf32>,
      %scan3A_164 = arith.constant 0 : i32
      scf.yield %scan3A_164 : i32
    }
    %scan3A_14 = arith.constant 63 : i32
    %broadcast_in_dim3A_15 = arith.constant 1.000000e+00 : f32
    %broadcast_in_dim3A_16 = vector.broadcast %broadcast_in_dim3A_15 : f32 to vector<16xf32>
    %scan3A_17 = arith.constant 0 : i32
    %scan3A_18 = arith.constant 0 : i32
    %scan3A_19 = arith.constant 5 : i32
    %scan3A_20 = arith.addi %scan3A_18, %scan3A_19 : i32
    %scan3A_21 = arith.constant 1 : i32
    %scan3A_22 = scf.for %scan3A_157 = %scan3A_18 to %scan3A_20 step %scan3A_21 iter_args(%scan3A_158 = %scan3A_17) -> (i32)  : i32 {
      %mul3A_159 = arith.constant 16 : i32
      %mul3A_160 = arith.muli %scan3A_157, %mul3A_159 : i32
      %swap3A = arith.index_cast %mul3A_160 : i32 to index
      %swap3A_161 = tpu.vector_load %arg11[%swap3A] {strides = array<i32>} : memref<80xf32, #tpu.memory_space<vmem>>, vector<16xf32>,
      %swap3A_162 = vector.shape_cast %swap3A_161 : vector<16xf32> to vector<16xf32>
      %swap3A_163 = vector.shape_cast %broadcast_in_dim3A_16 : vector<16xf32> to vector<16xf32>
      tpu.vector_store %arg11[%swap3A], %swap3A_163 {strides = array<i32>} : memref<80xf32, #tpu.memory_space<vmem>>, vector<16xf32>,
      %scan3A_164 = arith.constant 0 : i32
      scf.yield %scan3A_164 : i32
    }
    %scan3A_23 = arith.constant 5 : i32
    %lt3A = arith.constant 10 : i32
    %lt3A_24 = arith.cmpi slt, %arg1, %lt3A : i32
    %convert_element_type3A = arith.extui %lt3A_24 : i1 to i32
    %cond3A = arith.constant 0 : i32
    %cond3A_25 = arith.cmpi ne, %convert_element_type3A, %cond3A : i32
    scf.if %cond3A_25 {
      %scan3A_157 = arith.constant 0 : i32
      %scan3A_158 = arith.constant 0 : i32
      %scan3A_159 = arith.constant 25 : i32
      %scan3A_160 = arith.addi %scan3A_158, %scan3A_159 : i32
      %scan3A_161 = arith.constant 1 : i32
      %scan3A_162 = scf.for %scan3A_173 = %scan3A_158 to %scan3A_160 step %scan3A_161 iter_args(%scan3A_174 = %scan3A_157) -> (i32)  : i32 {
        %mul3A_175 = arith.constant 1000 : i32
        %mul3A_176 = arith.muli %arg1, %mul3A_175 : i32
        %mul3A_177 = arith.constant 40 : i32
        %mul3A_178 = arith.muli %scan3A_173, %mul3A_177 : i32
        %add3A_179 = arith.addi %mul3A_176, %mul3A_178 : i32
        %dma_start3A_180 = arith.constant 0 : i32
        %dma_start3A_181 = arith.constant 0 : i32
        %dma_start3A_182 = tpu.memref_slice %arg8[%dma_start3A_180, %dma_start3A_181] : memref<80x128xf32, #tpu.memory_space<vmem>> -> memref<40x128xf32, #tpu.memory_space<vmem>>
        %dma_start3A_183 = arith.constant 0 : i32
        %dma_start3A_184 = tpu.memref_slice %arg13[%add3A_179, %dma_start3A_183] : memref<10000x128xf32, #tpu.memory_space<vmem_shared>> -> memref<40x128xf32, #tpu.memory_space<vmem_shared>>
        %dma_start3A_185 = arith.constant 0 : i32
        %dma_start3A_186 = tpu.memref_slice %arg13[%add3A_179, %dma_start3A_185] : memref<10000x128xf32, #tpu.memory_space<vmem_shared>> -> memref<40x128xf32, #tpu.memory_space<vmem_shared>>
        %dma_start3A_187 = arith.constant 0 : i32
        %dma_start3A_188 = arith.constant 0 : i32
        %dma_start3A_189 = tpu.memref_slice %arg8[%dma_start3A_187, %dma_start3A_188] : memref<80x128xf32, #tpu.memory_space<vmem>> -> memref<40x128xf32, #tpu.memory_space<vmem>>
        tpu.enqueue_dma source(%dma_start3A_189 : memref<40x128xf32, #tpu.memory_space<vmem>>) target(%dma_start3A_186 : memref<40x128xf32, #tpu.memory_space<vmem_shared>>) target_semaphore(%arg18 : memref<!tpu.dma_semaphore, #tpu.memory_space<semaphore_mem>>)
        %scan3A_190 = arith.constant 0 : i32
        scf.yield %scan3A_190 : i32
      }
      %scan3A_163 = arith.constant 25 : i32
      %mul3A_164 = arith.constant 1000 : i32
      %mul3A_165 = arith.muli %arg1, %mul3A_164 : i32
      "tpu.region"() ({
        %run_scoped3A_173 = tpu.sem_alloc : memref<!tpu.dma_semaphore, #tpu.memory_space<semaphore_mem>>
        %dma_start3A_174 = arith.constant 0 : i32
        %dma_start3A_175 = tpu.memref_slice %arg12[%dma_start3A_174] : memref<1008xf32, #tpu.memory_space<vmem>> -> memref<1000xf32, #tpu.memory_space<vmem>>
        %dma_start3A_176 = tpu.memref_slice %arg14[%mul3A_165] : memref<10000xf32, #tpu.memory_space<vmem_shared>> -> memref<1000xf32, #tpu.memory_space<vmem_shared>>
        %dma_start3A_177 = tpu.memref_slice %arg14[%mul3A_165] : memref<10000xf32, #tpu.memory_space<vmem_shared>> -> memref<1000xf32, #tpu.memory_space<vmem_shared>>
        %dma_start3A_178 = arith.constant 0 : i32
        %dma_start3A_179 = tpu.memref_slice %arg12[%dma_start3A_178] : memref<1008xf32, #tpu.memory_space<vmem>> -> memref<1000xf32, #tpu.memory_space<vmem>>
        tpu.enqueue_dma source(%dma_start3A_179 : memref<1000xf32, #tpu.memory_space<vmem>>) target(%dma_start3A_177 : memref<1000xf32, #tpu.memory_space<vmem_shared>>) target_semaphore(%run_scoped3A_173 : memref<!tpu.dma_semaphore, #tpu.memory_space<semaphore_mem>>)
        %dma_wait3A_180 = arith.constant 0 : i32
        %dma_wait3A_181 = tpu.memref_slice %arg12[%dma_wait3A_180] : memref<1008xf32, #tpu.memory_space<vmem>> -> memref<1000xf32, #tpu.memory_space<vmem>>
        %dma_wait3A_182 = tpu.memref_slice %arg14[%mul3A_165] : memref<10000xf32, #tpu.memory_space<vmem_shared>> -> memref<1000xf32, #tpu.memory_space<vmem_shared>>
        %dma_wait3A_183 = tpu.memref_slice %arg14[%mul3A_165] : memref<10000xf32, #tpu.memory_space<vmem_shared>> -> memref<1000xf32, #tpu.memory_space<vmem_shared>>
        %dma_wait3A_184 = arith.constant 0 : i32
        %dma_wait3A_185 = tpu.memref_slice %arg12[%dma_wait3A_184] : memref<1008xf32, #tpu.memory_space<vmem>> -> memref<1000xf32, #tpu.memory_space<vmem>>
        tpu.wait_dma2 semaphore(%run_scoped3A_173 : memref<!tpu.dma_semaphore, #tpu.memory_space<semaphore_mem>>) src(%dma_wait3A_185 : memref<1000xf32, #tpu.memory_space<vmem>>) dst(%dma_wait3A_183 : memref<1000xf32, #tpu.memory_space<vmem_shared>>)
        tpu.yield
      }) : () -> ()
      %scan3A_166 = arith.constant 0 : i32
      %scan3A_167 = arith.constant 0 : i32
      %scan3A_168 = arith.constant 25 : i32
      %scan3A_169 = arith.addi %scan3A_167, %scan3A_168 : i32
      %scan3A_170 = arith.constant 1 : i32
      %scan3A_171 = scf.for %scan3A_173 = %scan3A_167 to %scan3A_169 step %scan3A_170 iter_args(%scan3A_174 = %scan3A_166) -> (i32)  : i32 {
        %mul3A_175 = arith.constant 1000 : i32
        %mul3A_176 = arith.muli %arg1, %mul3A_175 : i32
        %dma_wait3A_177 = arith.constant 0 : i32
        %dma_wait3A_178 = arith.constant 0 : i32
        %dma_wait3A_179 = tpu.memref_slice %arg8[%dma_wait3A_177, %dma_wait3A_178] : memref<80x128xf32, #tpu.memory_space<vmem>> -> memref<40x128xf32, #tpu.memory_space<vmem>>
        %dma_wait3A_180 = arith.constant 0 : i32
        %dma_wait3A_181 = tpu.memref_slice %arg13[%mul3A_176, %dma_wait3A_180] : memref<10000x128xf32, #tpu.memory_space<vmem_shared>> -> memref<40x128xf32, #tpu.memory_space<vmem_shared>>
        %dma_wait3A_182 = arith.constant 0 : i32
        %dma_wait3A_183 = tpu.memref_slice %arg13[%mul3A_176, %dma_wait3A_182] : memref<10000x128xf32, #tpu.memory_space<vmem_shared>> -> memref<40x128xf32, #tpu.memory_space<vmem_shared>>
        %dma_wait3A_184 = arith.constant 0 : i32
        %dma_wait3A_185 = arith.constant 0 : i32
        %dma_wait3A_186 = tpu.memref_slice %arg8[%dma_wait3A_184, %dma_wait3A_185] : memref<80x128xf32, #tpu.memory_space<vmem>> -> memref<40x128xf32, #tpu.memory_space<vmem>>
        tpu.wait_dma2 semaphore(%arg18 : memref<!tpu.dma_semaphore, #tpu.memory_space<semaphore_mem>>) src(%dma_wait3A_186 : memref<40x128xf32, #tpu.memory_space<vmem>>) dst(%dma_wait3A_183 : memref<40x128xf32, #tpu.memory_space<vmem_shared>>)
        %scan3A_187 = arith.constant 0 : i32
        scf.yield %scan3A_187 : i32
      }
      %scan3A_172 = arith.constant 25 : i32
    } else {
    }
    %barrier3A = arith.constant 0 : index
    tpu.barrier barrier_id(%barrier3A)
    %run_scoped3A = arith.constant 0 : i32
    "tpu.region"() ({
      %run_scoped3A_157 = tpu.sem_alloc : memref<!tpu.dma_semaphore, #tpu.memory_space<semaphore_mem>>
      %dma_start3A_158 = arith.constant 0 : i32
      %dma_start3A_159 = tpu.memref_slice %arg6[%dma_start3A_158] : memref<2560xi32, #tpu.memory_space<vmem>> -> memref<2560xi32, #tpu.memory_space<vmem>>
      %dma_start3A_160 = arith.constant 0 : i32
      %dma_start3A_161 = tpu.memref_slice %arg3[%run_scoped3A, %add3A, %dma_start3A_160] : memref<2x32x10112xi32, #tpu.memory_space<hbm>> -> memref<1x1x2560xi32, #tpu.memory_space<hbm>>
      %dma_start3A_162 = tpu.memref_squeeze %dma_start3A_161 : memref<1x1x2560xi32, #tpu.memory_space<hbm>> -> memref<2560xi32, #tpu.memory_space<hbm>>
      %dma_start3A_163 = arith.constant 0 : i32
      %dma_start3A_164 = tpu.memref_slice %arg6[%dma_start3A_163] : memref<2560xi32, #tpu.memory_space<vmem>> -> memref<2560xi32, #tpu.memory_space<vmem>>
      %dma_start3A_165 = arith.constant 0 : i32
      %dma_start3A_166 = tpu.memref_slice %arg3[%run_scoped3A, %add3A, %dma_start3A_165] : memref<2x32x10112xi32, #tpu.memory_space<hbm>> -> memref<1x1x2560xi32, #tpu.memory_space<hbm>>
      %dma_start3A_167 = tpu.memref_squeeze %dma_start3A_166 : memref<1x1x2560xi32, #tpu.memory_space<hbm>> -> memref<2560xi32, #tpu.memory_space<hbm>>
      tpu.enqueue_dma source(%dma_start3A_167 : memref<2560xi32, #tpu.memory_space<hbm>>) target(%dma_start3A_164 : memref<2560xi32, #tpu.memory_space<vmem>>) target_semaphore(%run_scoped3A_157 : memref<!tpu.dma_semaphore, #tpu.memory_space<semaphore_mem>>)
      %dma_wait3A_168 = arith.constant 0 : i32
      %dma_wait3A_169 = tpu.memref_slice %arg6[%dma_wait3A_168] : memref<2560xi32, #tpu.memory_space<vmem>> -> memref<2560xi32, #tpu.memory_space<vmem>>
      %dma_wait3A_170 = arith.constant 0 : i32
      %dma_wait3A_171 = tpu.memref_slice %arg3[%run_scoped3A, %add3A, %dma_wait3A_170] : memref<2x32x10112xi32, #tpu.memory_space<hbm>> -> memref<1x1x2560xi32, #tpu.memory_space<hbm>>
      %dma_wait3A_172 = tpu.memref_squeeze %dma_wait3A_171 : memref<1x1x2560xi32, #tpu.memory_space<hbm>> -> memref<2560xi32, #tpu.memory_space<hbm>>
      %dma_wait3A_173 = arith.constant 0 : i32
      %dma_wait3A_174 = tpu.memref_slice %arg6[%dma_wait3A_173] : memref<2560xi32, #tpu.memory_space<vmem>> -> memref<2560xi32, #tpu.memory_space<vmem>>
      %dma_wait3A_175 = arith.constant 0 : i32
      %dma_wait3A_176 = tpu.memref_slice %arg3[%run_scoped3A, %add3A, %dma_wait3A_175] : memref<2x32x10112xi32, #tpu.memory_space<hbm>> -> memref<1x1x2560xi32, #tpu.memory_space<hbm>>
      %dma_wait3A_177 = tpu.memref_squeeze %dma_wait3A_176 : memref<1x1x2560xi32, #tpu.memory_space<hbm>> -> memref<2560xi32, #tpu.memory_space<hbm>>
      tpu.wait_dma2 semaphore(%run_scoped3A_157 : memref<!tpu.dma_semaphore, #tpu.memory_space<semaphore_mem>>) src(%dma_wait3A_177 : memref<2560xi32, #tpu.memory_space<hbm>>) dst(%dma_wait3A_174 : memref<2560xi32, #tpu.memory_space<vmem>>)
      tpu.yield
    }) : () -> ()
    %run_scoped3A_26 = arith.constant 1 : i32
    "tpu.region"() ({
      %run_scoped3A_157 = tpu.sem_alloc : memref<!tpu.dma_semaphore, #tpu.memory_space<semaphore_mem>>
      %dma_start3A_158 = arith.constant 0 : i32
      %dma_start3A_159 = tpu.memref_slice %arg7[%dma_start3A_158] : memref<2560xi32, #tpu.memory_space<vmem>> -> memref<2560xi32, #tpu.memory_space<vmem>>
      %dma_start3A_160 = arith.constant 0 : i32
      %dma_start3A_161 = tpu.memref_slice %arg3[%run_scoped3A_26, %add3A, %dma_start3A_160] : memref<2x32x10112xi32, #tpu.memory_space<hbm>> -> memref<1x1x2560xi32, #tpu.memory_space<hbm>>
      %dma_start3A_162 = tpu.memref_squeeze %dma_start3A_161 : memref<1x1x2560xi32, #tpu.memory_space<hbm>> -> memref<2560xi32, #tpu.memory_space<hbm>>
      %dma_start3A_163 = arith.constant 0 : i32
      %dma_start3A_164 = tpu.memref_slice %arg7[%dma_start3A_163] : memref<2560xi32, #tpu.memory_space<vmem>> -> memref<2560xi32, #tpu.memory_space<vmem>>
      %dma_start3A_165 = arith.constant 0 : i32
      %dma_start3A_166 = tpu.memref_slice %arg3[%run_scoped3A_26, %add3A, %dma_start3A_165] : memref<2x32x10112xi32, #tpu.memory_space<hbm>> -> memref<1x1x2560xi32, #tpu.memory_space<hbm>>
      %dma_start3A_167 = tpu.memref_squeeze %dma_start3A_166 : memref<1x1x2560xi32, #tpu.memory_space<hbm>> -> memref<2560xi32, #tpu.memory_space<hbm>>
      tpu.enqueue_dma source(%dma_start3A_167 : memref<2560xi32, #tpu.memory_space<hbm>>) target(%dma_start3A_164 : memref<2560xi32, #tpu.memory_space<vmem>>) target_semaphore(%run_scoped3A_157 : memref<!tpu.dma_semaphore, #tpu.memory_space<semaphore_mem>>)
      %dma_wait3A_168 = arith.constant 0 : i32
      %dma_wait3A_169 = tpu.memref_slice %arg7[%dma_wait3A_168] : memref<2560xi32, #tpu.memory_space<vmem>> -> memref<2560xi32, #tpu.memory_space<vmem>>
      %dma_wait3A_170 = arith.constant 0 : i32
      %dma_wait3A_171 = tpu.memref_slice %arg3[%run_scoped3A_26, %add3A, %dma_wait3A_170] : memref<2x32x10112xi32, #tpu.memory_space<hbm>> -> memref<1x1x2560xi32, #tpu.memory_space<hbm>>
      %dma_wait3A_172 = tpu.memref_squeeze %dma_wait3A_171 : memref<1x1x2560xi32, #tpu.memory_space<hbm>> -> memref<2560xi32, #tpu.memory_space<hbm>>
      %dma_wait3A_173 = arith.constant 0 : i32
      %dma_wait3A_174 = tpu.memref_slice %arg7[%dma_wait3A_173] : memref<2560xi32, #tpu.memory_space<vmem>> -> memref<2560xi32, #tpu.memory_space<vmem>>
      %dma_wait3A_175 = arith.constant 0 : i32
      %dma_wait3A_176 = tpu.memref_slice %arg3[%run_scoped3A_26, %add3A, %dma_wait3A_175] : memref<2x32x10112xi32, #tpu.memory_space<hbm>> -> memref<1x1x2560xi32, #tpu.memory_space<hbm>>
      %dma_wait3A_177 = tpu.memref_squeeze %dma_wait3A_176 : memref<1x1x2560xi32, #tpu.memory_space<hbm>> -> memref<2560xi32, #tpu.memory_space<hbm>>
      tpu.wait_dma2 semaphore(%run_scoped3A_157 : memref<!tpu.dma_semaphore, #tpu.memory_space<semaphore_mem>>) src(%dma_wait3A_177 : memref<2560xi32, #tpu.memory_space<hbm>>) dst(%dma_wait3A_174 : memref<2560xi32, #tpu.memory_space<vmem>>)
      tpu.yield
    }) : () -> ()
    %dma_start3A = arith.constant 0 : i32
    %dma_start3A_27 = tpu.memref_slice %arg6[%dma_start3A] : memref<2560xi32, #tpu.memory_space<vmem>> -> memref<80xi32, #tpu.memory_space<vmem>>
    %dma_start3A_28 = arith.constant 0 : i32
    %dma_start3A_29 = arith.constant 0 : i32
    %dma_start3A_30 = tpu.memref_slice %arg2[%dma_start3A_28, %dma_start3A_29] : memref<10000x128xf32, #tpu.memory_space<hbm>> -> memref<10000x128xf32, #tpu.memory_space<hbm>>
    tpu.enqueue_indirect_dma source(%dma_start3A_30 : memref<10000x128xf32, #tpu.memory_space<hbm>>) target(%arg8 : memref<80x128xf32, #tpu.memory_space<vmem>>) offsets(%dma_start3A_27 : memref<80xi32, #tpu.memory_space<vmem>>) semaphore(%arg15 : memref<!tpu.dma_semaphore, #tpu.memory_space<semaphore_mem>>)
    %scan3A_31 = arith.constant 0 : i32
    %scan3A_32 = arith.constant 0 : i32
    %scan3A_33 = arith.constant 11 : i32
    %scan3A_34 = arith.addi %scan3A_32, %scan3A_33 : i32
    %scan3A_35 = arith.constant 1 : i32
    %scan3A_36 = scf.for %scan3A_157 = %scan3A_32 to %scan3A_34 step %scan3A_35 iter_args(%scan3A_158 = %scan3A_31) -> (i32)  : i32 {
      %mul3A_159 = arith.constant 3 : i32
      %mul3A_160 = arith.muli %mul3A_159, %scan3A_157 : i32
      %add3A_161 = arith.constant 0 : i32
      %add3A_162 = arith.addi %mul3A_160, %add3A_161 : i32
      %ge3A = arith.constant 2 : i32
      %ge3A_163 = arith.cmpi sge, %add3A_162, %ge3A : i32
      %lt3A_164 = arith.constant 32 : i32
      %lt3A_165 = arith.cmpi slt, %add3A_162, %lt3A_164 : i32
      %and3A = arith.andi %ge3A_163, %lt3A_165 : i1
      %convert_element_type3A_166 = arith.extui %and3A : i1 to i32
      %cond3A_167 = arith.constant 0 : i32
      %cond3A_168 = arith.cmpi ne, %convert_element_type3A_166, %cond3A_167 : i32
      scf.if %cond3A_168 {
        %dma_wait3A_254 = arith.constant 0 : i32
        %dma_wait3A_255 = tpu.memref_slice %arg7[%dma_wait3A_254] : memref<2560xi32, #tpu.memory_space<vmem>> -> memref<80xi32, #tpu.memory_space<vmem>>
        %dma_wait3A_256 = arith.constant 0 : i32
        %dma_wait3A_257 = arith.constant 0 : i32
        %dma_wait3A_258 = tpu.memref_slice %arg13[%dma_wait3A_256, %dma_wait3A_257] : memref<10000x128xf32, #tpu.memory_space<vmem_shared>> -> memref<10000x128xf32, #tpu.memory_space<vmem_shared>>
        tpu.wait_indirect_dma semaphore(%arg19 : memref<!tpu.dma_semaphore, #tpu.memory_space<semaphore_mem>>) src(%arg9 : memref<80x128xf32, #tpu.memory_space<vmem>>) dst(%dma_wait3A_258 : memref<10000x128xf32, #tpu.memory_space<vmem_shared>>)
      } else {
      }
      %add3A_169 = arith.constant 1 : i32
      %add3A_170 = arith.addi %add3A_162, %add3A_169 : i32
      %lt3A_171 = arith.constant 32 : i32
      %lt3A_172 = arith.cmpi slt, %add3A_170, %lt3A_171 : i32
      %convert_element_type3A_173 = arith.extui %lt3A_172 : i1 to i32
      %cond3A_174 = arith.constant 0 : i32
      %cond3A_175 = arith.cmpi ne, %convert_element_type3A_173, %cond3A_174 : i32
      scf.if %cond3A_175 {
        %add3A_254 = arith.constant 1 : i32
        %add3A_255 = arith.addi %add3A_162, %add3A_254 : i32
        %mul3A_256 = arith.constant 80 : i32
        %mul3A_257 = arith.muli %add3A_255, %mul3A_256 : i32
        %dma_start3A_258 = tpu.memref_slice %arg6[%mul3A_257] : memref<2560xi32, #tpu.memory_space<vmem>> -> memref<80xi32, #tpu.memory_space<vmem>>
        %dma_start3A_259 = arith.constant 0 : i32
        %dma_start3A_260 = arith.constant 0 : i32
        %dma_start3A_261 = tpu.memref_slice %arg2[%dma_start3A_259, %dma_start3A_260] : memref<10000x128xf32, #tpu.memory_space<hbm>> -> memref<10000x128xf32, #tpu.memory_space<hbm>>
        tpu.enqueue_indirect_dma source(%dma_start3A_261 : memref<10000x128xf32, #tpu.memory_space<hbm>>) target(%arg9 : memref<80x128xf32, #tpu.memory_space<vmem>>) offsets(%dma_start3A_258 : memref<80xi32, #tpu.memory_space<vmem>>) semaphore(%arg16 : memref<!tpu.dma_semaphore, #tpu.memory_space<semaphore_mem>>)
      } else {
      }
      %lt3A_176 = arith.constant 32 : i32
      %lt3A_177 = arith.cmpi slt, %add3A_162, %lt3A_176 : i32
      %convert_element_type3A_178 = arith.extui %lt3A_177 : i1 to i32
      %cond3A_179 = arith.constant 0 : i32
      %cond3A_180 = arith.cmpi ne, %convert_element_type3A_178, %cond3A_179 : i32
      scf.if %cond3A_180 {
        %dma_wait3A_254 = arith.constant 0 : i32
        %dma_wait3A_255 = tpu.memref_slice %arg6[%dma_wait3A_254] : memref<2560xi32, #tpu.memory_space<vmem>> -> memref<80xi32, #tpu.memory_space<vmem>>
        %dma_wait3A_256 = arith.constant 0 : i32
        %dma_wait3A_257 = arith.constant 0 : i32
        %dma_wait3A_258 = tpu.memref_slice %arg2[%dma_wait3A_256, %dma_wait3A_257] : memref<10000x128xf32, #tpu.memory_space<hbm>> -> memref<10000x128xf32, #tpu.memory_space<hbm>>
        tpu.wait_indirect_dma semaphore(%arg15 : memref<!tpu.dma_semaphore, #tpu.memory_space<semaphore_mem>>) src(%dma_wait3A_258 : memref<10000x128xf32, #tpu.memory_space<hbm>>) dst(%arg8 : memref<80x128xf32, #tpu.memory_space<vmem>>)
        %mul3A_259 = arith.constant 80 : i32
        %mul3A_260 = arith.muli %add3A_162, %mul3A_259 : i32
        %dma_start3A_261 = tpu.memref_slice %arg7[%mul3A_260] : memref<2560xi32, #tpu.memory_space<vmem>> -> memref<80xi32, #tpu.memory_space<vmem>>
        %dma_start3A_262 = arith.constant 0 : i32
        %dma_start3A_263 = tpu.memref_slice %arg14[%dma_start3A_262] : memref<10000xf32, #tpu.memory_space<vmem_shared>> -> memref<10000xf32, #tpu.memory_space<vmem_shared>>
        tpu.enqueue_indirect_dma source(%arg11 : memref<80xf32, #tpu.memory_space<vmem>>) target(%dma_start3A_263 : memref<10000xf32, #tpu.memory_space<vmem_shared>>) offsets(%dma_start3A_261 : memref<80xi32, #tpu.memory_space<vmem>>) semaphore(%arg21 : memref<!tpu.dma_semaphore, #tpu.memory_space<semaphore_mem>>) {add = true}
        %mul3A_264 = arith.constant 80 : i32
        %mul3A_265 = arith.muli %add3A_162, %mul3A_264 : i32
        %dma_start3A_266 = tpu.memref_slice %arg7[%mul3A_265] : memref<2560xi32, #tpu.memory_space<vmem>> -> memref<80xi32, #tpu.memory_space<vmem>>
        %dma_start3A_267 = arith.constant 0 : i32
        %dma_start3A_268 = arith.constant 0 : i32
        %dma_start3A_269 = tpu.memref_slice %arg13[%dma_start3A_267, %dma_start3A_268] : memref<10000x128xf32, #tpu.memory_space<vmem_shared>> -> memref<10000x128xf32, #tpu.memory_space<vmem_shared>>
        tpu.enqueue_indirect_dma source(%arg8 : memref<80x128xf32, #tpu.memory_space<vmem>>) target(%dma_start3A_269 : memref<10000x128xf32, #tpu.memory_space<vmem_shared>>) offsets(%dma_start3A_266 : memref<80xi32, #tpu.memory_space<vmem>>) semaphore(%arg18 : memref<!tpu.dma_semaphore, #tpu.memory_space<semaphore_mem>>) {add = true}
      } else {
      }
      %ge3A_181 = arith.constant 2 : i32
      %ge3A_182 = arith.cmpi sge, %add3A_162, %ge3A_181 : i32
      %lt3A_183 = arith.constant 32 : i32
      %lt3A_184 = arith.cmpi slt, %add3A_162, %lt3A_183 : i32
      %and3A_185 = arith.andi %ge3A_182, %lt3A_184 : i1
      %convert_element_type3A_186 = arith.extui %and3A_185 : i1 to i32
      %cond3A_187 = arith.constant 0 : i32
      %cond3A_188 = arith.cmpi ne, %convert_element_type3A_186, %cond3A_187 : i32
      scf.if %cond3A_188 {
        %dma_wait3A_254 = arith.constant 0 : i32
        %dma_wait3A_255 = tpu.memref_slice %arg7[%dma_wait3A_254] : memref<2560xi32, #tpu.memory_space<vmem>> -> memref<80xi32, #tpu.memory_space<vmem>>
        %dma_wait3A_256 = arith.constant 0 : i32
        %dma_wait3A_257 = tpu.memref_slice %arg14[%dma_wait3A_256] : memref<10000xf32, #tpu.memory_space<vmem_shared>> -> memref<10000xf32, #tpu.memory_space<vmem_shared>>
        tpu.wait_indirect_dma semaphore(%arg21 : memref<!tpu.dma_semaphore, #tpu.memory_space<semaphore_mem>>) src(%arg11 : memref<80xf32, #tpu.memory_space<vmem>>) dst(%dma_wait3A_257 : memref<10000xf32, #tpu.memory_space<vmem_shared>>)
      } else {
      }
      %mul3A_189 = arith.constant 3 : i32
      %mul3A_190 = arith.muli %mul3A_189, %scan3A_157 : i32
      %add3A_191 = arith.constant 1 : i32
      %add3A_192 = arith.addi %mul3A_190, %add3A_191 : i32
      %ge3A_193 = arith.constant 2 : i32
      %ge3A_194 = arith.cmpi sge, %add3A_192, %ge3A_193 : i32
      %lt3A_195 = arith.constant 32 : i32
      %lt3A_196 = arith.cmpi slt, %add3A_192, %lt3A_195 : i32
      %and3A_197 = arith.andi %ge3A_194, %lt3A_196 : i1
      %convert_element_type3A_198 = arith.extui %and3A_197 : i1 to i32
      %cond3A_199 = arith.constant 0 : i32
      %cond3A_200 = arith.cmpi ne, %convert_element_type3A_198, %cond3A_199 : i32
      scf.if %cond3A_200 {
        %dma_wait3A_254 = arith.constant 0 : i32
        %dma_wait3A_255 = tpu.memref_slice %arg7[%dma_wait3A_254] : memref<2560xi32, #tpu.memory_space<vmem>> -> memref<80xi32, #tpu.memory_space<vmem>>
        %dma_wait3A_256 = arith.constant 0 : i32
        %dma_wait3A_257 = arith.constant 0 : i32
        %dma_wait3A_258 = tpu.memref_slice %arg13[%dma_wait3A_256, %dma_wait3A_257] : memref<10000x128xf32, #tpu.memory_space<vmem_shared>> -> memref<10000x128xf32, #tpu.memory_space<vmem_shared>>
        tpu.wait_indirect_dma semaphore(%arg20 : memref<!tpu.dma_semaphore, #tpu.memory_space<semaphore_mem>>) src(%arg10 : memref<80x128xf32, #tpu.memory_space<vmem>>) dst(%dma_wait3A_258 : memref<10000x128xf32, #tpu.memory_space<vmem_shared>>)
      } else {
      }
      %add3A_201 = arith.constant 1 : i32
      %add3A_202 = arith.addi %add3A_192, %add3A_201 : i32
      %lt3A_203 = arith.constant 32 : i32
      %lt3A_204 = arith.cmpi slt, %add3A_202, %lt3A_203 : i32
      %convert_element_type3A_205 = arith.extui %lt3A_204 : i1 to i32
      %cond3A_206 = arith.constant 0 : i32
      %cond3A_207 = arith.cmpi ne, %convert_element_type3A_205, %cond3A_206 : i32
      scf.if %cond3A_207 {
        %add3A_254 = arith.constant 1 : i32
        %add3A_255 = arith.addi %add3A_192, %add3A_254 : i32
        %mul3A_256 = arith.constant 80 : i32
        %mul3A_257 = arith.muli %add3A_255, %mul3A_256 : i32
        %dma_start3A_258 = tpu.memref_slice %arg6[%mul3A_257] : memref<2560xi32, #tpu.memory_space<vmem>> -> memref<80xi32, #tpu.memory_space<vmem>>
        %dma_start3A_259 = arith.constant 0 : i32
        %dma_start3A_260 = arith.constant 0 : i32
        %dma_start3A_261 = tpu.memref_slice %arg2[%dma_start3A_259, %dma_start3A_260] : memref<10000x128xf32, #tpu.memory_space<hbm>> -> memref<10000x128xf32, #tpu.memory_space<hbm>>
        tpu.enqueue_indirect_dma source(%dma_start3A_261 : memref<10000x128xf32, #tpu.memory_space<hbm>>) target(%arg10 : memref<80x128xf32, #tpu.memory_space<vmem>>) offsets(%dma_start3A_258 : memref<80xi32, #tpu.memory_space<vmem>>) semaphore(%arg17 : memref<!tpu.dma_semaphore, #tpu.memory_space<semaphore_mem>>)
      } else {
      }
      %lt3A_208 = arith.constant 32 : i32
      %lt3A_209 = arith.cmpi slt, %add3A_192, %lt3A_208 : i32
      %convert_element_type3A_210 = arith.extui %lt3A_209 : i1 to i32
      %cond3A_211 = arith.constant 0 : i32
      %cond3A_212 = arith.cmpi ne, %convert_element_type3A_210, %cond3A_211 : i32
      scf.if %cond3A_212 {
        %dma_wait3A_254 = arith.constant 0 : i32
        %dma_wait3A_255 = tpu.memref_slice %arg6[%dma_wait3A_254] : memref<2560xi32, #tpu.memory_space<vmem>> -> memref<80xi32, #tpu.memory_space<vmem>>
        %dma_wait3A_256 = arith.constant 0 : i32
        %dma_wait3A_257 = arith.constant 0 : i32
        %dma_wait3A_258 = tpu.memref_slice %arg2[%dma_wait3A_256, %dma_wait3A_257] : memref<10000x128xf32, #tpu.memory_space<hbm>> -> memref<10000x128xf32, #tpu.memory_space<hbm>>
        tpu.wait_indirect_dma semaphore(%arg16 : memref<!tpu.dma_semaphore, #tpu.memory_space<semaphore_mem>>) src(%dma_wait3A_258 : memref<10000x128xf32, #tpu.memory_space<hbm>>) dst(%arg9 : memref<80x128xf32, #tpu.memory_space<vmem>>)
        %mul3A_259 = arith.constant 80 : i32
        %mul3A_260 = arith.muli %add3A_192, %mul3A_259 : i32
        %dma_start3A_261 = tpu.memref_slice %arg7[%mul3A_260] : memref<2560xi32, #tpu.memory_space<vmem>> -> memref<80xi32, #tpu.memory_space<vmem>>
        %dma_start3A_262 = arith.constant 0 : i32
        %dma_start3A_263 = tpu.memref_slice %arg14[%dma_start3A_262] : memref<10000xf32, #tpu.memory_space<vmem_shared>> -> memref<10000xf32, #tpu.memory_space<vmem_shared>>
        tpu.enqueue_indirect_dma source(%arg11 : memref<80xf32, #tpu.memory_space<vmem>>) target(%dma_start3A_263 : memref<10000xf32, #tpu.memory_space<vmem_shared>>) offsets(%dma_start3A_261 : memref<80xi32, #tpu.memory_space<vmem>>) semaphore(%arg21 : memref<!tpu.dma_semaphore, #tpu.memory_space<semaphore_mem>>) {add = true}
        %mul3A_264 = arith.constant 80 : i32
        %mul3A_265 = arith.muli %add3A_192, %mul3A_264 : i32
        %dma_start3A_266 = tpu.memref_slice %arg7[%mul3A_265] : memref<2560xi32, #tpu.memory_space<vmem>> -> memref<80xi32, #tpu.memory_space<vmem>>
        %dma_start3A_267 = arith.constant 0 : i32
        %dma_start3A_268 = arith.constant 0 : i32
        %dma_start3A_269 = tpu.memref_slice %arg13[%dma_start3A_267, %dma_start3A_268] : memref<10000x128xf32, #tpu.memory_space<vmem_shared>> -> memref<10000x128xf32, #tpu.memory_space<vmem_shared>>
        tpu.enqueue_indirect_dma source(%arg9 : memref<80x128xf32, #tpu.memory_space<vmem>>) target(%dma_start3A_269 : memref<10000x128xf32, #tpu.memory_space<vmem_shared>>) offsets(%dma_start3A_266 : memref<80xi32, #tpu.memory_space<vmem>>) semaphore(%arg19 : memref<!tpu.dma_semaphore, #tpu.memory_space<semaphore_mem>>) {add = true}
      } else {
      }
      %ge3A_213 = arith.constant 2 : i32
      %ge3A_214 = arith.cmpi sge, %add3A_192, %ge3A_213 : i32
      %lt3A_215 = arith.constant 32 : i32
      %lt3A_216 = arith.cmpi slt, %add3A_192, %lt3A_215 : i32
      %and3A_217 = arith.andi %ge3A_214, %lt3A_216 : i1
      %convert_element_type3A_218 = arith.extui %and3A_217 : i1 to i32
      %cond3A_219 = arith.constant 0 : i32
      %cond3A_220 = arith.cmpi ne, %convert_element_type3A_218, %cond3A_219 : i32
      scf.if %cond3A_220 {
        %dma_wait3A_254 = arith.constant 0 : i32
        %dma_wait3A_255 = tpu.memref_slice %arg7[%dma_wait3A_254] : memref<2560xi32, #tpu.memory_space<vmem>> -> memref<80xi32, #tpu.memory_space<vmem>>
        %dma_wait3A_256 = arith.constant 0 : i32
        %dma_wait3A_257 = tpu.memref_slice %arg14[%dma_wait3A_256] : memref<10000xf32, #tpu.memory_space<vmem_shared>> -> memref<10000xf32, #tpu.memory_space<vmem_shared>>
        tpu.wait_indirect_dma semaphore(%arg21 : memref<!tpu.dma_semaphore, #tpu.memory_space<semaphore_mem>>) src(%arg11 : memref<80xf32, #tpu.memory_space<vmem>>) dst(%dma_wait3A_257 : memref<10000xf32, #tpu.memory_space<vmem_shared>>)
      } else {
      }
      %mul3A_221 = arith.constant 3 : i32
      %mul3A_222 = arith.muli %mul3A_221, %scan3A_157 : i32
      %add3A_223 = arith.constant 2 : i32
      %add3A_224 = arith.addi %mul3A_222, %add3A_223 : i32
      %ge3A_225 = arith.constant 2 : i32
      %ge3A_226 = arith.cmpi sge, %add3A_224, %ge3A_225 : i32
      %lt3A_227 = arith.constant 32 : i32
      %lt3A_228 = arith.cmpi slt, %add3A_224, %lt3A_227 : i32
      %and3A_229 = arith.andi %ge3A_226, %lt3A_228 : i1
      %convert_element_type3A_230 = arith.extui %and3A_229 : i1 to i32
      %cond3A_231 = arith.constant 0 : i32
      %cond3A_232 = arith.cmpi ne, %convert_element_type3A_230, %cond3A_231 : i32
      scf.if %cond3A_232 {
        %dma_wait3A_254 = arith.constant 0 : i32
        %dma_wait3A_255 = tpu.memref_slice %arg7[%dma_wait3A_254] : memref<2560xi32, #tpu.memory_space<vmem>> -> memref<80xi32, #tpu.memory_space<vmem>>
        %dma_wait3A_256 = arith.constant 0 : i32
        %dma_wait3A_257 = arith.constant 0 : i32
        %dma_wait3A_258 = tpu.memref_slice %arg13[%dma_wait3A_256, %dma_wait3A_257] : memref<10000x128xf32, #tpu.memory_space<vmem_shared>> -> memref<10000x128xf32, #tpu.memory_space<vmem_shared>>
        tpu.wait_indirect_dma semaphore(%arg18 : memref<!tpu.dma_semaphore, #tpu.memory_space<semaphore_mem>>) src(%arg8 : memref<80x128xf32, #tpu.memory_space<vmem>>) dst(%dma_wait3A_258 : memref<10000x128xf32, #tpu.memory_space<vmem_shared>>)
      } else {
      }
      %add3A_233 = arith.constant 1 : i32
      %add3A_234 = arith.addi %add3A_224, %add3A_233 : i32
      %lt3A_235 = arith.constant 32 : i32
      %lt3A_236 = arith.cmpi slt, %add3A_234, %lt3A_235 : i32
      %convert_element_type3A_237 = arith.extui %lt3A_236 : i1 to i32
      %cond3A_238 = arith.constant 0 : i32
      %cond3A_239 = arith.cmpi ne, %convert_element_type3A_237, %cond3A_238 : i32
      scf.if %cond3A_239 {
        %add3A_254 = arith.constant 1 : i32
        %add3A_255 = arith.addi %add3A_224, %add3A_254 : i32
        %mul3A_256 = arith.constant 80 : i32
        %mul3A_257 = arith.muli %add3A_255, %mul3A_256 : i32
        %dma_start3A_258 = tpu.memref_slice %arg6[%mul3A_257] : memref<2560xi32, #tpu.memory_space<vmem>> -> memref<80xi32, #tpu.memory_space<vmem>>
        %dma_start3A_259 = arith.constant 0 : i32
        %dma_start3A_260 = arith.constant 0 : i32
        %dma_start3A_261 = tpu.memref_slice %arg2[%dma_start3A_259, %dma_start3A_260] : memref<10000x128xf32, #tpu.memory_space<hbm>> -> memref<10000x128xf32, #tpu.memory_space<hbm>>
        tpu.enqueue_indirect_dma source(%dma_start3A_261 : memref<10000x128xf32, #tpu.memory_space<hbm>>) target(%arg8 : memref<80x128xf32, #tpu.memory_space<vmem>>) offsets(%dma_start3A_258 : memref<80xi32, #tpu.memory_space<vmem>>) semaphore(%arg15 : memref<!tpu.dma_semaphore, #tpu.memory_space<semaphore_mem>>)
      } else {
      }
      %lt3A_240 = arith.constant 32 : i32
      %lt3A_241 = arith.cmpi slt, %add3A_224, %lt3A_240 : i32
      %convert_element_type3A_242 = arith.extui %lt3A_241 : i1 to i32
      %cond3A_243 = arith.constant 0 : i32
      %cond3A_244 = arith.cmpi ne, %convert_element_type3A_242, %cond3A_243 : i32
      scf.if %cond3A_244 {
        %dma_wait3A_254 = arith.constant 0 : i32
        %dma_wait3A_255 = tpu.memref_slice %arg6[%dma_wait3A_254] : memref<2560xi32, #tpu.memory_space<vmem>> -> memref<80xi32, #tpu.memory_space<vmem>>
        %dma_wait3A_256 = arith.constant 0 : i32
        %dma_wait3A_257 = arith.constant 0 : i32
        %dma_wait3A_258 = tpu.memref_slice %arg2[%dma_wait3A_256, %dma_wait3A_257] : memref<10000x128xf32, #tpu.memory_space<hbm>> -> memref<10000x128xf32, #tpu.memory_space<hbm>>
        tpu.wait_indirect_dma semaphore(%arg17 : memref<!tpu.dma_semaphore, #tpu.memory_space<semaphore_mem>>) src(%dma_wait3A_258 : memref<10000x128xf32, #tpu.memory_space<hbm>>) dst(%arg10 : memref<80x128xf32, #tpu.memory_space<vmem>>)
        %mul3A_259 = arith.constant 80 : i32
        %mul3A_260 = arith.muli %add3A_224, %mul3A_259 : i32
        %dma_start3A_261 = tpu.memref_slice %arg7[%mul3A_260] : memref<2560xi32, #tpu.memory_space<vmem>> -> memref<80xi32, #tpu.memory_space<vmem>>
        %dma_start3A_262 = arith.constant 0 : i32
        %dma_start3A_263 = tpu.memref_slice %arg14[%dma_start3A_262] : memref<10000xf32, #tpu.memory_space<vmem_shared>> -> memref<10000xf32, #tpu.memory_space<vmem_shared>>
        tpu.enqueue_indirect_dma source(%arg11 : memref<80xf32, #tpu.memory_space<vmem>>) target(%dma_start3A_263 : memref<10000xf32, #tpu.memory_space<vmem_shared>>) offsets(%dma_start3A_261 : memref<80xi32, #tpu.memory_space<vmem>>) semaphore(%arg21 : memref<!tpu.dma_semaphore, #tpu.memory_space<semaphore_mem>>) {add = true}
        %mul3A_264 = arith.constant 80 : i32
        %mul3A_265 = arith.muli %add3A_224, %mul3A_264 : i32
        %dma_start3A_266 = tpu.memref_slice %arg7[%mul3A_265] : memref<2560xi32, #tpu.memory_space<vmem>> -> memref<80xi32, #tpu.memory_space<vmem>>
        %dma_start3A_267 = arith.constant 0 : i32
        %dma_start3A_268 = arith.constant 0 : i32
        %dma_start3A_269 = tpu.memref_slice %arg13[%dma_start3A_267, %dma_start3A_268] : memref<10000x128xf32, #tpu.memory_space<vmem_shared>> -> memref<10000x128xf32, #tpu.memory_space<vmem_shared>>
        tpu.enqueue_indirect_dma source(%arg10 : memref<80x128xf32, #tpu.memory_space<vmem>>) target(%dma_start3A_269 : memref<10000x128xf32, #tpu.memory_space<vmem_shared>>) offsets(%dma_start3A_266 : memref<80xi32, #tpu.memory_space<vmem>>) semaphore(%arg20 : memref<!tpu.dma_semaphore, #tpu.memory_space<semaphore_mem>>) {add = true}
      } else {
      }
      %ge3A_245 = arith.constant 2 : i32
      %ge3A_246 = arith.cmpi sge, %add3A_224, %ge3A_245 : i32
      %lt3A_247 = arith.constant 32 : i32
      %lt3A_248 = arith.cmpi slt, %add3A_224, %lt3A_247 : i32
      %and3A_249 = arith.andi %ge3A_246, %lt3A_248 : i1
      %convert_element_type3A_250 = arith.extui %and3A_249 : i1 to i32
      %cond3A_251 = arith.constant 0 : i32
      %cond3A_252 = arith.cmpi ne, %convert_element_type3A_250, %cond3A_251 : i32
      scf.if %cond3A_252 {
        %dma_wait3A_254 = arith.constant 0 : i32
        %dma_wait3A_255 = tpu.memref_slice %arg7[%dma_wait3A_254] : memref<2560xi32, #tpu.memory_space<vmem>> -> memref<80xi32, #tpu.memory_space<vmem>>
        %dma_wait3A_256 = arith.constant 0 : i32
        %dma_wait3A_257 = tpu.memref_slice %arg14[%dma_wait3A_256] : memref<10000xf32, #tpu.memory_space<vmem_shared>> -> memref<10000xf32, #tpu.memory_space<vmem_shared>>
        tpu.wait_indirect_dma semaphore(%arg21 : memref<!tpu.dma_semaphore, #tpu.memory_space<semaphore_mem>>) src(%arg11 : memref<80xf32, #tpu.memory_space<vmem>>) dst(%dma_wait3A_257 : memref<10000xf32, #tpu.memory_space<vmem_shared>>)
      } else {
      }
      %scan3A_253 = arith.constant 0 : i32
      scf.yield %scan3A_253 : i32
    }
    %scan3A_37 = arith.constant 11 : i32
    %dma_wait3A = arith.constant 0 : i32
    %dma_wait3A_38 = tpu.memref_slice %arg7[%dma_wait3A] : memref<2560xi32, #tpu.memory_space<vmem>> -> memref<80xi32, #tpu.memory_space<vmem>>
    %dma_wait3A_39 = arith.constant 0 : i32
    %dma_wait3A_40 = arith.constant 0 : i32
    %dma_wait3A_41 = tpu.memref_slice %arg13[%dma_wait3A_39, %dma_wait3A_40] : memref<10000x128xf32, #tpu.memory_space<vmem_shared>> -> memref<10000x128xf32, #tpu.memory_space<vmem_shared>>
    tpu.wait_indirect_dma semaphore(%arg18 : memref<!tpu.dma_semaphore, #tpu.memory_space<semaphore_mem>>) src(%arg8 : memref<80x128xf32, #tpu.memory_space<vmem>>) dst(%dma_wait3A_41 : memref<10000x128xf32, #tpu.memory_space<vmem_shared>>)
    %dma_wait3A_42 = arith.constant 0 : i32
    %dma_wait3A_43 = tpu.memref_slice %arg7[%dma_wait3A_42] : memref<2560xi32, #tpu.memory_space<vmem>> -> memref<80xi32, #tpu.memory_space<vmem>>
    %dma_wait3A_44 = arith.constant 0 : i32
    %dma_wait3A_45 = tpu.memref_slice %arg14[%dma_wait3A_44] : memref<10000xf32, #tpu.memory_space<vmem_shared>> -> memref<10000xf32, #tpu.memory_space<vmem_shared>>
    tpu.wait_indirect_dma semaphore(%arg21 : memref<!tpu.dma_semaphore, #tpu.memory_space<semaphore_mem>>) src(%arg11 : memref<80xf32, #tpu.memory_space<vmem>>) dst(%dma_wait3A_45 : memref<10000xf32, #tpu.memory_space<vmem_shared>>)
    %dma_wait3A_46 = arith.constant 0 : i32
    %dma_wait3A_47 = tpu.memref_slice %arg7[%dma_wait3A_46] : memref<2560xi32, #tpu.memory_space<vmem>> -> memref<80xi32, #tpu.memory_space<vmem>>
    %dma_wait3A_48 = arith.constant 0 : i32
    %dma_wait3A_49 = arith.constant 0 : i32
    %dma_wait3A_50 = tpu.memref_slice %arg13[%dma_wait3A_48, %dma_wait3A_49] : memref<10000x128xf32, #tpu.memory_space<vmem_shared>> -> memref<10000x128xf32, #tpu.memory_space<vmem_shared>>
    tpu.wait_indirect_dma semaphore(%arg19 : memref<!tpu.dma_semaphore, #tpu.memory_space<semaphore_mem>>) src(%arg9 : memref<80x128xf32, #tpu.memory_space<vmem>>) dst(%dma_wait3A_50 : memref<10000x128xf32, #tpu.memory_space<vmem_shared>>)
    %dma_wait3A_51 = arith.constant 0 : i32
    %dma_wait3A_52 = tpu.memref_slice %arg7[%dma_wait3A_51] : memref<2560xi32, #tpu.memory_space<vmem>> -> memref<80xi32, #tpu.memory_space<vmem>>
    %dma_wait3A_53 = arith.constant 0 : i32
    %dma_wait3A_54 = tpu.memref_slice %arg14[%dma_wait3A_53] : memref<10000xf32, #tpu.memory_space<vmem_shared>> -> memref<10000xf32, #tpu.memory_space<vmem_shared>>
    tpu.wait_indirect_dma semaphore(%arg21 : memref<!tpu.dma_semaphore, #tpu.memory_space<semaphore_mem>>) src(%arg11 : memref<80xf32, #tpu.memory_space<vmem>>) dst(%dma_wait3A_54 : memref<10000xf32, #tpu.memory_space<vmem_shared>>)
    %run_scoped3A_55 = arith.constant 0 : i32
    "tpu.region"() ({
      %run_scoped3A_157 = tpu.sem_alloc : memref<!tpu.dma_semaphore, #tpu.memory_space<semaphore_mem>>
      %dma_start3A_158 = arith.constant 0 : i32
      %dma_start3A_159 = tpu.memref_slice %arg6[%dma_start3A_158] : memref<2560xi32, #tpu.memory_space<vmem>> -> memref<2560xi32, #tpu.memory_space<vmem>>
      %dma_start3A_160 = arith.constant 2560 : i32
      %dma_start3A_161 = tpu.memref_slice %arg3[%run_scoped3A_55, %add3A, %dma_start3A_160] : memref<2x32x10112xi32, #tpu.memory_space<hbm>> -> memref<1x1x2560xi32, #tpu.memory_space<hbm>>
      %dma_start3A_162 = tpu.memref_squeeze %dma_start3A_161 : memref<1x1x2560xi32, #tpu.memory_space<hbm>> -> memref<2560xi32, #tpu.memory_space<hbm>>
      %dma_start3A_163 = arith.constant 0 : i32
      %dma_start3A_164 = tpu.memref_slice %arg6[%dma_start3A_163] : memref<2560xi32, #tpu.memory_space<vmem>> -> memref<2560xi32, #tpu.memory_space<vmem>>
      %dma_start3A_165 = arith.constant 2560 : i32
      %dma_start3A_166 = tpu.memref_slice %arg3[%run_scoped3A_55, %add3A, %dma_start3A_165] : memref<2x32x10112xi32, #tpu.memory_space<hbm>> -> memref<1x1x2560xi32, #tpu.memory_space<hbm>>
      %dma_start3A_167 = tpu.memref_squeeze %dma_start3A_166 : memref<1x1x2560xi32, #tpu.memory_space<hbm>> -> memref<2560xi32, #tpu.memory_space<hbm>>
      tpu.enqueue_dma source(%dma_start3A_167 : memref<2560xi32, #tpu.memory_space<hbm>>) target(%dma_start3A_164 : memref<2560xi32, #tpu.memory_space<vmem>>) target_semaphore(%run_scoped3A_157 : memref<!tpu.dma_semaphore, #tpu.memory_space<semaphore_mem>>)
      %dma_wait3A_168 = arith.constant 0 : i32
      %dma_wait3A_169 = tpu.memref_slice %arg6[%dma_wait3A_168] : memref<2560xi32, #tpu.memory_space<vmem>> -> memref<2560xi32, #tpu.memory_space<vmem>>
      %dma_wait3A_170 = arith.constant 2560 : i32
      %dma_wait3A_171 = tpu.memref_slice %arg3[%run_scoped3A_55, %add3A, %dma_wait3A_170] : memref<2x32x10112xi32, #tpu.memory_space<hbm>> -> memref<1x1x2560xi32, #tpu.memory_space<hbm>>
      %dma_wait3A_172 = tpu.memref_squeeze %dma_wait3A_171 : memref<1x1x2560xi32, #tpu.memory_space<hbm>> -> memref<2560xi32, #tpu.memory_space<hbm>>
      %dma_wait3A_173 = arith.constant 0 : i32
      %dma_wait3A_174 = tpu.memref_slice %arg6[%dma_wait3A_173] : memref<2560xi32, #tpu.memory_space<vmem>> -> memref<2560xi32, #tpu.memory_space<vmem>>
      %dma_wait3A_175 = arith.constant 2560 : i32
      %dma_wait3A_176 = tpu.memref_slice %arg3[%run_scoped3A_55, %add3A, %dma_wait3A_175] : memref<2x32x10112xi32, #tpu.memory_space<hbm>> -> memref<1x1x2560xi32, #tpu.memory_space<hbm>>
      %dma_wait3A_177 = tpu.memref_squeeze %dma_wait3A_176 : memref<1x1x2560xi32, #tpu.memory_space<hbm>> -> memref<2560xi32, #tpu.memory_space<hbm>>
      tpu.wait_dma2 semaphore(%run_scoped3A_157 : memref<!tpu.dma_semaphore, #tpu.memory_space<semaphore_mem>>) src(%dma_wait3A_177 : memref<2560xi32, #tpu.memory_space<hbm>>) dst(%dma_wait3A_174 : memref<2560xi32, #tpu.memory_space<vmem>>)
      tpu.yield
    }) : () -> ()
    %run_scoped3A_56 = arith.constant 1 : i32
    "tpu.region"() ({
      %run_scoped3A_157 = tpu.sem_alloc : memref<!tpu.dma_semaphore, #tpu.memory_space<semaphore_mem>>
      %dma_start3A_158 = arith.constant 0 : i32
      %dma_start3A_159 = tpu.memref_slice %arg7[%dma_start3A_158] : memref<2560xi32, #tpu.memory_space<vmem>> -> memref<2560xi32, #tpu.memory_space<vmem>>
      %dma_start3A_160 = arith.constant 2560 : i32
      %dma_start3A_161 = tpu.memref_slice %arg3[%run_scoped3A_56, %add3A, %dma_start3A_160] : memref<2x32x10112xi32, #tpu.memory_space<hbm>> -> memref<1x1x2560xi32, #tpu.memory_space<hbm>>
      %dma_start3A_162 = tpu.memref_squeeze %dma_start3A_161 : memref<1x1x2560xi32, #tpu.memory_space<hbm>> -> memref<2560xi32, #tpu.memory_space<hbm>>
      %dma_start3A_163 = arith.constant 0 : i32
      %dma_start3A_164 = tpu.memref_slice %arg7[%dma_start3A_163] : memref<2560xi32, #tpu.memory_space<vmem>> -> memref<2560xi32, #tpu.memory_space<vmem>>
      %dma_start3A_165 = arith.constant 2560 : i32
      %dma_start3A_166 = tpu.memref_slice %arg3[%run_scoped3A_56, %add3A, %dma_start3A_165] : memref<2x32x10112xi32, #tpu.memory_space<hbm>> -> memref<1x1x2560xi32, #tpu.memory_space<hbm>>
      %dma_start3A_167 = tpu.memref_squeeze %dma_start3A_166 : memref<1x1x2560xi32, #tpu.memory_space<hbm>> -> memref<2560xi32, #tpu.memory_space<hbm>>
      tpu.enqueue_dma source(%dma_start3A_167 : memref<2560xi32, #tpu.memory_space<hbm>>) target(%dma_start3A_164 : memref<2560xi32, #tpu.memory_space<vmem>>) target_semaphore(%run_scoped3A_157 : memref<!tpu.dma_semaphore, #tpu.memory_space<semaphore_mem>>)
      %dma_wait3A_168 = arith.constant 0 : i32
      %dma_wait3A_169 = tpu.memref_slice %arg7[%dma_wait3A_168] : memref<2560xi32, #tpu.memory_space<vmem>> -> memref<2560xi32, #tpu.memory_space<vmem>>
      %dma_wait3A_170 = arith.constant 2560 : i32
      %dma_wait3A_171 = tpu.memref_slice %arg3[%run_scoped3A_56, %add3A, %dma_wait3A_170] : memref<2x32x10112xi32, #tpu.memory_space<hbm>> -> memref<1x1x2560xi32, #tpu.memory_space<hbm>>
      %dma_wait3A_172 = tpu.memref_squeeze %dma_wait3A_171 : memref<1x1x2560xi32, #tpu.memory_space<hbm>> -> memref<2560xi32, #tpu.memory_space<hbm>>
      %dma_wait3A_173 = arith.constant 0 : i32
      %dma_wait3A_174 = tpu.memref_slice %arg7[%dma_wait3A_173] : memref<2560xi32, #tpu.memory_space<vmem>> -> memref<2560xi32, #tpu.memory_space<vmem>>
      %dma_wait3A_175 = arith.constant 2560 : i32
      %dma_wait3A_176 = tpu.memref_slice %arg3[%run_scoped3A_56, %add3A, %dma_wait3A_175] : memref<2x32x10112xi32, #tpu.memory_space<hbm>> -> memref<1x1x2560xi32, #tpu.memory_space<hbm>>
      %dma_wait3A_177 = tpu.memref_squeeze %dma_wait3A_176 : memref<1x1x2560xi32, #tpu.memory_space<hbm>> -> memref<2560xi32, #tpu.memory_space<hbm>>
      tpu.wait_dma2 semaphore(%run_scoped3A_157 : memref<!tpu.dma_semaphore, #tpu.memory_space<semaphore_mem>>) src(%dma_wait3A_177 : memref<2560xi32, #tpu.memory_space<hbm>>) dst(%dma_wait3A_174 : memref<2560xi32, #tpu.memory_space<vmem>>)
      tpu.yield
    }) : () -> ()
    %dma_start3A_57 = arith.constant 0 : i32
    %dma_start3A_58 = tpu.memref_slice %arg6[%dma_start3A_57] : memref<2560xi32, #tpu.memory_space<vmem>> -> memref<80xi32, #tpu.memory_space<vmem>>
    %dma_start3A_59 = arith.constant 0 : i32
    %dma_start3A_60 = arith.constant 0 : i32
    %dma_start3A_61 = tpu.memref_slice %arg2[%dma_start3A_59, %dma_start3A_60] : memref<10000x128xf32, #tpu.memory_space<hbm>> -> memref<10000x128xf32, #tpu.memory_space<hbm>>
    tpu.enqueue_indirect_dma source(%dma_start3A_61 : memref<10000x128xf32, #tpu.memory_space<hbm>>) target(%arg8 : memref<80x128xf32, #tpu.memory_space<vmem>>) offsets(%dma_start3A_58 : memref<80xi32, #tpu.memory_space<vmem>>) semaphore(%arg15 : memref<!tpu.dma_semaphore, #tpu.memory_space<semaphore_mem>>)
    %scan3A_62 = arith.constant 0 : i32
    %scan3A_63 = arith.constant 0 : i32
    %scan3A_64 = arith.constant 11 : i32
    %scan3A_65 = arith.addi %scan3A_63, %scan3A_64 : i32
    %scan3A_66 = arith.constant 1 : i32
    %scan3A_67 = scf.for %scan3A_157 = %scan3A_63 to %scan3A_65 step %scan3A_66 iter_args(%scan3A_158 = %scan3A_62) -> (i32)  : i32 {
      %mul3A_159 = arith.constant 3 : i32
      %mul3A_160 = arith.muli %mul3A_159, %scan3A_157 : i32
      %add3A_161 = arith.constant 0 : i32
      %add3A_162 = arith.addi %mul3A_160, %add3A_161 : i32
      %ge3A = arith.constant 2 : i32
      %ge3A_163 = arith.cmpi sge, %add3A_162, %ge3A : i32
      %lt3A_164 = arith.constant 32 : i32
      %lt3A_165 = arith.cmpi slt, %add3A_162, %lt3A_164 : i32
      %and3A = arith.andi %ge3A_163, %lt3A_165 : i1
      %convert_element_type3A_166 = arith.extui %and3A : i1 to i32
      %cond3A_167 = arith.constant 0 : i32
      %cond3A_168 = arith.cmpi ne, %convert_element_type3A_166, %cond3A_167 : i32
      scf.if %cond3A_168 {
        %dma_wait3A_254 = arith.constant 0 : i32
        %dma_wait3A_255 = tpu.memref_slice %arg7[%dma_wait3A_254] : memref<2560xi32, #tpu.memory_space<vmem>> -> memref<80xi32, #tpu.memory_space<vmem>>
        %dma_wait3A_256 = arith.constant 0 : i32
        %dma_wait3A_257 = arith.constant 0 : i32
        %dma_wait3A_258 = tpu.memref_slice %arg13[%dma_wait3A_256, %dma_wait3A_257] : memref<10000x128xf32, #tpu.memory_space<vmem_shared>> -> memref<10000x128xf32, #tpu.memory_space<vmem_shared>>
        tpu.wait_indirect_dma semaphore(%arg19 : memref<!tpu.dma_semaphore, #tpu.memory_space<semaphore_mem>>) src(%arg9 : memref<80x128xf32, #tpu.memory_space<vmem>>) dst(%dma_wait3A_258 : memref<10000x128xf32, #tpu.memory_space<vmem_shared>>)
      } else {
      }
      %add3A_169 = arith.constant 1 : i32
      %add3A_170 = arith.addi %add3A_162, %add3A_169 : i32
      %lt3A_171 = arith.constant 32 : i32
      %lt3A_172 = arith.cmpi slt, %add3A_170, %lt3A_171 : i32
      %convert_element_type3A_173 = arith.extui %lt3A_172 : i1 to i32
      %cond3A_174 = arith.constant 0 : i32
      %cond3A_175 = arith.cmpi ne, %convert_element_type3A_173, %cond3A_174 : i32
      scf.if %cond3A_175 {
        %add3A_254 = arith.constant 1 : i32
        %add3A_255 = arith.addi %add3A_162, %add3A_254 : i32
        %mul3A_256 = arith.constant 80 : i32
        %mul3A_257 = arith.muli %add3A_255, %mul3A_256 : i32
        %dma_start3A_258 = tpu.memref_slice %arg6[%mul3A_257] : memref<2560xi32, #tpu.memory_space<vmem>> -> memref<80xi32, #tpu.memory_space<vmem>>
        %dma_start3A_259 = arith.constant 0 : i32
        %dma_start3A_260 = arith.constant 0 : i32
        %dma_start3A_261 = tpu.memref_slice %arg2[%dma_start3A_259, %dma_start3A_260] : memref<10000x128xf32, #tpu.memory_space<hbm>> -> memref<10000x128xf32, #tpu.memory_space<hbm>>
        tpu.enqueue_indirect_dma source(%dma_start3A_261 : memref<10000x128xf32, #tpu.memory_space<hbm>>) target(%arg9 : memref<80x128xf32, #tpu.memory_space<vmem>>) offsets(%dma_start3A_258 : memref<80xi32, #tpu.memory_space<vmem>>) semaphore(%arg16 : memref<!tpu.dma_semaphore, #tpu.memory_space<semaphore_mem>>)
      } else {
      }
      %lt3A_176 = arith.constant 32 : i32
      %lt3A_177 = arith.cmpi slt, %add3A_162, %lt3A_176 : i32
      %convert_element_type3A_178 = arith.extui %lt3A_177 : i1 to i32
      %cond3A_179 = arith.constant 0 : i32
      %cond3A_180 = arith.cmpi ne, %convert_element_type3A_178, %cond3A_179 : i32
      scf.if %cond3A_180 {
        %dma_wait3A_254 = arith.constant 0 : i32
        %dma_wait3A_255 = tpu.memref_slice %arg6[%dma_wait3A_254] : memref<2560xi32, #tpu.memory_space<vmem>> -> memref<80xi32, #tpu.memory_space<vmem>>
        %dma_wait3A_256 = arith.constant 0 : i32
        %dma_wait3A_257 = arith.constant 0 : i32
        %dma_wait3A_258 = tpu.memref_slice %arg2[%dma_wait3A_256, %dma_wait3A_257] : memref<10000x128xf32, #tpu.memory_space<hbm>> -> memref<10000x128xf32, #tpu.memory_space<hbm>>
        tpu.wait_indirect_dma semaphore(%arg15 : memref<!tpu.dma_semaphore, #tpu.memory_space<semaphore_mem>>) src(%dma_wait3A_258 : memref<10000x128xf32, #tpu.memory_space<hbm>>) dst(%arg8 : memref<80x128xf32, #tpu.memory_space<vmem>>)
        %mul3A_259 = arith.constant 80 : i32
        %mul3A_260 = arith.muli %add3A_162, %mul3A_259 : i32
        %dma_start3A_261 = tpu.memref_slice %arg7[%mul3A_260] : memref<2560xi32, #tpu.memory_space<vmem>> -> memref<80xi32, #tpu.memory_space<vmem>>
        %dma_start3A_262 = arith.constant 0 : i32
        %dma_start3A_263 = tpu.memref_slice %arg14[%dma_start3A_262] : memref<10000xf32, #tpu.memory_space<vmem_shared>> -> memref<10000xf32, #tpu.memory_space<vmem_shared>>
        tpu.enqueue_indirect_dma source(%arg11 : memref<80xf32, #tpu.memory_space<vmem>>) target(%dma_start3A_263 : memref<10000xf32, #tpu.memory_space<vmem_shared>>) offsets(%dma_start3A_261 : memref<80xi32, #tpu.memory_space<vmem>>) semaphore(%arg21 : memref<!tpu.dma_semaphore, #tpu.memory_space<semaphore_mem>>) {add = true}
        %mul3A_264 = arith.constant 80 : i32
        %mul3A_265 = arith.muli %add3A_162, %mul3A_264 : i32
        %dma_start3A_266 = tpu.memref_slice %arg7[%mul3A_265] : memref<2560xi32, #tpu.memory_space<vmem>> -> memref<80xi32, #tpu.memory_space<vmem>>
        %dma_start3A_267 = arith.constant 0 : i32
        %dma_start3A_268 = arith.constant 0 : i32
        %dma_start3A_269 = tpu.memref_slice %arg13[%dma_start3A_267, %dma_start3A_268] : memref<10000x128xf32, #tpu.memory_space<vmem_shared>> -> memref<10000x128xf32, #tpu.memory_space<vmem_shared>>
        tpu.enqueue_indirect_dma source(%arg8 : memref<80x128xf32, #tpu.memory_space<vmem>>) target(%dma_start3A_269 : memref<10000x128xf32, #tpu.memory_space<vmem_shared>>) offsets(%dma_start3A_266 : memref<80xi32, #tpu.memory_space<vmem>>) semaphore(%arg18 : memref<!tpu.dma_semaphore, #tpu.memory_space<semaphore_mem>>) {add = true}
      } else {
      }
      %ge3A_181 = arith.constant 2 : i32
      %ge3A_182 = arith.cmpi sge, %add3A_162, %ge3A_181 : i32
      %lt3A_183 = arith.constant 32 : i32
      %lt3A_184 = arith.cmpi slt, %add3A_162, %lt3A_183 : i32
      %and3A_185 = arith.andi %ge3A_182, %lt3A_184 : i1
      %convert_element_type3A_186 = arith.extui %and3A_185 : i1 to i32
      %cond3A_187 = arith.constant 0 : i32
      %cond3A_188 = arith.cmpi ne, %convert_element_type3A_186, %cond3A_187 : i32
      scf.if %cond3A_188 {
        %dma_wait3A_254 = arith.constant 0 : i32
        %dma_wait3A_255 = tpu.memref_slice %arg7[%dma_wait3A_254] : memref<2560xi32, #tpu.memory_space<vmem>> -> memref<80xi32, #tpu.memory_space<vmem>>
        %dma_wait3A_256 = arith.constant 0 : i32
        %dma_wait3A_257 = tpu.memref_slice %arg14[%dma_wait3A_256] : memref<10000xf32, #tpu.memory_space<vmem_shared>> -> memref<10000xf32, #tpu.memory_space<vmem_shared>>
        tpu.wait_indirect_dma semaphore(%arg21 : memref<!tpu.dma_semaphore, #tpu.memory_space<semaphore_mem>>) src(%arg11 : memref<80xf32, #tpu.memory_space<vmem>>) dst(%dma_wait3A_257 : memref<10000xf32, #tpu.memory_space<vmem_shared>>)
      } else {
      }
      %mul3A_189 = arith.constant 3 : i32
      %mul3A_190 = arith.muli %mul3A_189, %scan3A_157 : i32
      %add3A_191 = arith.constant 1 : i32
      %add3A_192 = arith.addi %mul3A_190, %add3A_191 : i32
      %ge3A_193 = arith.constant 2 : i32
      %ge3A_194 = arith.cmpi sge, %add3A_192, %ge3A_193 : i32
      %lt3A_195 = arith.constant 32 : i32
      %lt3A_196 = arith.cmpi slt, %add3A_192, %lt3A_195 : i32
      %and3A_197 = arith.andi %ge3A_194, %lt3A_196 : i1
      %convert_element_type3A_198 = arith.extui %and3A_197 : i1 to i32
      %cond3A_199 = arith.constant 0 : i32
      %cond3A_200 = arith.cmpi ne, %convert_element_type3A_198, %cond3A_199 : i32
      scf.if %cond3A_200 {
        %dma_wait3A_254 = arith.constant 0 : i32
        %dma_wait3A_255 = tpu.memref_slice %arg7[%dma_wait3A_254] : memref<2560xi32, #tpu.memory_space<vmem>> -> memref<80xi32, #tpu.memory_space<vmem>>
        %dma_wait3A_256 = arith.constant 0 : i32
        %dma_wait3A_257 = arith.constant 0 : i32
        %dma_wait3A_258 = tpu.memref_slice %arg13[%dma_wait3A_256, %dma_wait3A_257] : memref<10000x128xf32, #tpu.memory_space<vmem_shared>> -> memref<10000x128xf32, #tpu.memory_space<vmem_shared>>
        tpu.wait_indirect_dma semaphore(%arg20 : memref<!tpu.dma_semaphore, #tpu.memory_space<semaphore_mem>>) src(%arg10 : memref<80x128xf32, #tpu.memory_space<vmem>>) dst(%dma_wait3A_258 : memref<10000x128xf32, #tpu.memory_space<vmem_shared>>)
      } else {
      }
      %add3A_201 = arith.constant 1 : i32
      %add3A_202 = arith.addi %add3A_192, %add3A_201 : i32
      %lt3A_203 = arith.constant 32 : i32
      %lt3A_204 = arith.cmpi slt, %add3A_202, %lt3A_203 : i32
      %convert_element_type3A_205 = arith.extui %lt3A_204 : i1 to i32
      %cond3A_206 = arith.constant 0 : i32
      %cond3A_207 = arith.cmpi ne, %convert_element_type3A_205, %cond3A_206 : i32
      scf.if %cond3A_207 {
        %add3A_254 = arith.constant 1 : i32
        %add3A_255 = arith.addi %add3A_192, %add3A_254 : i32
        %mul3A_256 = arith.constant 80 : i32
        %mul3A_257 = arith.muli %add3A_255, %mul3A_256 : i32
        %dma_start3A_258 = tpu.memref_slice %arg6[%mul3A_257] : memref<2560xi32, #tpu.memory_space<vmem>> -> memref<80xi32, #tpu.memory_space<vmem>>
        %dma_start3A_259 = arith.constant 0 : i32
        %dma_start3A_260 = arith.constant 0 : i32
        %dma_start3A_261 = tpu.memref_slice %arg2[%dma_start3A_259, %dma_start3A_260] : memref<10000x128xf32, #tpu.memory_space<hbm>> -> memref<10000x128xf32, #tpu.memory_space<hbm>>
        tpu.enqueue_indirect_dma source(%dma_start3A_261 : memref<10000x128xf32, #tpu.memory_space<hbm>>) target(%arg10 : memref<80x128xf32, #tpu.memory_space<vmem>>) offsets(%dma_start3A_258 : memref<80xi32, #tpu.memory_space<vmem>>) semaphore(%arg17 : memref<!tpu.dma_semaphore, #tpu.memory_space<semaphore_mem>>)
      } else {
      }
      %lt3A_208 = arith.constant 32 : i32
      %lt3A_209 = arith.cmpi slt, %add3A_192, %lt3A_208 : i32
      %convert_element_type3A_210 = arith.extui %lt3A_209 : i1 to i32
      %cond3A_211 = arith.constant 0 : i32
      %cond3A_212 = arith.cmpi ne, %convert_element_type3A_210, %cond3A_211 : i32
      scf.if %cond3A_212 {
        %dma_wait3A_254 = arith.constant 0 : i32
        %dma_wait3A_255 = tpu.memref_slice %arg6[%dma_wait3A_254] : memref<2560xi32, #tpu.memory_space<vmem>> -> memref<80xi32, #tpu.memory_space<vmem>>
        %dma_wait3A_256 = arith.constant 0 : i32
        %dma_wait3A_257 = arith.constant 0 : i32
        %dma_wait3A_258 = tpu.memref_slice %arg2[%dma_wait3A_256, %dma_wait3A_257] : memref<10000x128xf32, #tpu.memory_space<hbm>> -> memref<10000x128xf32, #tpu.memory_space<hbm>>
        tpu.wait_indirect_dma semaphore(%arg16 : memref<!tpu.dma_semaphore, #tpu.memory_space<semaphore_mem>>) src(%dma_wait3A_258 : memref<10000x128xf32, #tpu.memory_space<hbm>>) dst(%arg9 : memref<80x128xf32, #tpu.memory_space<vmem>>)
        %mul3A_259 = arith.constant 80 : i32
        %mul3A_260 = arith.muli %add3A_192, %mul3A_259 : i32
        %dma_start3A_261 = tpu.memref_slice %arg7[%mul3A_260] : memref<2560xi32, #tpu.memory_space<vmem>> -> memref<80xi32, #tpu.memory_space<vmem>>
        %dma_start3A_262 = arith.constant 0 : i32
        %dma_start3A_263 = tpu.memref_slice %arg14[%dma_start3A_262] : memref<10000xf32, #tpu.memory_space<vmem_shared>> -> memref<10000xf32, #tpu.memory_space<vmem_shared>>
        tpu.enqueue_indirect_dma source(%arg11 : memref<80xf32, #tpu.memory_space<vmem>>) target(%dma_start3A_263 : memref<10000xf32, #tpu.memory_space<vmem_shared>>) offsets(%dma_start3A_261 : memref<80xi32, #tpu.memory_space<vmem>>) semaphore(%arg21 : memref<!tpu.dma_semaphore, #tpu.memory_space<semaphore_mem>>) {add = true}
        %mul3A_264 = arith.constant 80 : i32
        %mul3A_265 = arith.muli %add3A_192, %mul3A_264 : i32
        %dma_start3A_266 = tpu.memref_slice %arg7[%mul3A_265] : memref<2560xi32, #tpu.memory_space<vmem>> -> memref<80xi32, #tpu.memory_space<vmem>>
        %dma_start3A_267 = arith.constant 0 : i32
        %dma_start3A_268 = arith.constant 0 : i32
        %dma_start3A_269 = tpu.memref_slice %arg13[%dma_start3A_267, %dma_start3A_268] : memref<10000x128xf32, #tpu.memory_space<vmem_shared>> -> memref<10000x128xf32, #tpu.memory_space<vmem_shared>>
        tpu.enqueue_indirect_dma source(%arg9 : memref<80x128xf32, #tpu.memory_space<vmem>>) target(%dma_start3A_269 : memref<10000x128xf32, #tpu.memory_space<vmem_shared>>) offsets(%dma_start3A_266 : memref<80xi32, #tpu.memory_space<vmem>>) semaphore(%arg19 : memref<!tpu.dma_semaphore, #tpu.memory_space<semaphore_mem>>) {add = true}
      } else {
      }
      %ge3A_213 = arith.constant 2 : i32
      %ge3A_214 = arith.cmpi sge, %add3A_192, %ge3A_213 : i32
      %lt3A_215 = arith.constant 32 : i32
      %lt3A_216 = arith.cmpi slt, %add3A_192, %lt3A_215 : i32
      %and3A_217 = arith.andi %ge3A_214, %lt3A_216 : i1
      %convert_element_type3A_218 = arith.extui %and3A_217 : i1 to i32
      %cond3A_219 = arith.constant 0 : i32
      %cond3A_220 = arith.cmpi ne, %convert_element_type3A_218, %cond3A_219 : i32
      scf.if %cond3A_220 {
        %dma_wait3A_254 = arith.constant 0 : i32
        %dma_wait3A_255 = tpu.memref_slice %arg7[%dma_wait3A_254] : memref<2560xi32, #tpu.memory_space<vmem>> -> memref<80xi32, #tpu.memory_space<vmem>>
        %dma_wait3A_256 = arith.constant 0 : i32
        %dma_wait3A_257 = tpu.memref_slice %arg14[%dma_wait3A_256] : memref<10000xf32, #tpu.memory_space<vmem_shared>> -> memref<10000xf32, #tpu.memory_space<vmem_shared>>
        tpu.wait_indirect_dma semaphore(%arg21 : memref<!tpu.dma_semaphore, #tpu.memory_space<semaphore_mem>>) src(%arg11 : memref<80xf32, #tpu.memory_space<vmem>>) dst(%dma_wait3A_257 : memref<10000xf32, #tpu.memory_space<vmem_shared>>)
      } else {
      }
      %mul3A_221 = arith.constant 3 : i32
      %mul3A_222 = arith.muli %mul3A_221, %scan3A_157 : i32
      %add3A_223 = arith.constant 2 : i32
      %add3A_224 = arith.addi %mul3A_222, %add3A_223 : i32
      %ge3A_225 = arith.constant 2 : i32
      %ge3A_226 = arith.cmpi sge, %add3A_224, %ge3A_225 : i32
      %lt3A_227 = arith.constant 32 : i32
      %lt3A_228 = arith.cmpi slt, %add3A_224, %lt3A_227 : i32
      %and3A_229 = arith.andi %ge3A_226, %lt3A_228 : i1
      %convert_element_type3A_230 = arith.extui %and3A_229 : i1 to i32
      %cond3A_231 = arith.constant 0 : i32
      %cond3A_232 = arith.cmpi ne, %convert_element_type3A_230, %cond3A_231 : i32
      scf.if %cond3A_232 {
        %dma_wait3A_254 = arith.constant 0 : i32
        %dma_wait3A_255 = tpu.memref_slice %arg7[%dma_wait3A_254] : memref<2560xi32, #tpu.memory_space<vmem>> -> memref<80xi32, #tpu.memory_space<vmem>>
        %dma_wait3A_256 = arith.constant 0 : i32
        %dma_wait3A_257 = arith.constant 0 : i32
        %dma_wait3A_258 = tpu.memref_slice %arg13[%dma_wait3A_256, %dma_wait3A_257] : memref<10000x128xf32, #tpu.memory_space<vmem_shared>> -> memref<10000x128xf32, #tpu.memory_space<vmem_shared>>
        tpu.wait_indirect_dma semaphore(%arg18 : memref<!tpu.dma_semaphore, #tpu.memory_space<semaphore_mem>>) src(%arg8 : memref<80x128xf32, #tpu.memory_space<vmem>>) dst(%dma_wait3A_258 : memref<10000x128xf32, #tpu.memory_space<vmem_shared>>)
      } else {
      }
      %add3A_233 = arith.constant 1 : i32
      %add3A_234 = arith.addi %add3A_224, %add3A_233 : i32
      %lt3A_235 = arith.constant 32 : i32
      %lt3A_236 = arith.cmpi slt, %add3A_234, %lt3A_235 : i32
      %convert_element_type3A_237 = arith.extui %lt3A_236 : i1 to i32
      %cond3A_238 = arith.constant 0 : i32
      %cond3A_239 = arith.cmpi ne, %convert_element_type3A_237, %cond3A_238 : i32
      scf.if %cond3A_239 {
        %add3A_254 = arith.constant 1 : i32
        %add3A_255 = arith.addi %add3A_224, %add3A_254 : i32
        %mul3A_256 = arith.constant 80 : i32
        %mul3A_257 = arith.muli %add3A_255, %mul3A_256 : i32
        %dma_start3A_258 = tpu.memref_slice %arg6[%mul3A_257] : memref<2560xi32, #tpu.memory_space<vmem>> -> memref<80xi32, #tpu.memory_space<vmem>>
        %dma_start3A_259 = arith.constant 0 : i32
        %dma_start3A_260 = arith.constant 0 : i32
        %dma_start3A_261 = tpu.memref_slice %arg2[%dma_start3A_259, %dma_start3A_260] : memref<10000x128xf32, #tpu.memory_space<hbm>> -> memref<10000x128xf32, #tpu.memory_space<hbm>>
        tpu.enqueue_indirect_dma source(%dma_start3A_261 : memref<10000x128xf32, #tpu.memory_space<hbm>>) target(%arg8 : memref<80x128xf32, #tpu.memory_space<vmem>>) offsets(%dma_start3A_258 : memref<80xi32, #tpu.memory_space<vmem>>) semaphore(%arg15 : memref<!tpu.dma_semaphore, #tpu.memory_space<semaphore_mem>>)
      } else {
      }
      %lt3A_240 = arith.constant 32 : i32
      %lt3A_241 = arith.cmpi slt, %add3A_224, %lt3A_240 : i32
      %convert_element_type3A_242 = arith.extui %lt3A_241 : i1 to i32
      %cond3A_243 = arith.constant 0 : i32
      %cond3A_244 = arith.cmpi ne, %convert_element_type3A_242, %cond3A_243 : i32
      scf.if %cond3A_244 {
        %dma_wait3A_254 = arith.constant 0 : i32
        %dma_wait3A_255 = tpu.memref_slice %arg6[%dma_wait3A_254] : memref<2560xi32, #tpu.memory_space<vmem>> -> memref<80xi32, #tpu.memory_space<vmem>>
        %dma_wait3A_256 = arith.constant 0 : i32
        %dma_wait3A_257 = arith.constant 0 : i32
        %dma_wait3A_258 = tpu.memref_slice %arg2[%dma_wait3A_256, %dma_wait3A_257] : memref<10000x128xf32, #tpu.memory_space<hbm>> -> memref<10000x128xf32, #tpu.memory_space<hbm>>
        tpu.wait_indirect_dma semaphore(%arg17 : memref<!tpu.dma_semaphore, #tpu.memory_space<semaphore_mem>>) src(%dma_wait3A_258 : memref<10000x128xf32, #tpu.memory_space<hbm>>) dst(%arg10 : memref<80x128xf32, #tpu.memory_space<vmem>>)
        %mul3A_259 = arith.constant 80 : i32
        %mul3A_260 = arith.muli %add3A_224, %mul3A_259 : i32
        %dma_start3A_261 = tpu.memref_slice %arg7[%mul3A_260] : memref<2560xi32, #tpu.memory_space<vmem>> -> memref<80xi32, #tpu.memory_space<vmem>>
        %dma_start3A_262 = arith.constant 0 : i32
        %dma_start3A_263 = tpu.memref_slice %arg14[%dma_start3A_262] : memref<10000xf32, #tpu.memory_space<vmem_shared>> -> memref<10000xf32, #tpu.memory_space<vmem_shared>>
        tpu.enqueue_indirect_dma source(%arg11 : memref<80xf32, #tpu.memory_space<vmem>>) target(%dma_start3A_263 : memref<10000xf32, #tpu.memory_space<vmem_shared>>) offsets(%dma_start3A_261 : memref<80xi32, #tpu.memory_space<vmem>>) semaphore(%arg21 : memref<!tpu.dma_semaphore, #tpu.memory_space<semaphore_mem>>) {add = true}
        %mul3A_264 = arith.constant 80 : i32
        %mul3A_265 = arith.muli %add3A_224, %mul3A_264 : i32
        %dma_start3A_266 = tpu.memref_slice %arg7[%mul3A_265] : memref<2560xi32, #tpu.memory_space<vmem>> -> memref<80xi32, #tpu.memory_space<vmem>>
        %dma_start3A_267 = arith.constant 0 : i32
        %dma_start3A_268 = arith.constant 0 : i32
        %dma_start3A_269 = tpu.memref_slice %arg13[%dma_start3A_267, %dma_start3A_268] : memref<10000x128xf32, #tpu.memory_space<vmem_shared>> -> memref<10000x128xf32, #tpu.memory_space<vmem_shared>>
        tpu.enqueue_indirect_dma source(%arg10 : memref<80x128xf32, #tpu.memory_space<vmem>>) target(%dma_start3A_269 : memref<10000x128xf32, #tpu.memory_space<vmem_shared>>) offsets(%dma_start3A_266 : memref<80xi32, #tpu.memory_space<vmem>>) semaphore(%arg20 : memref<!tpu.dma_semaphore, #tpu.memory_space<semaphore_mem>>) {add = true}
      } else {
      }
      %ge3A_245 = arith.constant 2 : i32
      %ge3A_246 = arith.cmpi sge, %add3A_224, %ge3A_245 : i32
      %lt3A_247 = arith.constant 32 : i32
      %lt3A_248 = arith.cmpi slt, %add3A_224, %lt3A_247 : i32
      %and3A_249 = arith.andi %ge3A_246, %lt3A_248 : i1
      %convert_element_type3A_250 = arith.extui %and3A_249 : i1 to i32
      %cond3A_251 = arith.constant 0 : i32
      %cond3A_252 = arith.cmpi ne, %convert_element_type3A_250, %cond3A_251 : i32
      scf.if %cond3A_252 {
        %dma_wait3A_254 = arith.constant 0 : i32
        %dma_wait3A_255 = tpu.memref_slice %arg7[%dma_wait3A_254] : memref<2560xi32, #tpu.memory_space<vmem>> -> memref<80xi32, #tpu.memory_space<vmem>>
        %dma_wait3A_256 = arith.constant 0 : i32
        %dma_wait3A_257 = tpu.memref_slice %arg14[%dma_wait3A_256] : memref<10000xf32, #tpu.memory_space<vmem_shared>> -> memref<10000xf32, #tpu.memory_space<vmem_shared>>
        tpu.wait_indirect_dma semaphore(%arg21 : memref<!tpu.dma_semaphore, #tpu.memory_space<semaphore_mem>>) src(%arg11 : memref<80xf32, #tpu.memory_space<vmem>>) dst(%dma_wait3A_257 : memref<10000xf32, #tpu.memory_space<vmem_shared>>)
      } else {
      }
      %scan3A_253 = arith.constant 0 : i32
      scf.yield %scan3A_253 : i32
    }
    %scan3A_68 = arith.constant 11 : i32
    %dma_wait3A_69 = arith.constant 0 : i32
    %dma_wait3A_70 = tpu.memref_slice %arg7[%dma_wait3A_69] : memref<2560xi32, #tpu.memory_space<vmem>> -> memref<80xi32, #tpu.memory_space<vmem>>
    %dma_wait3A_71 = arith.constant 0 : i32
    %dma_wait3A_72 = arith.constant 0 : i32
    %dma_wait3A_73 = tpu.memref_slice %arg13[%dma_wait3A_71, %dma_wait3A_72] : memref<10000x128xf32, #tpu.memory_space<vmem_shared>> -> memref<10000x128xf32, #tpu.memory_space<vmem_shared>>
    tpu.wait_indirect_dma semaphore(%arg18 : memref<!tpu.dma_semaphore, #tpu.memory_space<semaphore_mem>>) src(%arg8 : memref<80x128xf32, #tpu.memory_space<vmem>>) dst(%dma_wait3A_73 : memref<10000x128xf32, #tpu.memory_space<vmem_shared>>)
    %dma_wait3A_74 = arith.constant 0 : i32
    %dma_wait3A_75 = tpu.memref_slice %arg7[%dma_wait3A_74] : memref<2560xi32, #tpu.memory_space<vmem>> -> memref<80xi32, #tpu.memory_space<vmem>>
    %dma_wait3A_76 = arith.constant 0 : i32
    %dma_wait3A_77 = tpu.memref_slice %arg14[%dma_wait3A_76] : memref<10000xf32, #tpu.memory_space<vmem_shared>> -> memref<10000xf32, #tpu.memory_space<vmem_shared>>
    tpu.wait_indirect_dma semaphore(%arg21 : memref<!tpu.dma_semaphore, #tpu.memory_space<semaphore_mem>>) src(%arg11 : memref<80xf32, #tpu.memory_space<vmem>>) dst(%dma_wait3A_77 : memref<10000xf32, #tpu.memory_space<vmem_shared>>)
    %dma_wait3A_78 = arith.constant 0 : i32
    %dma_wait3A_79 = tpu.memref_slice %arg7[%dma_wait3A_78] : memref<2560xi32, #tpu.memory_space<vmem>> -> memref<80xi32, #tpu.memory_space<vmem>>
    %dma_wait3A_80 = arith.constant 0 : i32
    %dma_wait3A_81 = arith.constant 0 : i32
    %dma_wait3A_82 = tpu.memref_slice %arg13[%dma_wait3A_80, %dma_wait3A_81] : memref<10000x128xf32, #tpu.memory_space<vmem_shared>> -> memref<10000x128xf32, #tpu.memory_space<vmem_shared>>
    tpu.wait_indirect_dma semaphore(%arg19 : memref<!tpu.dma_semaphore, #tpu.memory_space<semaphore_mem>>) src(%arg9 : memref<80x128xf32, #tpu.memory_space<vmem>>) dst(%dma_wait3A_82 : memref<10000x128xf32, #tpu.memory_space<vmem_shared>>)
    %dma_wait3A_83 = arith.constant 0 : i32
    %dma_wait3A_84 = tpu.memref_slice %arg7[%dma_wait3A_83] : memref<2560xi32, #tpu.memory_space<vmem>> -> memref<80xi32, #tpu.memory_space<vmem>>
    %dma_wait3A_85 = arith.constant 0 : i32
    %dma_wait3A_86 = tpu.memref_slice %arg14[%dma_wait3A_85] : memref<10000xf32, #tpu.memory_space<vmem_shared>> -> memref<10000xf32, #tpu.memory_space<vmem_shared>>
    tpu.wait_indirect_dma semaphore(%arg21 : memref<!tpu.dma_semaphore, #tpu.memory_space<semaphore_mem>>) src(%arg11 : memref<80xf32, #tpu.memory_space<vmem>>) dst(%dma_wait3A_86 : memref<10000xf32, #tpu.memory_space<vmem_shared>>)
    %run_scoped3A_87 = arith.constant 0 : i32
    "tpu.region"() ({
      %run_scoped3A_157 = tpu.sem_alloc : memref<!tpu.dma_semaphore, #tpu.memory_space<semaphore_mem>>
      %dma_start3A_158 = arith.constant 0 : i32
      %dma_start3A_159 = tpu.memref_slice %arg6[%dma_start3A_158] : memref<2560xi32, #tpu.memory_space<vmem>> -> memref<2560xi32, #tpu.memory_space<vmem>>
      %dma_start3A_160 = arith.constant 5120 : i32
      %dma_start3A_161 = tpu.memref_slice %arg3[%run_scoped3A_87, %add3A, %dma_start3A_160] : memref<2x32x10112xi32, #tpu.memory_space<hbm>> -> memref<1x1x2560xi32, #tpu.memory_space<hbm>>
      %dma_start3A_162 = tpu.memref_squeeze %dma_start3A_161 : memref<1x1x2560xi32, #tpu.memory_space<hbm>> -> memref<2560xi32, #tpu.memory_space<hbm>>
      %dma_start3A_163 = arith.constant 0 : i32
      %dma_start3A_164 = tpu.memref_slice %arg6[%dma_start3A_163] : memref<2560xi32, #tpu.memory_space<vmem>> -> memref<2560xi32, #tpu.memory_space<vmem>>
      %dma_start3A_165 = arith.constant 5120 : i32
      %dma_start3A_166 = tpu.memref_slice %arg3[%run_scoped3A_87, %add3A, %dma_start3A_165] : memref<2x32x10112xi32, #tpu.memory_space<hbm>> -> memref<1x1x2560xi32, #tpu.memory_space<hbm>>
      %dma_start3A_167 = tpu.memref_squeeze %dma_start3A_166 : memref<1x1x2560xi32, #tpu.memory_space<hbm>> -> memref<2560xi32, #tpu.memory_space<hbm>>
      tpu.enqueue_dma source(%dma_start3A_167 : memref<2560xi32, #tpu.memory_space<hbm>>) target(%dma_start3A_164 : memref<2560xi32, #tpu.memory_space<vmem>>) target_semaphore(%run_scoped3A_157 : memref<!tpu.dma_semaphore, #tpu.memory_space<semaphore_mem>>)
      %dma_wait3A_168 = arith.constant 0 : i32
      %dma_wait3A_169 = tpu.memref_slice %arg6[%dma_wait3A_168] : memref<2560xi32, #tpu.memory_space<vmem>> -> memref<2560xi32, #tpu.memory_space<vmem>>
      %dma_wait3A_170 = arith.constant 5120 : i32
      %dma_wait3A_171 = tpu.memref_slice %arg3[%run_scoped3A_87, %add3A, %dma_wait3A_170] : memref<2x32x10112xi32, #tpu.memory_space<hbm>> -> memref<1x1x2560xi32, #tpu.memory_space<hbm>>
      %dma_wait3A_172 = tpu.memref_squeeze %dma_wait3A_171 : memref<1x1x2560xi32, #tpu.memory_space<hbm>> -> memref<2560xi32, #tpu.memory_space<hbm>>
      %dma_wait3A_173 = arith.constant 0 : i32
      %dma_wait3A_174 = tpu.memref_slice %arg6[%dma_wait3A_173] : memref<2560xi32, #tpu.memory_space<vmem>> -> memref<2560xi32, #tpu.memory_space<vmem>>
      %dma_wait3A_175 = arith.constant 5120 : i32
      %dma_wait3A_176 = tpu.memref_slice %arg3[%run_scoped3A_87, %add3A, %dma_wait3A_175] : memref<2x32x10112xi32, #tpu.memory_space<hbm>> -> memref<1x1x2560xi32, #tpu.memory_space<hbm>>
      %dma_wait3A_177 = tpu.memref_squeeze %dma_wait3A_176 : memref<1x1x2560xi32, #tpu.memory_space<hbm>> -> memref<2560xi32, #tpu.memory_space<hbm>>
      tpu.wait_dma2 semaphore(%run_scoped3A_157 : memref<!tpu.dma_semaphore, #tpu.memory_space<semaphore_mem>>) src(%dma_wait3A_177 : memref<2560xi32, #tpu.memory_space<hbm>>) dst(%dma_wait3A_174 : memref<2560xi32, #tpu.memory_space<vmem>>)
      tpu.yield
    }) : () -> ()
    %run_scoped3A_88 = arith.constant 1 : i32
    "tpu.region"() ({
      %run_scoped3A_157 = tpu.sem_alloc : memref<!tpu.dma_semaphore, #tpu.memory_space<semaphore_mem>>
      %dma_start3A_158 = arith.constant 0 : i32
      %dma_start3A_159 = tpu.memref_slice %arg7[%dma_start3A_158] : memref<2560xi32, #tpu.memory_space<vmem>> -> memref<2560xi32, #tpu.memory_space<vmem>>
      %dma_start3A_160 = arith.constant 5120 : i32
      %dma_start3A_161 = tpu.memref_slice %arg3[%run_scoped3A_88, %add3A, %dma_start3A_160] : memref<2x32x10112xi32, #tpu.memory_space<hbm>> -> memref<1x1x2560xi32, #tpu.memory_space<hbm>>
      %dma_start3A_162 = tpu.memref_squeeze %dma_start3A_161 : memref<1x1x2560xi32, #tpu.memory_space<hbm>> -> memref<2560xi32, #tpu.memory_space<hbm>>
      %dma_start3A_163 = arith.constant 0 : i32
      %dma_start3A_164 = tpu.memref_slice %arg7[%dma_start3A_163] : memref<2560xi32, #tpu.memory_space<vmem>> -> memref<2560xi32, #tpu.memory_space<vmem>>
      %dma_start3A_165 = arith.constant 5120 : i32
      %dma_start3A_166 = tpu.memref_slice %arg3[%run_scoped3A_88, %add3A, %dma_start3A_165] : memref<2x32x10112xi32, #tpu.memory_space<hbm>> -> memref<1x1x2560xi32, #tpu.memory_space<hbm>>
      %dma_start3A_167 = tpu.memref_squeeze %dma_start3A_166 : memref<1x1x2560xi32, #tpu.memory_space<hbm>> -> memref<2560xi32, #tpu.memory_space<hbm>>
      tpu.enqueue_dma source(%dma_start3A_167 : memref<2560xi32, #tpu.memory_space<hbm>>) target(%dma_start3A_164 : memref<2560xi32, #tpu.memory_space<vmem>>) target_semaphore(%run_scoped3A_157 : memref<!tpu.dma_semaphore, #tpu.memory_space<semaphore_mem>>)
      %dma_wait3A_168 = arith.constant 0 : i32
      %dma_wait3A_169 = tpu.memref_slice %arg7[%dma_wait3A_168] : memref<2560xi32, #tpu.memory_space<vmem>> -> memref<2560xi32, #tpu.memory_space<vmem>>
      %dma_wait3A_170 = arith.constant 5120 : i32
      %dma_wait3A_171 = tpu.memref_slice %arg3[%run_scoped3A_88, %add3A, %dma_wait3A_170] : memref<2x32x10112xi32, #tpu.memory_space<hbm>> -> memref<1x1x2560xi32, #tpu.memory_space<hbm>>
      %dma_wait3A_172 = tpu.memref_squeeze %dma_wait3A_171 : memref<1x1x2560xi32, #tpu.memory_space<hbm>> -> memref<2560xi32, #tpu.memory_space<hbm>>
      %dma_wait3A_173 = arith.constant 0 : i32
      %dma_wait3A_174 = tpu.memref_slice %arg7[%dma_wait3A_173] : memref<2560xi32, #tpu.memory_space<vmem>> -> memref<2560xi32, #tpu.memory_space<vmem>>
      %dma_wait3A_175 = arith.constant 5120 : i32
      %dma_wait3A_176 = tpu.memref_slice %arg3[%run_scoped3A_88, %add3A, %dma_wait3A_175] : memref<2x32x10112xi32, #tpu.memory_space<hbm>> -> memref<1x1x2560xi32, #tpu.memory_space<hbm>>
      %dma_wait3A_177 = tpu.memref_squeeze %dma_wait3A_176 : memref<1x1x2560xi32, #tpu.memory_space<hbm>> -> memref<2560xi32, #tpu.memory_space<hbm>>
      tpu.wait_dma2 semaphore(%run_scoped3A_157 : memref<!tpu.dma_semaphore, #tpu.memory_space<semaphore_mem>>) src(%dma_wait3A_177 : memref<2560xi32, #tpu.memory_space<hbm>>) dst(%dma_wait3A_174 : memref<2560xi32, #tpu.memory_space<vmem>>)
      tpu.yield
    }) : () -> ()
    %dma_start3A_89 = arith.constant 0 : i32
    %dma_start3A_90 = tpu.memref_slice %arg6[%dma_start3A_89] : memref<2560xi32, #tpu.memory_space<vmem>> -> memref<80xi32, #tpu.memory_space<vmem>>
    %dma_start3A_91 = arith.constant 0 : i32
    %dma_start3A_92 = arith.constant 0 : i32
    %dma_start3A_93 = tpu.memref_slice %arg2[%dma_start3A_91, %dma_start3A_92] : memref<10000x128xf32, #tpu.memory_space<hbm>> -> memref<10000x128xf32, #tpu.memory_space<hbm>>
    tpu.enqueue_indirect_dma source(%dma_start3A_93 : memref<10000x128xf32, #tpu.memory_space<hbm>>) target(%arg8 : memref<80x128xf32, #tpu.memory_space<vmem>>) offsets(%dma_start3A_90 : memref<80xi32, #tpu.memory_space<vmem>>) semaphore(%arg15 : memref<!tpu.dma_semaphore, #tpu.memory_space<semaphore_mem>>)
    %scan3A_94 = arith.constant 0 : i32
    %scan3A_95 = arith.constant 0 : i32
    %scan3A_96 = arith.constant 11 : i32
    %scan3A_97 = arith.addi %scan3A_95, %scan3A_96 : i32
    %scan3A_98 = arith.constant 1 : i32
    %scan3A_99 = scf.for %scan3A_157 = %scan3A_95 to %scan3A_97 step %scan3A_98 iter_args(%scan3A_158 = %scan3A_94) -> (i32)  : i32 {
      %mul3A_159 = arith.constant 3 : i32
      %mul3A_160 = arith.muli %mul3A_159, %scan3A_157 : i32
      %add3A_161 = arith.constant 0 : i32
      %add3A_162 = arith.addi %mul3A_160, %add3A_161 : i32
      %ge3A = arith.constant 2 : i32
      %ge3A_163 = arith.cmpi sge, %add3A_162, %ge3A : i32
      %lt3A_164 = arith.constant 32 : i32
      %lt3A_165 = arith.cmpi slt, %add3A_162, %lt3A_164 : i32
      %and3A = arith.andi %ge3A_163, %lt3A_165 : i1
      %convert_element_type3A_166 = arith.extui %and3A : i1 to i32
      %cond3A_167 = arith.constant 0 : i32
      %cond3A_168 = arith.cmpi ne, %convert_element_type3A_166, %cond3A_167 : i32
      scf.if %cond3A_168 {
        %dma_wait3A_254 = arith.constant 0 : i32
        %dma_wait3A_255 = tpu.memref_slice %arg7[%dma_wait3A_254] : memref<2560xi32, #tpu.memory_space<vmem>> -> memref<80xi32, #tpu.memory_space<vmem>>
        %dma_wait3A_256 = arith.constant 0 : i32
        %dma_wait3A_257 = arith.constant 0 : i32
        %dma_wait3A_258 = tpu.memref_slice %arg13[%dma_wait3A_256, %dma_wait3A_257] : memref<10000x128xf32, #tpu.memory_space<vmem_shared>> -> memref<10000x128xf32, #tpu.memory_space<vmem_shared>>
        tpu.wait_indirect_dma semaphore(%arg19 : memref<!tpu.dma_semaphore, #tpu.memory_space<semaphore_mem>>) src(%arg9 : memref<80x128xf32, #tpu.memory_space<vmem>>) dst(%dma_wait3A_258 : memref<10000x128xf32, #tpu.memory_space<vmem_shared>>)
      } else {
      }
      %add3A_169 = arith.constant 1 : i32
      %add3A_170 = arith.addi %add3A_162, %add3A_169 : i32
      %lt3A_171 = arith.constant 32 : i32
      %lt3A_172 = arith.cmpi slt, %add3A_170, %lt3A_171 : i32
      %convert_element_type3A_173 = arith.extui %lt3A_172 : i1 to i32
      %cond3A_174 = arith.constant 0 : i32
      %cond3A_175 = arith.cmpi ne, %convert_element_type3A_173, %cond3A_174 : i32
      scf.if %cond3A_175 {
        %add3A_254 = arith.constant 1 : i32
        %add3A_255 = arith.addi %add3A_162, %add3A_254 : i32
        %mul3A_256 = arith.constant 80 : i32
        %mul3A_257 = arith.muli %add3A_255, %mul3A_256 : i32
        %dma_start3A_258 = tpu.memref_slice %arg6[%mul3A_257] : memref<2560xi32, #tpu.memory_space<vmem>> -> memref<80xi32, #tpu.memory_space<vmem>>
        %dma_start3A_259 = arith.constant 0 : i32
        %dma_start3A_260 = arith.constant 0 : i32
        %dma_start3A_261 = tpu.memref_slice %arg2[%dma_start3A_259, %dma_start3A_260] : memref<10000x128xf32, #tpu.memory_space<hbm>> -> memref<10000x128xf32, #tpu.memory_space<hbm>>
        tpu.enqueue_indirect_dma source(%dma_start3A_261 : memref<10000x128xf32, #tpu.memory_space<hbm>>) target(%arg9 : memref<80x128xf32, #tpu.memory_space<vmem>>) offsets(%dma_start3A_258 : memref<80xi32, #tpu.memory_space<vmem>>) semaphore(%arg16 : memref<!tpu.dma_semaphore, #tpu.memory_space<semaphore_mem>>)
      } else {
      }
      %lt3A_176 = arith.constant 32 : i32
      %lt3A_177 = arith.cmpi slt, %add3A_162, %lt3A_176 : i32
      %convert_element_type3A_178 = arith.extui %lt3A_177 : i1 to i32
      %cond3A_179 = arith.constant 0 : i32
      %cond3A_180 = arith.cmpi ne, %convert_element_type3A_178, %cond3A_179 : i32
      scf.if %cond3A_180 {
        %dma_wait3A_254 = arith.constant 0 : i32
        %dma_wait3A_255 = tpu.memref_slice %arg6[%dma_wait3A_254] : memref<2560xi32, #tpu.memory_space<vmem>> -> memref<80xi32, #tpu.memory_space<vmem>>
        %dma_wait3A_256 = arith.constant 0 : i32
        %dma_wait3A_257 = arith.constant 0 : i32
        %dma_wait3A_258 = tpu.memref_slice %arg2[%dma_wait3A_256, %dma_wait3A_257] : memref<10000x128xf32, #tpu.memory_space<hbm>> -> memref<10000x128xf32, #tpu.memory_space<hbm>>
        tpu.wait_indirect_dma semaphore(%arg15 : memref<!tpu.dma_semaphore, #tpu.memory_space<semaphore_mem>>) src(%dma_wait3A_258 : memref<10000x128xf32, #tpu.memory_space<hbm>>) dst(%arg8 : memref<80x128xf32, #tpu.memory_space<vmem>>)
        %mul3A_259 = arith.constant 80 : i32
        %mul3A_260 = arith.muli %add3A_162, %mul3A_259 : i32
        %dma_start3A_261 = tpu.memref_slice %arg7[%mul3A_260] : memref<2560xi32, #tpu.memory_space<vmem>> -> memref<80xi32, #tpu.memory_space<vmem>>
        %dma_start3A_262 = arith.constant 0 : i32
        %dma_start3A_263 = tpu.memref_slice %arg14[%dma_start3A_262] : memref<10000xf32, #tpu.memory_space<vmem_shared>> -> memref<10000xf32, #tpu.memory_space<vmem_shared>>
        tpu.enqueue_indirect_dma source(%arg11 : memref<80xf32, #tpu.memory_space<vmem>>) target(%dma_start3A_263 : memref<10000xf32, #tpu.memory_space<vmem_shared>>) offsets(%dma_start3A_261 : memref<80xi32, #tpu.memory_space<vmem>>) semaphore(%arg21 : memref<!tpu.dma_semaphore, #tpu.memory_space<semaphore_mem>>) {add = true}
        %mul3A_264 = arith.constant 80 : i32
        %mul3A_265 = arith.muli %add3A_162, %mul3A_264 : i32
        %dma_start3A_266 = tpu.memref_slice %arg7[%mul3A_265] : memref<2560xi32, #tpu.memory_space<vmem>> -> memref<80xi32, #tpu.memory_space<vmem>>
        %dma_start3A_267 = arith.constant 0 : i32
        %dma_start3A_268 = arith.constant 0 : i32
        %dma_start3A_269 = tpu.memref_slice %arg13[%dma_start3A_267, %dma_start3A_268] : memref<10000x128xf32, #tpu.memory_space<vmem_shared>> -> memref<10000x128xf32, #tpu.memory_space<vmem_shared>>
        tpu.enqueue_indirect_dma source(%arg8 : memref<80x128xf32, #tpu.memory_space<vmem>>) target(%dma_start3A_269 : memref<10000x128xf32, #tpu.memory_space<vmem_shared>>) offsets(%dma_start3A_266 : memref<80xi32, #tpu.memory_space<vmem>>) semaphore(%arg18 : memref<!tpu.dma_semaphore, #tpu.memory_space<semaphore_mem>>) {add = true}
      } else {
      }
      %ge3A_181 = arith.constant 2 : i32
      %ge3A_182 = arith.cmpi sge, %add3A_162, %ge3A_181 : i32
      %lt3A_183 = arith.constant 32 : i32
      %lt3A_184 = arith.cmpi slt, %add3A_162, %lt3A_183 : i32
      %and3A_185 = arith.andi %ge3A_182, %lt3A_184 : i1
      %convert_element_type3A_186 = arith.extui %and3A_185 : i1 to i32
      %cond3A_187 = arith.constant 0 : i32
      %cond3A_188 = arith.cmpi ne, %convert_element_type3A_186, %cond3A_187 : i32
      scf.if %cond3A_188 {
        %dma_wait3A_254 = arith.constant 0 : i32
        %dma_wait3A_255 = tpu.memref_slice %arg7[%dma_wait3A_254] : memref<2560xi32, #tpu.memory_space<vmem>> -> memref<80xi32, #tpu.memory_space<vmem>>
        %dma_wait3A_256 = arith.constant 0 : i32
        %dma_wait3A_257 = tpu.memref_slice %arg14[%dma_wait3A_256] : memref<10000xf32, #tpu.memory_space<vmem_shared>> -> memref<10000xf32, #tpu.memory_space<vmem_shared>>
        tpu.wait_indirect_dma semaphore(%arg21 : memref<!tpu.dma_semaphore, #tpu.memory_space<semaphore_mem>>) src(%arg11 : memref<80xf32, #tpu.memory_space<vmem>>) dst(%dma_wait3A_257 : memref<10000xf32, #tpu.memory_space<vmem_shared>>)
      } else {
      }
      %mul3A_189 = arith.constant 3 : i32
      %mul3A_190 = arith.muli %mul3A_189, %scan3A_157 : i32
      %add3A_191 = arith.constant 1 : i32
      %add3A_192 = arith.addi %mul3A_190, %add3A_191 : i32
      %ge3A_193 = arith.constant 2 : i32
      %ge3A_194 = arith.cmpi sge, %add3A_192, %ge3A_193 : i32
      %lt3A_195 = arith.constant 32 : i32
      %lt3A_196 = arith.cmpi slt, %add3A_192, %lt3A_195 : i32
      %and3A_197 = arith.andi %ge3A_194, %lt3A_196 : i1
      %convert_element_type3A_198 = arith.extui %and3A_197 : i1 to i32
      %cond3A_199 = arith.constant 0 : i32
      %cond3A_200 = arith.cmpi ne, %convert_element_type3A_198, %cond3A_199 : i32
      scf.if %cond3A_200 {
        %dma_wait3A_254 = arith.constant 0 : i32
        %dma_wait3A_255 = tpu.memref_slice %arg7[%dma_wait3A_254] : memref<2560xi32, #tpu.memory_space<vmem>> -> memref<80xi32, #tpu.memory_space<vmem>>
        %dma_wait3A_256 = arith.constant 0 : i32
        %dma_wait3A_257 = arith.constant 0 : i32
        %dma_wait3A_258 = tpu.memref_slice %arg13[%dma_wait3A_256, %dma_wait3A_257] : memref<10000x128xf32, #tpu.memory_space<vmem_shared>> -> memref<10000x128xf32, #tpu.memory_space<vmem_shared>>
        tpu.wait_indirect_dma semaphore(%arg20 : memref<!tpu.dma_semaphore, #tpu.memory_space<semaphore_mem>>) src(%arg10 : memref<80x128xf32, #tpu.memory_space<vmem>>) dst(%dma_wait3A_258 : memref<10000x128xf32, #tpu.memory_space<vmem_shared>>)
      } else {
      }
      %add3A_201 = arith.constant 1 : i32
      %add3A_202 = arith.addi %add3A_192, %add3A_201 : i32
      %lt3A_203 = arith.constant 32 : i32
      %lt3A_204 = arith.cmpi slt, %add3A_202, %lt3A_203 : i32
      %convert_element_type3A_205 = arith.extui %lt3A_204 : i1 to i32
      %cond3A_206 = arith.constant 0 : i32
      %cond3A_207 = arith.cmpi ne, %convert_element_type3A_205, %cond3A_206 : i32
      scf.if %cond3A_207 {
        %add3A_254 = arith.constant 1 : i32
        %add3A_255 = arith.addi %add3A_192, %add3A_254 : i32
        %mul3A_256 = arith.constant 80 : i32
        %mul3A_257 = arith.muli %add3A_255, %mul3A_256 : i32
        %dma_start3A_258 = tpu.memref_slice %arg6[%mul3A_257] : memref<2560xi32, #tpu.memory_space<vmem>> -> memref<80xi32, #tpu.memory_space<vmem>>
        %dma_start3A_259 = arith.constant 0 : i32
        %dma_start3A_260 = arith.constant 0 : i32
        %dma_start3A_261 = tpu.memref_slice %arg2[%dma_start3A_259, %dma_start3A_260] : memref<10000x128xf32, #tpu.memory_space<hbm>> -> memref<10000x128xf32, #tpu.memory_space<hbm>>
        tpu.enqueue_indirect_dma source(%dma_start3A_261 : memref<10000x128xf32, #tpu.memory_space<hbm>>) target(%arg10 : memref<80x128xf32, #tpu.memory_space<vmem>>) offsets(%dma_start3A_258 : memref<80xi32, #tpu.memory_space<vmem>>) semaphore(%arg17 : memref<!tpu.dma_semaphore, #tpu.memory_space<semaphore_mem>>)
      } else {
      }
      %lt3A_208 = arith.constant 32 : i32
      %lt3A_209 = arith.cmpi slt, %add3A_192, %lt3A_208 : i32
      %convert_element_type3A_210 = arith.extui %lt3A_209 : i1 to i32
      %cond3A_211 = arith.constant 0 : i32
      %cond3A_212 = arith.cmpi ne, %convert_element_type3A_210, %cond3A_211 : i32
      scf.if %cond3A_212 {
        %dma_wait3A_254 = arith.constant 0 : i32
        %dma_wait3A_255 = tpu.memref_slice %arg6[%dma_wait3A_254] : memref<2560xi32, #tpu.memory_space<vmem>> -> memref<80xi32, #tpu.memory_space<vmem>>
        %dma_wait3A_256 = arith.constant 0 : i32
        %dma_wait3A_257 = arith.constant 0 : i32
        %dma_wait3A_258 = tpu.memref_slice %arg2[%dma_wait3A_256, %dma_wait3A_257] : memref<10000x128xf32, #tpu.memory_space<hbm>> -> memref<10000x128xf32, #tpu.memory_space<hbm>>
        tpu.wait_indirect_dma semaphore(%arg16 : memref<!tpu.dma_semaphore, #tpu.memory_space<semaphore_mem>>) src(%dma_wait3A_258 : memref<10000x128xf32, #tpu.memory_space<hbm>>) dst(%arg9 : memref<80x128xf32, #tpu.memory_space<vmem>>)
        %mul3A_259 = arith.constant 80 : i32
        %mul3A_260 = arith.muli %add3A_192, %mul3A_259 : i32
        %dma_start3A_261 = tpu.memref_slice %arg7[%mul3A_260] : memref<2560xi32, #tpu.memory_space<vmem>> -> memref<80xi32, #tpu.memory_space<vmem>>
        %dma_start3A_262 = arith.constant 0 : i32
        %dma_start3A_263 = tpu.memref_slice %arg14[%dma_start3A_262] : memref<10000xf32, #tpu.memory_space<vmem_shared>> -> memref<10000xf32, #tpu.memory_space<vmem_shared>>
        tpu.enqueue_indirect_dma source(%arg11 : memref<80xf32, #tpu.memory_space<vmem>>) target(%dma_start3A_263 : memref<10000xf32, #tpu.memory_space<vmem_shared>>) offsets(%dma_start3A_261 : memref<80xi32, #tpu.memory_space<vmem>>) semaphore(%arg21 : memref<!tpu.dma_semaphore, #tpu.memory_space<semaphore_mem>>) {add = true}
        %mul3A_264 = arith.constant 80 : i32
        %mul3A_265 = arith.muli %add3A_192, %mul3A_264 : i32
        %dma_start3A_266 = tpu.memref_slice %arg7[%mul3A_265] : memref<2560xi32, #tpu.memory_space<vmem>> -> memref<80xi32, #tpu.memory_space<vmem>>
        %dma_start3A_267 = arith.constant 0 : i32
        %dma_start3A_268 = arith.constant 0 : i32
        %dma_start3A_269 = tpu.memref_slice %arg13[%dma_start3A_267, %dma_start3A_268] : memref<10000x128xf32, #tpu.memory_space<vmem_shared>> -> memref<10000x128xf32, #tpu.memory_space<vmem_shared>>
        tpu.enqueue_indirect_dma source(%arg9 : memref<80x128xf32, #tpu.memory_space<vmem>>) target(%dma_start3A_269 : memref<10000x128xf32, #tpu.memory_space<vmem_shared>>) offsets(%dma_start3A_266 : memref<80xi32, #tpu.memory_space<vmem>>) semaphore(%arg19 : memref<!tpu.dma_semaphore, #tpu.memory_space<semaphore_mem>>) {add = true}
      } else {
      }
      %ge3A_213 = arith.constant 2 : i32
      %ge3A_214 = arith.cmpi sge, %add3A_192, %ge3A_213 : i32
      %lt3A_215 = arith.constant 32 : i32
      %lt3A_216 = arith.cmpi slt, %add3A_192, %lt3A_215 : i32
      %and3A_217 = arith.andi %ge3A_214, %lt3A_216 : i1
      %convert_element_type3A_218 = arith.extui %and3A_217 : i1 to i32
      %cond3A_219 = arith.constant 0 : i32
      %cond3A_220 = arith.cmpi ne, %convert_element_type3A_218, %cond3A_219 : i32
      scf.if %cond3A_220 {
        %dma_wait3A_254 = arith.constant 0 : i32
        %dma_wait3A_255 = tpu.memref_slice %arg7[%dma_wait3A_254] : memref<2560xi32, #tpu.memory_space<vmem>> -> memref<80xi32, #tpu.memory_space<vmem>>
        %dma_wait3A_256 = arith.constant 0 : i32
        %dma_wait3A_257 = tpu.memref_slice %arg14[%dma_wait3A_256] : memref<10000xf32, #tpu.memory_space<vmem_shared>> -> memref<10000xf32, #tpu.memory_space<vmem_shared>>
        tpu.wait_indirect_dma semaphore(%arg21 : memref<!tpu.dma_semaphore, #tpu.memory_space<semaphore_mem>>) src(%arg11 : memref<80xf32, #tpu.memory_space<vmem>>) dst(%dma_wait3A_257 : memref<10000xf32, #tpu.memory_space<vmem_shared>>)
      } else {
      }
      %mul3A_221 = arith.constant 3 : i32
      %mul3A_222 = arith.muli %mul3A_221, %scan3A_157 : i32
      %add3A_223 = arith.constant 2 : i32
      %add3A_224 = arith.addi %mul3A_222, %add3A_223 : i32
      %ge3A_225 = arith.constant 2 : i32
      %ge3A_226 = arith.cmpi sge, %add3A_224, %ge3A_225 : i32
      %lt3A_227 = arith.constant 32 : i32
      %lt3A_228 = arith.cmpi slt, %add3A_224, %lt3A_227 : i32
      %and3A_229 = arith.andi %ge3A_226, %lt3A_228 : i1
      %convert_element_type3A_230 = arith.extui %and3A_229 : i1 to i32
      %cond3A_231 = arith.constant 0 : i32
      %cond3A_232 = arith.cmpi ne, %convert_element_type3A_230, %cond3A_231 : i32
      scf.if %cond3A_232 {
        %dma_wait3A_254 = arith.constant 0 : i32
        %dma_wait3A_255 = tpu.memref_slice %arg7[%dma_wait3A_254] : memref<2560xi32, #tpu.memory_space<vmem>> -> memref<80xi32, #tpu.memory_space<vmem>>
        %dma_wait3A_256 = arith.constant 0 : i32
        %dma_wait3A_257 = arith.constant 0 : i32
        %dma_wait3A_258 = tpu.memref_slice %arg13[%dma_wait3A_256, %dma_wait3A_257] : memref<10000x128xf32, #tpu.memory_space<vmem_shared>> -> memref<10000x128xf32, #tpu.memory_space<vmem_shared>>
        tpu.wait_indirect_dma semaphore(%arg18 : memref<!tpu.dma_semaphore, #tpu.memory_space<semaphore_mem>>) src(%arg8 : memref<80x128xf32, #tpu.memory_space<vmem>>) dst(%dma_wait3A_258 : memref<10000x128xf32, #tpu.memory_space<vmem_shared>>)
      } else {
      }
      %add3A_233 = arith.constant 1 : i32
      %add3A_234 = arith.addi %add3A_224, %add3A_233 : i32
      %lt3A_235 = arith.constant 32 : i32
      %lt3A_236 = arith.cmpi slt, %add3A_234, %lt3A_235 : i32
      %convert_element_type3A_237 = arith.extui %lt3A_236 : i1 to i32
      %cond3A_238 = arith.constant 0 : i32
      %cond3A_239 = arith.cmpi ne, %convert_element_type3A_237, %cond3A_238 : i32
      scf.if %cond3A_239 {
        %add3A_254 = arith.constant 1 : i32
        %add3A_255 = arith.addi %add3A_224, %add3A_254 : i32
        %mul3A_256 = arith.constant 80 : i32
        %mul3A_257 = arith.muli %add3A_255, %mul3A_256 : i32
        %dma_start3A_258 = tpu.memref_slice %arg6[%mul3A_257] : memref<2560xi32, #tpu.memory_space<vmem>> -> memref<80xi32, #tpu.memory_space<vmem>>
        %dma_start3A_259 = arith.constant 0 : i32
        %dma_start3A_260 = arith.constant 0 : i32
        %dma_start3A_261 = tpu.memref_slice %arg2[%dma_start3A_259, %dma_start3A_260] : memref<10000x128xf32, #tpu.memory_space<hbm>> -> memref<10000x128xf32, #tpu.memory_space<hbm>>
        tpu.enqueue_indirect_dma source(%dma_start3A_261 : memref<10000x128xf32, #tpu.memory_space<hbm>>) target(%arg8 : memref<80x128xf32, #tpu.memory_space<vmem>>) offsets(%dma_start3A_258 : memref<80xi32, #tpu.memory_space<vmem>>) semaphore(%arg15 : memref<!tpu.dma_semaphore, #tpu.memory_space<semaphore_mem>>)
      } else {
      }
      %lt3A_240 = arith.constant 32 : i32
      %lt3A_241 = arith.cmpi slt, %add3A_224, %lt3A_240 : i32
      %convert_element_type3A_242 = arith.extui %lt3A_241 : i1 to i32
      %cond3A_243 = arith.constant 0 : i32
      %cond3A_244 = arith.cmpi ne, %convert_element_type3A_242, %cond3A_243 : i32
      scf.if %cond3A_244 {
        %dma_wait3A_254 = arith.constant 0 : i32
        %dma_wait3A_255 = tpu.memref_slice %arg6[%dma_wait3A_254] : memref<2560xi32, #tpu.memory_space<vmem>> -> memref<80xi32, #tpu.memory_space<vmem>>
        %dma_wait3A_256 = arith.constant 0 : i32
        %dma_wait3A_257 = arith.constant 0 : i32
        %dma_wait3A_258 = tpu.memref_slice %arg2[%dma_wait3A_256, %dma_wait3A_257] : memref<10000x128xf32, #tpu.memory_space<hbm>> -> memref<10000x128xf32, #tpu.memory_space<hbm>>
        tpu.wait_indirect_dma semaphore(%arg17 : memref<!tpu.dma_semaphore, #tpu.memory_space<semaphore_mem>>) src(%dma_wait3A_258 : memref<10000x128xf32, #tpu.memory_space<hbm>>) dst(%arg10 : memref<80x128xf32, #tpu.memory_space<vmem>>)
        %mul3A_259 = arith.constant 80 : i32
        %mul3A_260 = arith.muli %add3A_224, %mul3A_259 : i32
        %dma_start3A_261 = tpu.memref_slice %arg7[%mul3A_260] : memref<2560xi32, #tpu.memory_space<vmem>> -> memref<80xi32, #tpu.memory_space<vmem>>
        %dma_start3A_262 = arith.constant 0 : i32
        %dma_start3A_263 = tpu.memref_slice %arg14[%dma_start3A_262] : memref<10000xf32, #tpu.memory_space<vmem_shared>> -> memref<10000xf32, #tpu.memory_space<vmem_shared>>
        tpu.enqueue_indirect_dma source(%arg11 : memref<80xf32, #tpu.memory_space<vmem>>) target(%dma_start3A_263 : memref<10000xf32, #tpu.memory_space<vmem_shared>>) offsets(%dma_start3A_261 : memref<80xi32, #tpu.memory_space<vmem>>) semaphore(%arg21 : memref<!tpu.dma_semaphore, #tpu.memory_space<semaphore_mem>>) {add = true}
        %mul3A_264 = arith.constant 80 : i32
        %mul3A_265 = arith.muli %add3A_224, %mul3A_264 : i32
        %dma_start3A_266 = tpu.memref_slice %arg7[%mul3A_265] : memref<2560xi32, #tpu.memory_space<vmem>> -> memref<80xi32, #tpu.memory_space<vmem>>
        %dma_start3A_267 = arith.constant 0 : i32
        %dma_start3A_268 = arith.constant 0 : i32
        %dma_start3A_269 = tpu.memref_slice %arg13[%dma_start3A_267, %dma_start3A_268] : memref<10000x128xf32, #tpu.memory_space<vmem_shared>> -> memref<10000x128xf32, #tpu.memory_space<vmem_shared>>
        tpu.enqueue_indirect_dma source(%arg10 : memref<80x128xf32, #tpu.memory_space<vmem>>) target(%dma_start3A_269 : memref<10000x128xf32, #tpu.memory_space<vmem_shared>>) offsets(%dma_start3A_266 : memref<80xi32, #tpu.memory_space<vmem>>) semaphore(%arg20 : memref<!tpu.dma_semaphore, #tpu.memory_space<semaphore_mem>>) {add = true}
      } else {
      }
      %ge3A_245 = arith.constant 2 : i32
      %ge3A_246 = arith.cmpi sge, %add3A_224, %ge3A_245 : i32
      %lt3A_247 = arith.constant 32 : i32
      %lt3A_248 = arith.cmpi slt, %add3A_224, %lt3A_247 : i32
      %and3A_249 = arith.andi %ge3A_246, %lt3A_248 : i1
      %convert_element_type3A_250 = arith.extui %and3A_249 : i1 to i32
      %cond3A_251 = arith.constant 0 : i32
      %cond3A_252 = arith.cmpi ne, %convert_element_type3A_250, %cond3A_251 : i32
      scf.if %cond3A_252 {
        %dma_wait3A_254 = arith.constant 0 : i32
        %dma_wait3A_255 = tpu.memref_slice %arg7[%dma_wait3A_254] : memref<2560xi32, #tpu.memory_space<vmem>> -> memref<80xi32, #tpu.memory_space<vmem>>
        %dma_wait3A_256 = arith.constant 0 : i32
        %dma_wait3A_257 = tpu.memref_slice %arg14[%dma_wait3A_256] : memref<10000xf32, #tpu.memory_space<vmem_shared>> -> memref<10000xf32, #tpu.memory_space<vmem_shared>>
        tpu.wait_indirect_dma semaphore(%arg21 : memref<!tpu.dma_semaphore, #tpu.memory_space<semaphore_mem>>) src(%arg11 : memref<80xf32, #tpu.memory_space<vmem>>) dst(%dma_wait3A_257 : memref<10000xf32, #tpu.memory_space<vmem_shared>>)
      } else {
      }
      %scan3A_253 = arith.constant 0 : i32
      scf.yield %scan3A_253 : i32
    }
    %scan3A_100 = arith.constant 11 : i32
    %dma_wait3A_101 = arith.constant 0 : i32
    %dma_wait3A_102 = tpu.memref_slice %arg7[%dma_wait3A_101] : memref<2560xi32, #tpu.memory_space<vmem>> -> memref<80xi32, #tpu.memory_space<vmem>>
    %dma_wait3A_103 = arith.constant 0 : i32
    %dma_wait3A_104 = arith.constant 0 : i32
    %dma_wait3A_105 = tpu.memref_slice %arg13[%dma_wait3A_103, %dma_wait3A_104] : memref<10000x128xf32, #tpu.memory_space<vmem_shared>> -> memref<10000x128xf32, #tpu.memory_space<vmem_shared>>
    tpu.wait_indirect_dma semaphore(%arg18 : memref<!tpu.dma_semaphore, #tpu.memory_space<semaphore_mem>>) src(%arg8 : memref<80x128xf32, #tpu.memory_space<vmem>>) dst(%dma_wait3A_105 : memref<10000x128xf32, #tpu.memory_space<vmem_shared>>)
    %dma_wait3A_106 = arith.constant 0 : i32
    %dma_wait3A_107 = tpu.memref_slice %arg7[%dma_wait3A_106] : memref<2560xi32, #tpu.memory_space<vmem>> -> memref<80xi32, #tpu.memory_space<vmem>>
    %dma_wait3A_108 = arith.constant 0 : i32
    %dma_wait3A_109 = tpu.memref_slice %arg14[%dma_wait3A_108] : memref<10000xf32, #tpu.memory_space<vmem_shared>> -> memref<10000xf32, #tpu.memory_space<vmem_shared>>
    tpu.wait_indirect_dma semaphore(%arg21 : memref<!tpu.dma_semaphore, #tpu.memory_space<semaphore_mem>>) src(%arg11 : memref<80xf32, #tpu.memory_space<vmem>>) dst(%dma_wait3A_109 : memref<10000xf32, #tpu.memory_space<vmem_shared>>)
    %dma_wait3A_110 = arith.constant 0 : i32
    %dma_wait3A_111 = tpu.memref_slice %arg7[%dma_wait3A_110] : memref<2560xi32, #tpu.memory_space<vmem>> -> memref<80xi32, #tpu.memory_space<vmem>>
    %dma_wait3A_112 = arith.constant 0 : i32
    %dma_wait3A_113 = arith.constant 0 : i32
    %dma_wait3A_114 = tpu.memref_slice %arg13[%dma_wait3A_112, %dma_wait3A_113] : memref<10000x128xf32, #tpu.memory_space<vmem_shared>> -> memref<10000x128xf32, #tpu.memory_space<vmem_shared>>
    tpu.wait_indirect_dma semaphore(%arg19 : memref<!tpu.dma_semaphore, #tpu.memory_space<semaphore_mem>>) src(%arg9 : memref<80x128xf32, #tpu.memory_space<vmem>>) dst(%dma_wait3A_114 : memref<10000x128xf32, #tpu.memory_space<vmem_shared>>)
    %dma_wait3A_115 = arith.constant 0 : i32
    %dma_wait3A_116 = tpu.memref_slice %arg7[%dma_wait3A_115] : memref<2560xi32, #tpu.memory_space<vmem>> -> memref<80xi32, #tpu.memory_space<vmem>>
    %dma_wait3A_117 = arith.constant 0 : i32
    %dma_wait3A_118 = tpu.memref_slice %arg14[%dma_wait3A_117] : memref<10000xf32, #tpu.memory_space<vmem_shared>> -> memref<10000xf32, #tpu.memory_space<vmem_shared>>
    tpu.wait_indirect_dma semaphore(%arg21 : memref<!tpu.dma_semaphore, #tpu.memory_space<semaphore_mem>>) src(%arg11 : memref<80xf32, #tpu.memory_space<vmem>>) dst(%dma_wait3A_118 : memref<10000xf32, #tpu.memory_space<vmem_shared>>)
    %run_scoped3A_119 = arith.constant 0 : i32
    "tpu.region"() ({
      %run_scoped3A_157 = tpu.sem_alloc : memref<!tpu.dma_semaphore, #tpu.memory_space<semaphore_mem>>
      %dma_start3A_158 = arith.constant 0 : i32
      %dma_start3A_159 = tpu.memref_slice %arg6[%dma_start3A_158] : memref<2560xi32, #tpu.memory_space<vmem>> -> memref<2432xi32, #tpu.memory_space<vmem>>
      %dma_start3A_160 = arith.constant 7680 : i32
      %dma_start3A_161 = tpu.memref_slice %arg3[%run_scoped3A_119, %add3A, %dma_start3A_160] : memref<2x32x10112xi32, #tpu.memory_space<hbm>> -> memref<1x1x2432xi32, #tpu.memory_space<hbm>>
      %dma_start3A_162 = tpu.memref_squeeze %dma_start3A_161 : memref<1x1x2432xi32, #tpu.memory_space<hbm>> -> memref<2432xi32, #tpu.memory_space<hbm>>
      %dma_start3A_163 = arith.constant 0 : i32
      %dma_start3A_164 = tpu.memref_slice %arg6[%dma_start3A_163] : memref<2560xi32, #tpu.memory_space<vmem>> -> memref<2432xi32, #tpu.memory_space<vmem>>
      %dma_start3A_165 = arith.constant 7680 : i32
      %dma_start3A_166 = tpu.memref_slice %arg3[%run_scoped3A_119, %add3A, %dma_start3A_165] : memref<2x32x10112xi32, #tpu.memory_space<hbm>> -> memref<1x1x2432xi32, #tpu.memory_space<hbm>>
      %dma_start3A_167 = tpu.memref_squeeze %dma_start3A_166 : memref<1x1x2432xi32, #tpu.memory_space<hbm>> -> memref<2432xi32, #tpu.memory_space<hbm>>
      tpu.enqueue_dma source(%dma_start3A_167 : memref<2432xi32, #tpu.memory_space<hbm>>) target(%dma_start3A_164 : memref<2432xi32, #tpu.memory_space<vmem>>) target_semaphore(%run_scoped3A_157 : memref<!tpu.dma_semaphore, #tpu.memory_space<semaphore_mem>>)
      %dma_wait3A_168 = arith.constant 0 : i32
      %dma_wait3A_169 = tpu.memref_slice %arg6[%dma_wait3A_168] : memref<2560xi32, #tpu.memory_space<vmem>> -> memref<2432xi32, #tpu.memory_space<vmem>>
      %dma_wait3A_170 = arith.constant 7680 : i32
      %dma_wait3A_171 = tpu.memref_slice %arg3[%run_scoped3A_119, %add3A, %dma_wait3A_170] : memref<2x32x10112xi32, #tpu.memory_space<hbm>> -> memref<1x1x2432xi32, #tpu.memory_space<hbm>>
      %dma_wait3A_172 = tpu.memref_squeeze %dma_wait3A_171 : memref<1x1x2432xi32, #tpu.memory_space<hbm>> -> memref<2432xi32, #tpu.memory_space<hbm>>
      %dma_wait3A_173 = arith.constant 0 : i32
      %dma_wait3A_174 = tpu.memref_slice %arg6[%dma_wait3A_173] : memref<2560xi32, #tpu.memory_space<vmem>> -> memref<2432xi32, #tpu.memory_space<vmem>>
      %dma_wait3A_175 = arith.constant 7680 : i32
      %dma_wait3A_176 = tpu.memref_slice %arg3[%run_scoped3A_119, %add3A, %dma_wait3A_175] : memref<2x32x10112xi32, #tpu.memory_space<hbm>> -> memref<1x1x2432xi32, #tpu.memory_space<hbm>>
      %dma_wait3A_177 = tpu.memref_squeeze %dma_wait3A_176 : memref<1x1x2432xi32, #tpu.memory_space<hbm>> -> memref<2432xi32, #tpu.memory_space<hbm>>
      tpu.wait_dma2 semaphore(%run_scoped3A_157 : memref<!tpu.dma_semaphore, #tpu.memory_space<semaphore_mem>>) src(%dma_wait3A_177 : memref<2432xi32, #tpu.memory_space<hbm>>) dst(%dma_wait3A_174 : memref<2432xi32, #tpu.memory_space<vmem>>)
      tpu.yield
    }) : () -> ()
    %run_scoped3A_120 = arith.constant 1 : i32
    "tpu.region"() ({
      %run_scoped3A_157 = tpu.sem_alloc : memref<!tpu.dma_semaphore, #tpu.memory_space<semaphore_mem>>
      %dma_start3A_158 = arith.constant 0 : i32
      %dma_start3A_159 = tpu.memref_slice %arg7[%dma_start3A_158] : memref<2560xi32, #tpu.memory_space<vmem>> -> memref<2432xi32, #tpu.memory_space<vmem>>
      %dma_start3A_160 = arith.constant 7680 : i32
      %dma_start3A_161 = tpu.memref_slice %arg3[%run_scoped3A_120, %add3A, %dma_start3A_160] : memref<2x32x10112xi32, #tpu.memory_space<hbm>> -> memref<1x1x2432xi32, #tpu.memory_space<hbm>>
      %dma_start3A_162 = tpu.memref_squeeze %dma_start3A_161 : memref<1x1x2432xi32, #tpu.memory_space<hbm>> -> memref<2432xi32, #tpu.memory_space<hbm>>
      %dma_start3A_163 = arith.constant 0 : i32
      %dma_start3A_164 = tpu.memref_slice %arg7[%dma_start3A_163] : memref<2560xi32, #tpu.memory_space<vmem>> -> memref<2432xi32, #tpu.memory_space<vmem>>
      %dma_start3A_165 = arith.constant 7680 : i32
      %dma_start3A_166 = tpu.memref_slice %arg3[%run_scoped3A_120, %add3A, %dma_start3A_165] : memref<2x32x10112xi32, #tpu.memory_space<hbm>> -> memref<1x1x2432xi32, #tpu.memory_space<hbm>>
      %dma_start3A_167 = tpu.memref_squeeze %dma_start3A_166 : memref<1x1x2432xi32, #tpu.memory_space<hbm>> -> memref<2432xi32, #tpu.memory_space<hbm>>
      tpu.enqueue_dma source(%dma_start3A_167 : memref<2432xi32, #tpu.memory_space<hbm>>) target(%dma_start3A_164 : memref<2432xi32, #tpu.memory_space<vmem>>) target_semaphore(%run_scoped3A_157 : memref<!tpu.dma_semaphore, #tpu.memory_space<semaphore_mem>>)
      %dma_wait3A_168 = arith.constant 0 : i32
      %dma_wait3A_169 = tpu.memref_slice %arg7[%dma_wait3A_168] : memref<2560xi32, #tpu.memory_space<vmem>> -> memref<2432xi32, #tpu.memory_space<vmem>>
      %dma_wait3A_170 = arith.constant 7680 : i32
      %dma_wait3A_171 = tpu.memref_slice %arg3[%run_scoped3A_120, %add3A, %dma_wait3A_170] : memref<2x32x10112xi32, #tpu.memory_space<hbm>> -> memref<1x1x2432xi32, #tpu.memory_space<hbm>>
      %dma_wait3A_172 = tpu.memref_squeeze %dma_wait3A_171 : memref<1x1x2432xi32, #tpu.memory_space<hbm>> -> memref<2432xi32, #tpu.memory_space<hbm>>
      %dma_wait3A_173 = arith.constant 0 : i32
      %dma_wait3A_174 = tpu.memref_slice %arg7[%dma_wait3A_173] : memref<2560xi32, #tpu.memory_space<vmem>> -> memref<2432xi32, #tpu.memory_space<vmem>>
      %dma_wait3A_175 = arith.constant 7680 : i32
      %dma_wait3A_176 = tpu.memref_slice %arg3[%run_scoped3A_120, %add3A, %dma_wait3A_175] : memref<2x32x10112xi32, #tpu.memory_space<hbm>> -> memref<1x1x2432xi32, #tpu.memory_space<hbm>>
      %dma_wait3A_177 = tpu.memref_squeeze %dma_wait3A_176 : memref<1x1x2432xi32, #tpu.memory_space<hbm>> -> memref<2432xi32, #tpu.memory_space<hbm>>
      tpu.wait_dma2 semaphore(%run_scoped3A_157 : memref<!tpu.dma_semaphore, #tpu.memory_space<semaphore_mem>>) src(%dma_wait3A_177 : memref<2432xi32, #tpu.memory_space<hbm>>) dst(%dma_wait3A_174 : memref<2432xi32, #tpu.memory_space<vmem>>)
      tpu.yield
    }) : () -> ()
    %dma_start3A_121 = arith.constant 0 : i32
    %dma_start3A_122 = tpu.memref_slice %arg6[%dma_start3A_121] : memref<2560xi32, #tpu.memory_space<vmem>> -> memref<80xi32, #tpu.memory_space<vmem>>
    %dma_start3A_123 = arith.constant 0 : i32
    %dma_start3A_124 = arith.constant 0 : i32
    %dma_start3A_125 = tpu.memref_slice %arg2[%dma_start3A_123, %dma_start3A_124] : memref<10000x128xf32, #tpu.memory_space<hbm>> -> memref<10000x128xf32, #tpu.memory_space<hbm>>
    tpu.enqueue_indirect_dma source(%dma_start3A_125 : memref<10000x128xf32, #tpu.memory_space<hbm>>) target(%arg8 : memref<80x128xf32, #tpu.memory_space<vmem>>) offsets(%dma_start3A_122 : memref<80xi32, #tpu.memory_space<vmem>>) semaphore(%arg15 : memref<!tpu.dma_semaphore, #tpu.memory_space<semaphore_mem>>)
    %scan3A_126 = arith.constant 0 : i32
    %scan3A_127 = arith.constant 0 : i32
    %scan3A_128 = arith.constant 10 : i32
    %scan3A_129 = arith.addi %scan3A_127, %scan3A_128 : i32
    %scan3A_130 = arith.constant 1 : i32
    %scan3A_131 = scf.for %scan3A_157 = %scan3A_127 to %scan3A_129 step %scan3A_130 iter_args(%scan3A_158 = %scan3A_126) -> (i32)  : i32 {
      %mul3A_159 = arith.constant 3 : i32
      %mul3A_160 = arith.muli %mul3A_159, %scan3A_157 : i32
      %add3A_161 = arith.constant 0 : i32
      %add3A_162 = arith.addi %mul3A_160, %add3A_161 : i32
      %ge3A = arith.constant 2 : i32
      %ge3A_163 = arith.cmpi sge, %add3A_162, %ge3A : i32
      %lt3A_164 = arith.constant 29 : i32
      %lt3A_165 = arith.cmpi slt, %add3A_162, %lt3A_164 : i32
      %and3A = arith.andi %ge3A_163, %lt3A_165 : i1
      %convert_element_type3A_166 = arith.extui %and3A : i1 to i32
      %cond3A_167 = arith.constant 0 : i32
      %cond3A_168 = arith.cmpi ne, %convert_element_type3A_166, %cond3A_167 : i32
      scf.if %cond3A_168 {
        %dma_wait3A_254 = arith.constant 0 : i32
        %dma_wait3A_255 = tpu.memref_slice %arg7[%dma_wait3A_254] : memref<2560xi32, #tpu.memory_space<vmem>> -> memref<80xi32, #tpu.memory_space<vmem>>
        %dma_wait3A_256 = arith.constant 0 : i32
        %dma_wait3A_257 = arith.constant 0 : i32
        %dma_wait3A_258 = tpu.memref_slice %arg13[%dma_wait3A_256, %dma_wait3A_257] : memref<10000x128xf32, #tpu.memory_space<vmem_shared>> -> memref<10000x128xf32, #tpu.memory_space<vmem_shared>>
        tpu.wait_indirect_dma semaphore(%arg19 : memref<!tpu.dma_semaphore, #tpu.memory_space<semaphore_mem>>) src(%arg9 : memref<80x128xf32, #tpu.memory_space<vmem>>) dst(%dma_wait3A_258 : memref<10000x128xf32, #tpu.memory_space<vmem_shared>>)
      } else {
      }
      %add3A_169 = arith.constant 1 : i32
      %add3A_170 = arith.addi %add3A_162, %add3A_169 : i32
      %lt3A_171 = arith.constant 29 : i32
      %lt3A_172 = arith.cmpi slt, %add3A_170, %lt3A_171 : i32
      %convert_element_type3A_173 = arith.extui %lt3A_172 : i1 to i32
      %cond3A_174 = arith.constant 0 : i32
      %cond3A_175 = arith.cmpi ne, %convert_element_type3A_173, %cond3A_174 : i32
      scf.if %cond3A_175 {
        %add3A_254 = arith.constant 1 : i32
        %add3A_255 = arith.addi %add3A_162, %add3A_254 : i32
        %mul3A_256 = arith.constant 80 : i32
        %mul3A_257 = arith.muli %add3A_255, %mul3A_256 : i32
        %dma_start3A_258 = tpu.memref_slice %arg6[%mul3A_257] : memref<2560xi32, #tpu.memory_space<vmem>> -> memref<80xi32, #tpu.memory_space<vmem>>
        %dma_start3A_259 = arith.constant 0 : i32
        %dma_start3A_260 = arith.constant 0 : i32
        %dma_start3A_261 = tpu.memref_slice %arg2[%dma_start3A_259, %dma_start3A_260] : memref<10000x128xf32, #tpu.memory_space<hbm>> -> memref<10000x128xf32, #tpu.memory_space<hbm>>
        tpu.enqueue_indirect_dma source(%dma_start3A_261 : memref<10000x128xf32, #tpu.memory_space<hbm>>) target(%arg9 : memref<80x128xf32, #tpu.memory_space<vmem>>) offsets(%dma_start3A_258 : memref<80xi32, #tpu.memory_space<vmem>>) semaphore(%arg16 : memref<!tpu.dma_semaphore, #tpu.memory_space<semaphore_mem>>)
      } else {
      }
      %lt3A_176 = arith.constant 29 : i32
      %lt3A_177 = arith.cmpi slt, %add3A_162, %lt3A_176 : i32
      %convert_element_type3A_178 = arith.extui %lt3A_177 : i1 to i32
      %cond3A_179 = arith.constant 0 : i32
      %cond3A_180 = arith.cmpi ne, %convert_element_type3A_178, %cond3A_179 : i32
      scf.if %cond3A_180 {
        %dma_wait3A_254 = arith.constant 0 : i32
        %dma_wait3A_255 = tpu.memref_slice %arg6[%dma_wait3A_254] : memref<2560xi32, #tpu.memory_space<vmem>> -> memref<80xi32, #tpu.memory_space<vmem>>
        %dma_wait3A_256 = arith.constant 0 : i32
        %dma_wait3A_257 = arith.constant 0 : i32
        %dma_wait3A_258 = tpu.memref_slice %arg2[%dma_wait3A_256, %dma_wait3A_257] : memref<10000x128xf32, #tpu.memory_space<hbm>> -> memref<10000x128xf32, #tpu.memory_space<hbm>>
        tpu.wait_indirect_dma semaphore(%arg15 : memref<!tpu.dma_semaphore, #tpu.memory_space<semaphore_mem>>) src(%dma_wait3A_258 : memref<10000x128xf32, #tpu.memory_space<hbm>>) dst(%arg8 : memref<80x128xf32, #tpu.memory_space<vmem>>)
        %mul3A_259 = arith.constant 80 : i32
        %mul3A_260 = arith.muli %add3A_162, %mul3A_259 : i32
        %dma_start3A_261 = tpu.memref_slice %arg7[%mul3A_260] : memref<2560xi32, #tpu.memory_space<vmem>> -> memref<80xi32, #tpu.memory_space<vmem>>
        %dma_start3A_262 = arith.constant 0 : i32
        %dma_start3A_263 = tpu.memref_slice %arg14[%dma_start3A_262] : memref<10000xf32, #tpu.memory_space<vmem_shared>> -> memref<10000xf32, #tpu.memory_space<vmem_shared>>
        tpu.enqueue_indirect_dma source(%arg11 : memref<80xf32, #tpu.memory_space<vmem>>) target(%dma_start3A_263 : memref<10000xf32, #tpu.memory_space<vmem_shared>>) offsets(%dma_start3A_261 : memref<80xi32, #tpu.memory_space<vmem>>) semaphore(%arg21 : memref<!tpu.dma_semaphore, #tpu.memory_space<semaphore_mem>>) {add = true}
        %mul3A_264 = arith.constant 80 : i32
        %mul3A_265 = arith.muli %add3A_162, %mul3A_264 : i32
        %dma_start3A_266 = tpu.memref_slice %arg7[%mul3A_265] : memref<2560xi32, #tpu.memory_space<vmem>> -> memref<80xi32, #tpu.memory_space<vmem>>
        %dma_start3A_267 = arith.constant 0 : i32
        %dma_start3A_268 = arith.constant 0 : i32
        %dma_start3A_269 = tpu.memref_slice %arg13[%dma_start3A_267, %dma_start3A_268] : memref<10000x128xf32, #tpu.memory_space<vmem_shared>> -> memref<10000x128xf32, #tpu.memory_space<vmem_shared>>
        tpu.enqueue_indirect_dma source(%arg8 : memref<80x128xf32, #tpu.memory_space<vmem>>) target(%dma_start3A_269 : memref<10000x128xf32, #tpu.memory_space<vmem_shared>>) offsets(%dma_start3A_266 : memref<80xi32, #tpu.memory_space<vmem>>) semaphore(%arg18 : memref<!tpu.dma_semaphore, #tpu.memory_space<semaphore_mem>>) {add = true}
      } else {
      }
      %ge3A_181 = arith.constant 2 : i32
      %ge3A_182 = arith.cmpi sge, %add3A_162, %ge3A_181 : i32
      %lt3A_183 = arith.constant 29 : i32
      %lt3A_184 = arith.cmpi slt, %add3A_162, %lt3A_183 : i32
      %and3A_185 = arith.andi %ge3A_182, %lt3A_184 : i1
      %convert_element_type3A_186 = arith.extui %and3A_185 : i1 to i32
      %cond3A_187 = arith.constant 0 : i32
      %cond3A_188 = arith.cmpi ne, %convert_element_type3A_186, %cond3A_187 : i32
      scf.if %cond3A_188 {
        %dma_wait3A_254 = arith.constant 0 : i32
        %dma_wait3A_255 = tpu.memref_slice %arg7[%dma_wait3A_254] : memref<2560xi32, #tpu.memory_space<vmem>> -> memref<80xi32, #tpu.memory_space<vmem>>
        %dma_wait3A_256 = arith.constant 0 : i32
        %dma_wait3A_257 = tpu.memref_slice %arg14[%dma_wait3A_256] : memref<10000xf32, #tpu.memory_space<vmem_shared>> -> memref<10000xf32, #tpu.memory_space<vmem_shared>>
        tpu.wait_indirect_dma semaphore(%arg21 : memref<!tpu.dma_semaphore, #tpu.memory_space<semaphore_mem>>) src(%arg11 : memref<80xf32, #tpu.memory_space<vmem>>) dst(%dma_wait3A_257 : memref<10000xf32, #tpu.memory_space<vmem_shared>>)
      } else {
      }
      %mul3A_189 = arith.constant 3 : i32
      %mul3A_190 = arith.muli %mul3A_189, %scan3A_157 : i32
      %add3A_191 = arith.constant 1 : i32
      %add3A_192 = arith.addi %mul3A_190, %add3A_191 : i32
      %ge3A_193 = arith.constant 2 : i32
      %ge3A_194 = arith.cmpi sge, %add3A_192, %ge3A_193 : i32
      %lt3A_195 = arith.constant 29 : i32
      %lt3A_196 = arith.cmpi slt, %add3A_192, %lt3A_195 : i32
      %and3A_197 = arith.andi %ge3A_194, %lt3A_196 : i1
      %convert_element_type3A_198 = arith.extui %and3A_197 : i1 to i32
      %cond3A_199 = arith.constant 0 : i32
      %cond3A_200 = arith.cmpi ne, %convert_element_type3A_198, %cond3A_199 : i32
      scf.if %cond3A_200 {
        %dma_wait3A_254 = arith.constant 0 : i32
        %dma_wait3A_255 = tpu.memref_slice %arg7[%dma_wait3A_254] : memref<2560xi32, #tpu.memory_space<vmem>> -> memref<80xi32, #tpu.memory_space<vmem>>
        %dma_wait3A_256 = arith.constant 0 : i32
        %dma_wait3A_257 = arith.constant 0 : i32
        %dma_wait3A_258 = tpu.memref_slice %arg13[%dma_wait3A_256, %dma_wait3A_257] : memref<10000x128xf32, #tpu.memory_space<vmem_shared>> -> memref<10000x128xf32, #tpu.memory_space<vmem_shared>>
        tpu.wait_indirect_dma semaphore(%arg20 : memref<!tpu.dma_semaphore, #tpu.memory_space<semaphore_mem>>) src(%arg10 : memref<80x128xf32, #tpu.memory_space<vmem>>) dst(%dma_wait3A_258 : memref<10000x128xf32, #tpu.memory_space<vmem_shared>>)
      } else {
      }
      %add3A_201 = arith.constant 1 : i32
      %add3A_202 = arith.addi %add3A_192, %add3A_201 : i32
      %lt3A_203 = arith.constant 29 : i32
      %lt3A_204 = arith.cmpi slt, %add3A_202, %lt3A_203 : i32
      %convert_element_type3A_205 = arith.extui %lt3A_204 : i1 to i32
      %cond3A_206 = arith.constant 0 : i32
      %cond3A_207 = arith.cmpi ne, %convert_element_type3A_205, %cond3A_206 : i32
      scf.if %cond3A_207 {
        %add3A_254 = arith.constant 1 : i32
        %add3A_255 = arith.addi %add3A_192, %add3A_254 : i32
        %mul3A_256 = arith.constant 80 : i32
        %mul3A_257 = arith.muli %add3A_255, %mul3A_256 : i32
        %dma_start3A_258 = tpu.memref_slice %arg6[%mul3A_257] : memref<2560xi32, #tpu.memory_space<vmem>> -> memref<80xi32, #tpu.memory_space<vmem>>
        %dma_start3A_259 = arith.constant 0 : i32
        %dma_start3A_260 = arith.constant 0 : i32
        %dma_start3A_261 = tpu.memref_slice %arg2[%dma_start3A_259, %dma_start3A_260] : memref<10000x128xf32, #tpu.memory_space<hbm>> -> memref<10000x128xf32, #tpu.memory_space<hbm>>
        tpu.enqueue_indirect_dma source(%dma_start3A_261 : memref<10000x128xf32, #tpu.memory_space<hbm>>) target(%arg10 : memref<80x128xf32, #tpu.memory_space<vmem>>) offsets(%dma_start3A_258 : memref<80xi32, #tpu.memory_space<vmem>>) semaphore(%arg17 : memref<!tpu.dma_semaphore, #tpu.memory_space<semaphore_mem>>)
      } else {
      }
      %lt3A_208 = arith.constant 29 : i32
      %lt3A_209 = arith.cmpi slt, %add3A_192, %lt3A_208 : i32
      %convert_element_type3A_210 = arith.extui %lt3A_209 : i1 to i32
      %cond3A_211 = arith.constant 0 : i32
      %cond3A_212 = arith.cmpi ne, %convert_element_type3A_210, %cond3A_211 : i32
      scf.if %cond3A_212 {
        %dma_wait3A_254 = arith.constant 0 : i32
        %dma_wait3A_255 = tpu.memref_slice %arg6[%dma_wait3A_254] : memref<2560xi32, #tpu.memory_space<vmem>> -> memref<80xi32, #tpu.memory_space<vmem>>
        %dma_wait3A_256 = arith.constant 0 : i32
        %dma_wait3A_257 = arith.constant 0 : i32
        %dma_wait3A_258 = tpu.memref_slice %arg2[%dma_wait3A_256, %dma_wait3A_257] : memref<10000x128xf32, #tpu.memory_space<hbm>> -> memref<10000x128xf32, #tpu.memory_space<hbm>>
        tpu.wait_indirect_dma semaphore(%arg16 : memref<!tpu.dma_semaphore, #tpu.memory_space<semaphore_mem>>) src(%dma_wait3A_258 : memref<10000x128xf32, #tpu.memory_space<hbm>>) dst(%arg9 : memref<80x128xf32, #tpu.memory_space<vmem>>)
        %mul3A_259 = arith.constant 80 : i32
        %mul3A_260 = arith.muli %add3A_192, %mul3A_259 : i32
        %dma_start3A_261 = tpu.memref_slice %arg7[%mul3A_260] : memref<2560xi32, #tpu.memory_space<vmem>> -> memref<80xi32, #tpu.memory_space<vmem>>
        %dma_start3A_262 = arith.constant 0 : i32
        %dma_start3A_263 = tpu.memref_slice %arg14[%dma_start3A_262] : memref<10000xf32, #tpu.memory_space<vmem_shared>> -> memref<10000xf32, #tpu.memory_space<vmem_shared>>
        tpu.enqueue_indirect_dma source(%arg11 : memref<80xf32, #tpu.memory_space<vmem>>) target(%dma_start3A_263 : memref<10000xf32, #tpu.memory_space<vmem_shared>>) offsets(%dma_start3A_261 : memref<80xi32, #tpu.memory_space<vmem>>) semaphore(%arg21 : memref<!tpu.dma_semaphore, #tpu.memory_space<semaphore_mem>>) {add = true}
        %mul3A_264 = arith.constant 80 : i32
        %mul3A_265 = arith.muli %add3A_192, %mul3A_264 : i32
        %dma_start3A_266 = tpu.memref_slice %arg7[%mul3A_265] : memref<2560xi32, #tpu.memory_space<vmem>> -> memref<80xi32, #tpu.memory_space<vmem>>
        %dma_start3A_267 = arith.constant 0 : i32
        %dma_start3A_268 = arith.constant 0 : i32
        %dma_start3A_269 = tpu.memref_slice %arg13[%dma_start3A_267, %dma_start3A_268] : memref<10000x128xf32, #tpu.memory_space<vmem_shared>> -> memref<10000x128xf32, #tpu.memory_space<vmem_shared>>
        tpu.enqueue_indirect_dma source(%arg9 : memref<80x128xf32, #tpu.memory_space<vmem>>) target(%dma_start3A_269 : memref<10000x128xf32, #tpu.memory_space<vmem_shared>>) offsets(%dma_start3A_266 : memref<80xi32, #tpu.memory_space<vmem>>) semaphore(%arg19 : memref<!tpu.dma_semaphore, #tpu.memory_space<semaphore_mem>>) {add = true}
      } else {
      }
      %ge3A_213 = arith.constant 2 : i32
      %ge3A_214 = arith.cmpi sge, %add3A_192, %ge3A_213 : i32
      %lt3A_215 = arith.constant 29 : i32
      %lt3A_216 = arith.cmpi slt, %add3A_192, %lt3A_215 : i32
      %and3A_217 = arith.andi %ge3A_214, %lt3A_216 : i1
      %convert_element_type3A_218 = arith.extui %and3A_217 : i1 to i32
      %cond3A_219 = arith.constant 0 : i32
      %cond3A_220 = arith.cmpi ne, %convert_element_type3A_218, %cond3A_219 : i32
      scf.if %cond3A_220 {
        %dma_wait3A_254 = arith.constant 0 : i32
        %dma_wait3A_255 = tpu.memref_slice %arg7[%dma_wait3A_254] : memref<2560xi32, #tpu.memory_space<vmem>> -> memref<80xi32, #tpu.memory_space<vmem>>
        %dma_wait3A_256 = arith.constant 0 : i32
        %dma_wait3A_257 = tpu.memref_slice %arg14[%dma_wait3A_256] : memref<10000xf32, #tpu.memory_space<vmem_shared>> -> memref<10000xf32, #tpu.memory_space<vmem_shared>>
        tpu.wait_indirect_dma semaphore(%arg21 : memref<!tpu.dma_semaphore, #tpu.memory_space<semaphore_mem>>) src(%arg11 : memref<80xf32, #tpu.memory_space<vmem>>) dst(%dma_wait3A_257 : memref<10000xf32, #tpu.memory_space<vmem_shared>>)
      } else {
      }
      %mul3A_221 = arith.constant 3 : i32
      %mul3A_222 = arith.muli %mul3A_221, %scan3A_157 : i32
      %add3A_223 = arith.constant 2 : i32
      %add3A_224 = arith.addi %mul3A_222, %add3A_223 : i32
      %ge3A_225 = arith.constant 2 : i32
      %ge3A_226 = arith.cmpi sge, %add3A_224, %ge3A_225 : i32
      %lt3A_227 = arith.constant 29 : i32
      %lt3A_228 = arith.cmpi slt, %add3A_224, %lt3A_227 : i32
      %and3A_229 = arith.andi %ge3A_226, %lt3A_228 : i1
      %convert_element_type3A_230 = arith.extui %and3A_229 : i1 to i32
      %cond3A_231 = arith.constant 0 : i32
      %cond3A_232 = arith.cmpi ne, %convert_element_type3A_230, %cond3A_231 : i32
      scf.if %cond3A_232 {
        %dma_wait3A_254 = arith.constant 0 : i32
        %dma_wait3A_255 = tpu.memref_slice %arg7[%dma_wait3A_254] : memref<2560xi32, #tpu.memory_space<vmem>> -> memref<80xi32, #tpu.memory_space<vmem>>
        %dma_wait3A_256 = arith.constant 0 : i32
        %dma_wait3A_257 = arith.constant 0 : i32
        %dma_wait3A_258 = tpu.memref_slice %arg13[%dma_wait3A_256, %dma_wait3A_257] : memref<10000x128xf32, #tpu.memory_space<vmem_shared>> -> memref<10000x128xf32, #tpu.memory_space<vmem_shared>>
        tpu.wait_indirect_dma semaphore(%arg18 : memref<!tpu.dma_semaphore, #tpu.memory_space<semaphore_mem>>) src(%arg8 : memref<80x128xf32, #tpu.memory_space<vmem>>) dst(%dma_wait3A_258 : memref<10000x128xf32, #tpu.memory_space<vmem_shared>>)
      } else {
      }
      %add3A_233 = arith.constant 1 : i32
      %add3A_234 = arith.addi %add3A_224, %add3A_233 : i32
      %lt3A_235 = arith.constant 29 : i32
      %lt3A_236 = arith.cmpi slt, %add3A_234, %lt3A_235 : i32
      %convert_element_type3A_237 = arith.extui %lt3A_236 : i1 to i32
      %cond3A_238 = arith.constant 0 : i32
      %cond3A_239 = arith.cmpi ne, %convert_element_type3A_237, %cond3A_238 : i32
      scf.if %cond3A_239 {
        %add3A_254 = arith.constant 1 : i32
        %add3A_255 = arith.addi %add3A_224, %add3A_254 : i32
        %mul3A_256 = arith.constant 80 : i32
        %mul3A_257 = arith.muli %add3A_255, %mul3A_256 : i32
        %dma_start3A_258 = tpu.memref_slice %arg6[%mul3A_257] : memref<2560xi32, #tpu.memory_space<vmem>> -> memref<80xi32, #tpu.memory_space<vmem>>
        %dma_start3A_259 = arith.constant 0 : i32
        %dma_start3A_260 = arith.constant 0 : i32
        %dma_start3A_261 = tpu.memref_slice %arg2[%dma_start3A_259, %dma_start3A_260] : memref<10000x128xf32, #tpu.memory_space<hbm>> -> memref<10000x128xf32, #tpu.memory_space<hbm>>
        tpu.enqueue_indirect_dma source(%dma_start3A_261 : memref<10000x128xf32, #tpu.memory_space<hbm>>) target(%arg8 : memref<80x128xf32, #tpu.memory_space<vmem>>) offsets(%dma_start3A_258 : memref<80xi32, #tpu.memory_space<vmem>>) semaphore(%arg15 : memref<!tpu.dma_semaphore, #tpu.memory_space<semaphore_mem>>)
      } else {
      }
      %lt3A_240 = arith.constant 29 : i32
      %lt3A_241 = arith.cmpi slt, %add3A_224, %lt3A_240 : i32
      %convert_element_type3A_242 = arith.extui %lt3A_241 : i1 to i32
      %cond3A_243 = arith.constant 0 : i32
      %cond3A_244 = arith.cmpi ne, %convert_element_type3A_242, %cond3A_243 : i32
      scf.if %cond3A_244 {
        %dma_wait3A_254 = arith.constant 0 : i32
        %dma_wait3A_255 = tpu.memref_slice %arg6[%dma_wait3A_254] : memref<2560xi32, #tpu.memory_space<vmem>> -> memref<80xi32, #tpu.memory_space<vmem>>
        %dma_wait3A_256 = arith.constant 0 : i32
        %dma_wait3A_257 = arith.constant 0 : i32
        %dma_wait3A_258 = tpu.memref_slice %arg2[%dma_wait3A_256, %dma_wait3A_257] : memref<10000x128xf32, #tpu.memory_space<hbm>> -> memref<10000x128xf32, #tpu.memory_space<hbm>>
        tpu.wait_indirect_dma semaphore(%arg17 : memref<!tpu.dma_semaphore, #tpu.memory_space<semaphore_mem>>) src(%dma_wait3A_258 : memref<10000x128xf32, #tpu.memory_space<hbm>>) dst(%arg10 : memref<80x128xf32, #tpu.memory_space<vmem>>)
        %mul3A_259 = arith.constant 80 : i32
        %mul3A_260 = arith.muli %add3A_224, %mul3A_259 : i32
        %dma_start3A_261 = tpu.memref_slice %arg7[%mul3A_260] : memref<2560xi32, #tpu.memory_space<vmem>> -> memref<80xi32, #tpu.memory_space<vmem>>
        %dma_start3A_262 = arith.constant 0 : i32
        %dma_start3A_263 = tpu.memref_slice %arg14[%dma_start3A_262] : memref<10000xf32, #tpu.memory_space<vmem_shared>> -> memref<10000xf32, #tpu.memory_space<vmem_shared>>
        tpu.enqueue_indirect_dma source(%arg11 : memref<80xf32, #tpu.memory_space<vmem>>) target(%dma_start3A_263 : memref<10000xf32, #tpu.memory_space<vmem_shared>>) offsets(%dma_start3A_261 : memref<80xi32, #tpu.memory_space<vmem>>) semaphore(%arg21 : memref<!tpu.dma_semaphore, #tpu.memory_space<semaphore_mem>>) {add = true}
        %mul3A_264 = arith.constant 80 : i32
        %mul3A_265 = arith.muli %add3A_224, %mul3A_264 : i32
        %dma_start3A_266 = tpu.memref_slice %arg7[%mul3A_265] : memref<2560xi32, #tpu.memory_space<vmem>> -> memref<80xi32, #tpu.memory_space<vmem>>
        %dma_start3A_267 = arith.constant 0 : i32
        %dma_start3A_268 = arith.constant 0 : i32
        %dma_start3A_269 = tpu.memref_slice %arg13[%dma_start3A_267, %dma_start3A_268] : memref<10000x128xf32, #tpu.memory_space<vmem_shared>> -> memref<10000x128xf32, #tpu.memory_space<vmem_shared>>
        tpu.enqueue_indirect_dma source(%arg10 : memref<80x128xf32, #tpu.memory_space<vmem>>) target(%dma_start3A_269 : memref<10000x128xf32, #tpu.memory_space<vmem_shared>>) offsets(%dma_start3A_266 : memref<80xi32, #tpu.memory_space<vmem>>) semaphore(%arg20 : memref<!tpu.dma_semaphore, #tpu.memory_space<semaphore_mem>>) {add = true}
      } else {
      }
      %ge3A_245 = arith.constant 2 : i32
      %ge3A_246 = arith.cmpi sge, %add3A_224, %ge3A_245 : i32
      %lt3A_247 = arith.constant 29 : i32
      %lt3A_248 = arith.cmpi slt, %add3A_224, %lt3A_247 : i32
      %and3A_249 = arith.andi %ge3A_246, %lt3A_248 : i1
      %convert_element_type3A_250 = arith.extui %and3A_249 : i1 to i32
      %cond3A_251 = arith.constant 0 : i32
      %cond3A_252 = arith.cmpi ne, %convert_element_type3A_250, %cond3A_251 : i32
      scf.if %cond3A_252 {
        %dma_wait3A_254 = arith.constant 0 : i32
        %dma_wait3A_255 = tpu.memref_slice %arg7[%dma_wait3A_254] : memref<2560xi32, #tpu.memory_space<vmem>> -> memref<80xi32, #tpu.memory_space<vmem>>
        %dma_wait3A_256 = arith.constant 0 : i32
        %dma_wait3A_257 = tpu.memref_slice %arg14[%dma_wait3A_256] : memref<10000xf32, #tpu.memory_space<vmem_shared>> -> memref<10000xf32, #tpu.memory_space<vmem_shared>>
        tpu.wait_indirect_dma semaphore(%arg21 : memref<!tpu.dma_semaphore, #tpu.memory_space<semaphore_mem>>) src(%arg11 : memref<80xf32, #tpu.memory_space<vmem>>) dst(%dma_wait3A_257 : memref<10000xf32, #tpu.memory_space<vmem_shared>>)
      } else {
      }
      %scan3A_253 = arith.constant 0 : i32
      scf.yield %scan3A_253 : i32
    }
    %scan3A_132 = arith.constant 10 : i32
    %dma_wait3A_133 = arith.constant 0 : i32
    %dma_wait3A_134 = tpu.memref_slice %arg7[%dma_wait3A_133] : memref<2560xi32, #tpu.memory_space<vmem>> -> memref<80xi32, #tpu.memory_space<vmem>>
    %dma_wait3A_135 = arith.constant 0 : i32
    %dma_wait3A_136 = arith.constant 0 : i32
    %dma_wait3A_137 = tpu.memref_slice %arg13[%dma_wait3A_135, %dma_wait3A_136] : memref<10000x128xf32, #tpu.memory_space<vmem_shared>> -> memref<10000x128xf32, #tpu.memory_space<vmem_shared>>
    tpu.wait_indirect_dma semaphore(%arg18 : memref<!tpu.dma_semaphore, #tpu.memory_space<semaphore_mem>>) src(%arg8 : memref<80x128xf32, #tpu.memory_space<vmem>>) dst(%dma_wait3A_137 : memref<10000x128xf32, #tpu.memory_space<vmem_shared>>)
    %dma_wait3A_138 = arith.constant 0 : i32
    %dma_wait3A_139 = tpu.memref_slice %arg7[%dma_wait3A_138] : memref<2560xi32, #tpu.memory_space<vmem>> -> memref<80xi32, #tpu.memory_space<vmem>>
    %dma_wait3A_140 = arith.constant 0 : i32
    %dma_wait3A_141 = tpu.memref_slice %arg14[%dma_wait3A_140] : memref<10000xf32, #tpu.memory_space<vmem_shared>> -> memref<10000xf32, #tpu.memory_space<vmem_shared>>
    tpu.wait_indirect_dma semaphore(%arg21 : memref<!tpu.dma_semaphore, #tpu.memory_space<semaphore_mem>>) src(%arg11 : memref<80xf32, #tpu.memory_space<vmem>>) dst(%dma_wait3A_141 : memref<10000xf32, #tpu.memory_space<vmem_shared>>)
    %dma_wait3A_142 = arith.constant 0 : i32
    %dma_wait3A_143 = tpu.memref_slice %arg7[%dma_wait3A_142] : memref<2560xi32, #tpu.memory_space<vmem>> -> memref<80xi32, #tpu.memory_space<vmem>>
    %dma_wait3A_144 = arith.constant 0 : i32
    %dma_wait3A_145 = arith.constant 0 : i32
    %dma_wait3A_146 = tpu.memref_slice %arg13[%dma_wait3A_144, %dma_wait3A_145] : memref<10000x128xf32, #tpu.memory_space<vmem_shared>> -> memref<10000x128xf32, #tpu.memory_space<vmem_shared>>
    tpu.wait_indirect_dma semaphore(%arg19 : memref<!tpu.dma_semaphore, #tpu.memory_space<semaphore_mem>>) src(%arg9 : memref<80x128xf32, #tpu.memory_space<vmem>>) dst(%dma_wait3A_146 : memref<10000x128xf32, #tpu.memory_space<vmem_shared>>)
    %dma_wait3A_147 = arith.constant 0 : i32
    %dma_wait3A_148 = tpu.memref_slice %arg7[%dma_wait3A_147] : memref<2560xi32, #tpu.memory_space<vmem>> -> memref<80xi32, #tpu.memory_space<vmem>>
    %dma_wait3A_149 = arith.constant 0 : i32
    %dma_wait3A_150 = tpu.memref_slice %arg14[%dma_wait3A_149] : memref<10000xf32, #tpu.memory_space<vmem_shared>> -> memref<10000xf32, #tpu.memory_space<vmem_shared>>
    tpu.wait_indirect_dma semaphore(%arg21 : memref<!tpu.dma_semaphore, #tpu.memory_space<semaphore_mem>>) src(%arg11 : memref<80xf32, #tpu.memory_space<vmem>>) dst(%dma_wait3A_150 : memref<10000xf32, #tpu.memory_space<vmem_shared>>)
    %barrier3A_151 = arith.constant 0 : index
    tpu.barrier barrier_id(%barrier3A_151)
    %lt3A_152 = arith.constant 10 : i32
    %lt3A_153 = arith.cmpi slt, %arg1, %lt3A_152 : i32
    %convert_element_type3A_154 = arith.extui %lt3A_153 : i1 to i32
    %cond3A_155 = arith.constant 0 : i32
    %cond3A_156 = arith.cmpi ne, %convert_element_type3A_154, %cond3A_155 : i32
    scf.if %cond3A_156 {
      %mul3A_157 = arith.constant 1000 : i32
      %mul3A_158 = arith.muli %arg1, %mul3A_157 : i32
      %mul3A_159 = arith.constant 1000 : i32
      %mul3A_160 = arith.muli %arg1, %mul3A_159 : i32
      %dma_start3A_161 = arith.constant 0 : i32
      %dma_start3A_162 = tpu.memref_slice %arg4[%arg0, %mul3A_160, %dma_start3A_161] : memref<2x10000x128xf32, #tpu.memory_space<hbm>> -> memref<1x1000x128xf32, #tpu.memory_space<hbm>>
      %dma_start3A_163 = tpu.memref_squeeze %dma_start3A_162 : memref<1x1000x128xf32, #tpu.memory_space<hbm>> -> memref<1000x128xf32, #tpu.memory_space<hbm>>
      %dma_start3A_164 = arith.constant 0 : i32
      %dma_start3A_165 = tpu.memref_slice %arg13[%mul3A_158, %dma_start3A_164] : memref<10000x128xf32, #tpu.memory_space<vmem_shared>> -> memref<1000x128xf32, #tpu.memory_space<vmem_shared>>
      tpu.enqueue_dma source(%dma_start3A_165 : memref<1000x128xf32, #tpu.memory_space<vmem_shared>>) target(%dma_start3A_163 : memref<1000x128xf32, #tpu.memory_space<hbm>>) target_semaphore(%arg18 : memref<!tpu.dma_semaphore, #tpu.memory_space<semaphore_mem>>)
      %mul3A_166 = arith.constant 1000 : i32
      %mul3A_167 = arith.muli %arg1, %mul3A_166 : i32
      "tpu.region"() ({
        %run_scoped3A_182 = tpu.sem_alloc : memref<!tpu.dma_semaphore, #tpu.memory_space<semaphore_mem>>
        %dma_start3A_183 = arith.constant 0 : i32
        %dma_start3A_184 = tpu.memref_slice %arg12[%dma_start3A_183] : memref<1008xf32, #tpu.memory_space<vmem>> -> memref<1000xf32, #tpu.memory_space<vmem>>
        %dma_start3A_185 = tpu.memref_slice %arg14[%mul3A_167] : memref<10000xf32, #tpu.memory_space<vmem_shared>> -> memref<1000xf32, #tpu.memory_space<vmem_shared>>
        %dma_start3A_186 = arith.constant 0 : i32
        %dma_start3A_187 = tpu.memref_slice %arg12[%dma_start3A_186] : memref<1008xf32, #tpu.memory_space<vmem>> -> memref<1000xf32, #tpu.memory_space<vmem>>
        %dma_start3A_188 = tpu.memref_slice %arg14[%mul3A_167] : memref<10000xf32, #tpu.memory_space<vmem_shared>> -> memref<1000xf32, #tpu.memory_space<vmem_shared>>
        tpu.enqueue_dma source(%dma_start3A_188 : memref<1000xf32, #tpu.memory_space<vmem_shared>>) target(%dma_start3A_187 : memref<1000xf32, #tpu.memory_space<vmem>>) target_semaphore(%run_scoped3A_182 : memref<!tpu.dma_semaphore, #tpu.memory_space<semaphore_mem>>)
        %dma_wait3A_189 = arith.constant 0 : i32
        %dma_wait3A_190 = tpu.memref_slice %arg12[%dma_wait3A_189] : memref<1008xf32, #tpu.memory_space<vmem>> -> memref<1000xf32, #tpu.memory_space<vmem>>
        %dma_wait3A_191 = tpu.memref_slice %arg14[%mul3A_167] : memref<10000xf32, #tpu.memory_space<vmem_shared>> -> memref<1000xf32, #tpu.memory_space<vmem_shared>>
        %dma_wait3A_192 = arith.constant 0 : i32
        %dma_wait3A_193 = tpu.memref_slice %arg12[%dma_wait3A_192] : memref<1008xf32, #tpu.memory_space<vmem>> -> memref<1000xf32, #tpu.memory_space<vmem>>
        %dma_wait3A_194 = tpu.memref_slice %arg14[%mul3A_167] : memref<10000xf32, #tpu.memory_space<vmem_shared>> -> memref<1000xf32, #tpu.memory_space<vmem_shared>>
        tpu.wait_dma2 semaphore(%run_scoped3A_182 : memref<!tpu.dma_semaphore, #tpu.memory_space<semaphore_mem>>) src(%dma_wait3A_194 : memref<1000xf32, #tpu.memory_space<vmem_shared>>) dst(%dma_wait3A_193 : memref<1000xf32, #tpu.memory_space<vmem>>)
        tpu.yield
      }) : () -> ()
      %mul3A_168 = arith.constant 10000 : i32
      %mul3A_169 = arith.muli %arg0, %mul3A_168 : i32
      %mul3A_170 = arith.constant 1000 : i32
      %mul3A_171 = arith.muli %arg1, %mul3A_170 : i32
      %add3A_172 = arith.addi %mul3A_169, %mul3A_171 : i32
      "tpu.region"() ({
        %run_scoped3A_182 = tpu.sem_alloc : memref<!tpu.dma_semaphore, #tpu.memory_space<semaphore_mem>>
        %dma_start3A_183 = arith.constant 0 : i32
        %dma_start3A_184 = tpu.memref_slice %arg12[%dma_start3A_183] : memref<1008xf32, #tpu.memory_space<vmem>> -> memref<1000xf32, #tpu.memory_space<vmem>>
        %dma_start3A_185 = tpu.memref_slice %arg5[%add3A_172] : memref<20000xf32, #tpu.memory_space<hbm>> -> memref<1000xf32, #tpu.memory_space<hbm>>
        %dma_start3A_186 = tpu.memref_slice %arg5[%add3A_172] : memref<20000xf32, #tpu.memory_space<hbm>> -> memref<1000xf32, #tpu.memory_space<hbm>>
        %dma_start3A_187 = arith.constant 0 : i32
        %dma_start3A_188 = tpu.memref_slice %arg12[%dma_start3A_187] : memref<1008xf32, #tpu.memory_space<vmem>> -> memref<1000xf32, #tpu.memory_space<vmem>>
        tpu.enqueue_dma source(%dma_start3A_188 : memref<1000xf32, #tpu.memory_space<vmem>>) target(%dma_start3A_186 : memref<1000xf32, #tpu.memory_space<hbm>>) target_semaphore(%run_scoped3A_182 : memref<!tpu.dma_semaphore, #tpu.memory_space<semaphore_mem>>)
        %dma_wait3A_189 = arith.constant 0 : i32
        %dma_wait3A_190 = tpu.memref_slice %arg12[%dma_wait3A_189] : memref<1008xf32, #tpu.memory_space<vmem>> -> memref<1000xf32, #tpu.memory_space<vmem>>
        %dma_wait3A_191 = tpu.memref_slice %arg5[%add3A_172] : memref<20000xf32, #tpu.memory_space<hbm>> -> memref<1000xf32, #tpu.memory_space<hbm>>
        %dma_wait3A_192 = tpu.memref_slice %arg5[%add3A_172] : memref<20000xf32, #tpu.memory_space<hbm>> -> memref<1000xf32, #tpu.memory_space<hbm>>
        %dma_wait3A_193 = arith.constant 0 : i32
        %dma_wait3A_194 = tpu.memref_slice %arg12[%dma_wait3A_193] : memref<1008xf32, #tpu.memory_space<vmem>> -> memref<1000xf32, #tpu.memory_space<vmem>>
        tpu.wait_dma2 semaphore(%run_scoped3A_182 : memref<!tpu.dma_semaphore, #tpu.memory_space<semaphore_mem>>) src(%dma_wait3A_194 : memref<1000xf32, #tpu.memory_space<vmem>>) dst(%dma_wait3A_192 : memref<1000xf32, #tpu.memory_space<hbm>>)
        tpu.yield
      }) : () -> ()
      %mul3A_173 = arith.constant 1000 : i32
      %mul3A_174 = arith.muli %arg1, %mul3A_173 : i32
      %mul3A_175 = arith.constant 1000 : i32
      %mul3A_176 = arith.muli %arg1, %mul3A_175 : i32
      %dma_wait3A_177 = arith.constant 0 : i32
      %dma_wait3A_178 = tpu.memref_slice %arg4[%arg0, %mul3A_176, %dma_wait3A_177] : memref<2x10000x128xf32, #tpu.memory_space<hbm>> -> memref<1x1000x128xf32, #tpu.memory_space<hbm>>
      %dma_wait3A_179 = tpu.memref_squeeze %dma_wait3A_178 : memref<1x1000x128xf32, #tpu.memory_space<hbm>> -> memref<1000x128xf32, #tpu.memory_space<hbm>>
      %dma_wait3A_180 = arith.constant 0 : i32
      %dma_wait3A_181 = tpu.memref_slice %arg13[%mul3A_174, %dma_wait3A_180] : memref<10000x128xf32, #tpu.memory_space<vmem_shared>> -> memref<1000x128xf32, #tpu.memory_space<vmem_shared>>
      tpu.wait_dma2 semaphore(%arg18 : memref<!tpu.dma_semaphore, #tpu.memory_space<semaphore_mem>>) src(%dma_wait3A_181 : memref<1000x128xf32, #tpu.memory_space<vmem_shared>>) dst(%dma_wait3A_179 : memref<1000x128xf32, #tpu.memory_space<hbm>>)
    } else {
    }
    return
  }
}

module attributes {stable_mosaic.version = 14 : i64} {
  func.func @_tc_mlp_body(%arg0: i32, %arg1: memref<2560x128xf32, #tpu.memory_space<vmem>>, %arg2: memref<1x2560x128xf32, #tpu.memory_space<vmem>>, %arg3: memref<1x2560x128xf32, #tpu.memory_space<vmem>>, %arg4: memref<2560x2xf32, #tpu.memory_space<vmem>>, %arg5: memref<128x256xf32, #tpu.memory_space<vmem>>, %arg6: memref<128x256xf32, #tpu.memory_space<vmem>>, %arg7: memref<1x256xf32, #tpu.memory_space<vmem>>, %arg8: memref<256x64xf32, #tpu.memory_space<vmem>>, %arg9: memref<1x64xf32, #tpu.memory_space<vmem>>, %arg10: memref<64x2560xf32, #tpu.memory_space<vmem>>) attributes {dimension_semantics = [#tpu.dimension_semantics<arbitrary>], iteration_bounds = array<i64: 4>, scalar_prefetch = 0 : i64, scratch_operands = 0 : i64, tpu.core_type = #tpu.core_type<tc>, window_params = [{transform_indices = @transform_0, window_bounds = array<i64: 2560, 128>}, {transform_indices = @transform_1, window_bounds = array<i64: 1, 2560, 128>}, {transform_indices = @transform_2, window_bounds = array<i64: 1, 2560, 128>}, {transform_indices = @transform_3, window_bounds = array<i64: 2560, 2>}, {transform_indices = @transform_4, window_bounds = array<i64: 128, 256>}, {transform_indices = @transform_5, window_bounds = array<i64: 128, 256>}, {pipeline_mode = #tpu.pipeline_mode<synchronous>, transform_indices = @transform_6, window_bounds = array<i64: 1, 256>}, {pipeline_mode = #tpu.pipeline_mode<synchronous>, transform_indices = @transform_7, window_bounds = array<i64: 256, 64>}, {pipeline_mode = #tpu.pipeline_mode<synchronous>, transform_indices = @transform_8, window_bounds = array<i64: 1, 64>}, {transform_indices = @transform_9, window_bounds = array<i64: 64, 2560>}]} {
    %get3A = arith.constant 0 : index
    %get3A_0 = arith.constant 0 : index
    %get3A_1 = vector.load %arg4[%get3A, %get3A_0] : memref<2560x2xf32, #tpu.memory_space<vmem>>, vector<2560x1xf32>
    %get3A_2 = arith.constant 0 : index
    %get3A_3 = arith.constant 1 : index
    %get3A_4 = vector.load %arg4[%get3A_2, %get3A_3] : memref<2560x2xf32, #tpu.memory_space<vmem>>, vector<2560x1xf32>
    %add3A = arith.addf %get3A_1, %get3A_4 : vector<2560x1xf32>
    %max3A = arith.constant 1.000000e+00 : f32
    %max3A_5 = vector.broadcast %max3A : f32 to vector<2560x1xf32>
    %max3A_6 = arith.maximumf %add3A, %max3A_5 : vector<2560x1xf32>
    %get3A_7 = arith.constant 0 : index
    %get3A_8 = arith.constant 0 : index
    %get3A_9 = arith.constant 0 : index
    %get3A_10 = vector.load %arg2[%get3A_7, %get3A_8, %get3A_9] : memref<1x2560x128xf32, #tpu.memory_space<vmem>>, vector<1x2560x128xf32>
    %get3A_11 = vector.shape_cast %get3A_10 : vector<1x2560x128xf32> to vector<2560x128xf32>
    %get3A_12 = arith.constant 0 : index
    %get3A_13 = arith.constant 0 : index
    %get3A_14 = arith.constant 0 : index
    %get3A_15 = vector.load %arg3[%get3A_12, %get3A_13, %get3A_14] : memref<1x2560x128xf32, #tpu.memory_space<vmem>>, vector<1x2560x128xf32>
    %get3A_16 = vector.shape_cast %get3A_15 : vector<1x2560x128xf32> to vector<2560x128xf32>
    %add3A_17 = arith.addf %get3A_11, %get3A_16 : vector<2560x128xf32>
    %div3A = vector.broadcast %max3A_6 : vector<2560x1xf32> to vector<2560x128xf32>
    %div3A_18 = arith.divf %add3A_17, %div3A : vector<2560x128xf32>
    %get3A_19 = arith.constant 0 : index
    %get3A_20 = arith.constant 0 : index
    %get3A_21 = vector.load %arg1[%get3A_19, %get3A_20] : memref<2560x128xf32, #tpu.memory_space<vmem>>, vector<2560x128xf32>
    %get3A_22 = arith.constant 0 : index
    %get3A_23 = arith.constant 0 : index
    %get3A_24 = vector.load %arg5[%get3A_22, %get3A_23] : memref<128x256xf32, #tpu.memory_space<vmem>>, vector<128x256xf32>
    %dot_general3A = arith.constant dense<0.000000e+00> : vector<2560x256xf32>
    %dot_general3A_25 = tpu.matmul %get3A_21, %get3A_24, %dot_general3A {dimension_numbers = #tpu.dot_dimension_numbers<[1], [0], [0], [1], [0, 0, 1, 1], [], []>, transpose_lhs_hint = false} : vector<2560x128xf32>, vector<128x256xf32>, vector<2560x256xf32> -> vector<2560x256xf32>
    %get3A_26 = arith.constant 0 : index
    %get3A_27 = arith.constant 0 : index
    %get3A_28 = vector.load %arg6[%get3A_26, %get3A_27] : memref<128x256xf32, #tpu.memory_space<vmem>>, vector<128x256xf32>
    %dot_general3A_29 = arith.constant dense<0.000000e+00> : vector<2560x256xf32>
    %dot_general3A_30 = tpu.matmul %div3A_18, %get3A_28, %dot_general3A_29 {dimension_numbers = #tpu.dot_dimension_numbers<[1], [0], [0], [1], [0, 0, 1, 1], [], []>, transpose_lhs_hint = false} : vector<2560x128xf32>, vector<128x256xf32>, vector<2560x256xf32> -> vector<2560x256xf32>
    %add3A_31 = arith.addf %dot_general3A_25, %dot_general3A_30 : vector<2560x256xf32>
    %get3A_32 = arith.constant 0 : index
    %get3A_33 = arith.constant 0 : index
    %get3A_34 = vector.load %arg7[%get3A_32, %get3A_33] : memref<1x256xf32, #tpu.memory_space<vmem>>, vector<1x256xf32>
    %add3A_35 = vector.broadcast %get3A_34 : vector<1x256xf32> to vector<2560x256xf32>
    %add3A_36 = arith.addf %add3A_31, %add3A_35 : vector<2560x256xf32>
    %max3A_37 = arith.constant 0.000000e+00 : f32
    %max3A_38 = vector.broadcast %max3A_37 : f32 to vector<2560x256xf32>
    %max3A_39 = arith.maximumf %add3A_36, %max3A_38 : vector<2560x256xf32>
    %get3A_40 = arith.constant 0 : index
    %get3A_41 = arith.constant 0 : index
    %get3A_42 = vector.load %arg8[%get3A_40, %get3A_41] : memref<256x64xf32, #tpu.memory_space<vmem>>, vector<256x64xf32>
    %dot_general3A_43 = arith.constant dense<0.000000e+00> : vector<2560x64xf32>
    %dot_general3A_44 = tpu.matmul %max3A_39, %get3A_42, %dot_general3A_43 {dimension_numbers = #tpu.dot_dimension_numbers<[1], [0], [0], [1], [0, 0, 1, 1], [], []>, transpose_lhs_hint = false} : vector<2560x256xf32>, vector<256x64xf32>, vector<2560x64xf32> -> vector<2560x64xf32>
    %get3A_45 = arith.constant 0 : index
    %get3A_46 = arith.constant 0 : index
    %get3A_47 = vector.load %arg9[%get3A_45, %get3A_46] : memref<1x64xf32, #tpu.memory_space<vmem>>, vector<1x64xf32>
    %add3A_48 = vector.broadcast %get3A_47 : vector<1x64xf32> to vector<2560x64xf32>
    %add3A_49 = arith.addf %dot_general3A_44, %add3A_48 : vector<2560x64xf32>
    %mul3A = arith.mulf %add3A_49, %add3A_49 : vector<2560x64xf32>
    %reduce_sum3A = arith.constant dense<0.000000e+00> : vector<2560xf32>
    %reduce_sum3A_50 = vector.multi_reduction <add>, %mul3A, %reduce_sum3A [1] : vector<2560x64xf32> to vector<2560xf32>
    %broadcast_in_dim3A = vector.shape_cast %reduce_sum3A_50 : vector<2560xf32> to vector<2560x1xf32>
    %max3A_51 = arith.constant 1.000000e-24 : f32
    %max3A_52 = vector.broadcast %max3A_51 : f32 to vector<2560x1xf32>
    %max3A_53 = arith.maximumf %broadcast_in_dim3A, %max3A_52 : vector<2560x1xf32>
    %rsqrt3A = math.rsqrt %max3A_53 : vector<2560x1xf32>
    %mul3A_54 = vector.broadcast %rsqrt3A : vector<2560x1xf32> to vector<2560x64xf32>
    %mul3A_55 = arith.mulf %add3A_49, %mul3A_54 : vector<2560x64xf32>
    %transpose3A = tpu.transpose %mul3A_55, [1, 0] : vector<2560x64xf32> -> vector<64x2560xf32>
    %swap3A = arith.constant 0 : index
    %swap3A_56 = arith.constant 0 : index
    %swap3A_57 = vector.load %arg10[%swap3A, %swap3A_56] : memref<64x2560xf32, #tpu.memory_space<vmem>>, vector<64x2560xf32>
    tpu.vector_store %arg10[%swap3A, %swap3A_56], %transpose3A {strides = array<i32>} : memref<64x2560xf32, #tpu.memory_space<vmem>>, vector<64x2560xf32>,
    return
  }
  func.func @transform_0(%arg0: i32) -> (i32, i32) {
    %c0_i32 = arith.constant 0 : i32
    %c0_i32_0 = arith.constant 0 : i32
    return %arg0, %c0_i32 : i32, i32
  }
  func.func @transform_1(%arg0: i32) -> (i32, i32, i32) {
    %c0_i32 = arith.constant 0 : i32
    %c0_i32_0 = arith.constant 0 : i32
    %c0_i32_1 = arith.constant 0 : i32
    return %c0_i32, %arg0, %c0_i32_0 : i32, i32, i32
  }
  func.func @transform_2(%arg0: i32) -> (i32, i32, i32) {
    %c1_i32 = arith.constant 1 : i32
    %c0_i32 = arith.constant 0 : i32
    %c0_i32_0 = arith.constant 0 : i32
    return %c1_i32, %arg0, %c0_i32 : i32, i32, i32
  }
  func.func @transform_3(%arg0: i32) -> (i32, i32) {
    %c0_i32 = arith.constant 0 : i32
    %c0_i32_0 = arith.constant 0 : i32
    return %arg0, %c0_i32 : i32, i32
  }
  func.func @transform_4(%arg0: i32) -> (i32, i32) {
    %c0_i32 = arith.constant 0 : i32
    %c0_i32_0 = arith.constant 0 : i32
    %c0_i32_1 = arith.constant 0 : i32
    return %c0_i32, %c0_i32_0 : i32, i32
  }
  func.func @transform_5(%arg0: i32) -> (i32, i32) {
    %c1_i32 = arith.constant 1 : i32
    %c0_i32 = arith.constant 0 : i32
    %c0_i32_0 = arith.constant 0 : i32
    return %c1_i32, %c0_i32 : i32, i32
  }
  func.func @transform_6(%arg0: i32) -> (i32, i32) {
    %c0_i32 = arith.constant 0 : i32
    %c0_i32_0 = arith.constant 0 : i32
    %c0_i32_1 = arith.constant 0 : i32
    return %c0_i32, %c0_i32_0 : i32, i32
  }
  func.func @transform_7(%arg0: i32) -> (i32, i32) {
    %c0_i32 = arith.constant 0 : i32
    %c0_i32_0 = arith.constant 0 : i32
    %c0_i32_1 = arith.constant 0 : i32
    return %c0_i32, %c0_i32_0 : i32, i32
  }
  func.func @transform_8(%arg0: i32) -> (i32, i32) {
    %c0_i32 = arith.constant 0 : i32
    %c0_i32_0 = arith.constant 0 : i32
    %c0_i32_1 = arith.constant 0 : i32
    return %c0_i32, %c0_i32_0 : i32, i32
  }
  func.func @transform_9(%arg0: i32) -> (i32, i32) {
    %c0_i32 = arith.constant 0 : i32
    %c0_i32_0 = arith.constant 0 : i32
    return %c0_i32, %arg0 : i32, i32
  }
}

</mosaic_0001>

<sc_bundles>
// kernel: kernel.4.cloned.1.call-start
scs
__scs_entry_jumppad:
0x0: {  	(pc) =	sbr.rel $0x88, $3  }
0x1: {  	(tag) =	ssettag $0x0;
	lr =	simm.s32 $0x1  }
0x2: {  	[smem:$0x3F9B] =	sst lr;
	_ =	strace $0xD0000000  }
0x3: {  	_ = 	snop  }
0x4: {  	_ = 	snop  }
0x5: {  	_ = 	snop  }
0x6: {  	_ = 	snop  }
0x7: {  	_ = 	snop  }
__scs_overlays_trampoline_lowered:
0x8: {  	[smem:$0x3FAA] =	sst s0  }
0x9: {  	[smem:$0x3FAB] =	sst s1  }
0xa: {  	[smem:$0x3FAC] =	sst s2  }
0xb: {  	[smem:$0x3FAD] =	sst s3  }
0xc: {  	[smem:$0x3FAE] =	sst s4  }
0xd: {  	[smem:$0x3FAF] =	sst s5  }
0xe: {  	[smem:$0x3FB0] =	sst s6  }
0xf: {  	[smem:$0x3FB1] =	sst s7  }
0x10: {  	[smem:$0x3FB2] =	sst s8  }
0x11: {  	[smem:$0x3FB3] =	sst s9;
	s0 =	simm.s32 @!p0 $0x0  }
0x12: {  	s1 =	sld [smem:$0x3F99];
	s0 =	simm.s32 @p0 $0x1  }
0x13: {  	[smem:$0x3FB4] =	sst s0;
	s0 =	simm.s32 @!p1 $0x0  }
0x14: {  	s2 =	sld [smem:$0x3F98];
	s0 =	simm.s32 @p1 $0x1  }
0x15: {  	[smem:$0x3FB5] =	sst s0;
	s0 =	simm.s32 @!p2 $0x0  }
0x16: {  	s3 =	sld [smem:$0x3FDB];
	s0 =	simm.s32 @p2 $0x1  }
0x17: {  	s4 =	simm.s32 $0x1BF5;
	[smem:$0x3FB7] =	sst s0  }
0x18: {  	s0 =	sld [smem:$0x3F9A];
	_ =	swait.ge [sflag:s4], $0x0  }
0x19: {  	s7 =	sld [smem:$0x3F9B]  }
0x1a: {  	s8 =	sadd.s32 $0xFFFFE003, lr  }
0x1b: {  	s9 =	sadd.s32 $0xFFFFFEF7, lr;
	s5 =	simm.s32 $0xFFFFFFFF;
	p2 =	slt.u32 s8, $0xFFFFF086  }
0x1c: {  	p1 =	slt.u32 s9, $0xF7A;
	s5 =	simm.s32 @!p2 $0x0  }
0x1d: {  	s5 =	simm.s32 @p1 $0x1;
	p0 =	seq.s32 s7, s2  }
0x1e: {  	s7 =	smul.u32 @!p0 $0xF7A, s2;
	p2 =	seq.s32 @!p0 s5, $0x0  }
0x1f: {  	s9 =	smul.u32 $0xF7A, s1;
	s8 =	simm.s32 @!p0 $0x1BF5;
	p2 =	por !p2, p0  }
0x20: {  	[sflag:s8] =	ssyncset.s32 @!p0 $0xFFFFF086;
	s6 =	sadd.s32 @!p0 s3, s7;
	s7 =	simm.s32 @!p0 $0x108  }
0x21: {  	s3 =	sadd.s32 s3, s9;
	s6 =	sadd.s32 @!p0 $0x88, s6;
	s7 =	simm.s32 @p2 $0x1082  }
0x22: {  	[simem:s7], [sflag:s8] =	dma.local @!p0 [hbm:s6], $0xF7A  }
0x23: {  	s9 =	sor.u32 $0xD0000000, s2;
	s6 =	simm.s32 $0x108;
	_ =	swait.ge @!p0 [sflag:s8], $0x0  }
0x24: {  	s3 =	sadd.s32 $0x88, s3;
	s6 =	simm.s32 @!p1 $0x1082;
	[sflag:s4] =	ssyncset.s32 $0xFFFFF086  }
0x25: {  	[simem:s6], [sflag:s4] =	dma.local [hbm:s3], $0xF7A  }
0x26: {  	[smem:$0x3F9B] =	sst s1;
	(tag) =	ssettag s2;
	_ =	strace s9  }
0x27: {  	s1 =	sld [smem:$0x3FAB]  }
0x28: {  	s2 =	sld [smem:$0x3FAC]  }
0x29: {  	s4 =	sld [smem:$0x3FAE]  }
0x2a: {  	p0 =	seq.s32 s5, $0x0;
	s5 =	sld [smem:$0x3FAF]  }
0x2b: {  	s6 =	sld [smem:$0x3FB0]  }
0x2c: {  	s7 =	sld [smem:$0x3FB1]  }
0x2d: {  	s3 =	simm.s32 $0x108;
	s8 =	sld [smem:$0x3FB2]  }
0x2e: {  	s3 =	simm.s32 @!p0 $0x1082;
	s9 =	sld [smem:$0x3FB3]  }
0x2f: {  	lr =	sadd.s32 s0, s3;
	s0 =	sld [smem:$0x3FAA]  }
0x30: {  	s3 =	sld [smem:$0x3FAD]  }
0x31: {  	[smem:$0x3FB6] =	sst s10  }
0x32: {  	s10 =	sld [smem:$0x3FB4];
	_ =	sdelay $0x3  }
0x33: {  	p0 =	seq.s32 s10, $0x1;
	s10 =	sld [smem:$0x3FB6];
	_ =	sdelay $0x3  }
0x34: {  	[smem:$0x3FB6] =	sst s10  }
0x35: {  	s10 =	sld [smem:$0x3FB5];
	_ =	sdelay $0x3  }
0x36: {  	p1 =	seq.s32 s10, $0x1;
	s10 =	sld [smem:$0x3FB6];
	_ =	sdelay $0x3  }
0x37: {  	[smem:$0x3FB6] =	sst s10  }
0x38: {  	s10 =	sld [smem:$0x3FB7]  }
0x39: {  	_ = 	snop;
	(pc) =	sbr.ind lr, $3  }
0x3a: {  	_ = 	snop  }
0x3b: {  	_ = 	snop  }
0x3c: {  	p2 =	seq.s32 s10, $0x1;
	s10 =	sld [smem:$0x3FB6]  }
0x3d: {  	_ =	shalt  }
0x3e: {  	_ =	shalt  }
0x3f: {  	_ =	shalt  }
0x40: {  	_ =	shalt  }
0x41: {  	_ =	shalt  }
0x42: {  	_ =	shalt  }
0x43: {  	_ =	shalt  }
0x44: {  	_ =	shalt  }
0x45: {  	_ =	shalt  }
0x46: {  	_ =	shalt  }
0x47: {  	_ =	shalt  }
0x48: {  	_ =	shalt  }
0x49: {  	_ =	shalt  }
0x4a: {  	_ =	shalt  }
0x4b: {  	_ =	shalt  }
0x4c: {  	_ =	shalt  }
0x4d: {  	_ =	shalt  }
0x4e: {  	_ =	shalt  }
0x4f: {  	_ =	shalt  }
0x50: {  	_ =	shalt  }
0x51: {  	_ =	shalt  }
0x52: {  	_ =	shalt  }
0x53: {  	_ =	shalt  }
0x54: {  	_ =	shalt  }
0x55: {  	_ =	shalt  }
0x56: {  	_ =	shalt  }
0x57: {  	_ =	shalt  }
0x58: {  	_ =	shalt  }
0x59: {  	_ =	shalt  }
0x5a: {  	_ =	shalt  }
0x5b: {  	_ =	shalt  }
0x5c: {  	_ =	shalt  }
0x5d: {  	_ =	shalt  }
0x5e: {  	_ =	shalt  }
0x5f: {  	_ =	shalt  }
0x60: {  	_ =	shalt  }
0x61: {  	_ =	shalt  }
0x62: {  	_ =	shalt  }
0x63: {  	_ =	shalt  }
0x64: {  	_ =	shalt  }
0x65: {  	_ =	shalt  }
0x66: {  	_ =	shalt  }
0x67: {  	_ =	shalt  }
0x68: {  	_ =	shalt  }
0x69: {  	_ =	shalt  }
0x6a: {  	_ =	shalt  }
0x6b: {  	_ =	shalt  }
0x6c: {  	_ =	shalt  }
0x6d: {  	_ =	shalt  }
0x6e: {  	_ =	shalt  }
0x6f: {  	_ =	shalt  }
0x70: {  	_ =	shalt  }
0x71: {  	_ =	shalt  }
0x72: {  	_ =	shalt  }
0x73: {  	_ =	shalt  }
0x74: {  	_ =	shalt  }
0x75: {  	_ =	shalt  }
0x76: {  	_ =	shalt  }
0x77: {  	_ =	shalt  }
0x78: {  	_ =	shalt  }
0x79: {  	_ =	shalt  }
0x7a: {  	_ =	shalt  }
0x7b: {  	_ =	shalt  }
0x7c: {  	_ =	shalt  }
0x7d: {  	_ =	shalt  }
0x7e: {  	_ =	shalt  }
0x7f: {  	_ =	shalt  }
0x80: {  	_ =	shalt  }
0x81: {  	_ =	shalt  }
0x82: {  	_ =	shalt  }
0x83: {  	_ =	shalt  }
0x84: {  	_ =	shalt  }
0x85: {  	_ =	shalt  }
0x86: {  	_ =	shalt  }
0x87: {  	_ =	shalt  }
.Lfunc_end0:
.L_simem_size_0:
called_computation_lowered:
.L_overlay_start_0:
0x88: {  	s2 =	sld [smem:$0x3FD9]  }
0x89: {  	s3 =	sld [smem:$0x3FFE];
	_ =	sdelay $0x1  }
0x8a: {  	s1 =	srdreg.scid  }
0x8b: {  	s0 =	sand.u32 $0x1, s1  }
0x8c: {  	s17 =	sshll.u32 s0, $0xA;
	s2 =	sadd.s32 s3, s2  }
0x8d: {  	s2 =	sadd.s32 s2, s17  }
0x8e: {  	[smem:$0x3FC2] =	sst s2  }
0x8f: {  	_ = 	snop  }
0x90: {  	s2 =	sld [smem:$0x3FC9]  }
0x91: {  	s18 =	sld [smem:$0x3FD0];
	(tm) =	ssettm $0x1  }
0x92: {  	s4 =	sld [smem:$0x3FFB];
	_ =	sdelay $0x3  }
0x93: {  	_ =	strace s4  }
0x94: {  	s4 =	sld [smem:$0x3FFC];
	_ =	sdelay $0x3  }
0x95: {  	_ =	strace s4  }
0x96: {  	s4 =	sld [smem:$0x3FFD];
	_ =	sdelay $0x3  }
0x97: {  	_ =	strace s4  }
0x98: {  	_ =	strace $0x8FFFFFFF  }
0x99: {  	s19 =	sld [smem:$0x3FDB];
	_ =	sdelay $0x1  }
0x9a: {  	s5 =	simm.s32 $_scs_section_size  }
0x9b: {  	s6 =	simm.s32 $_size__tile_overlayer_lowered;
	s7 =	simm.s32 $_tile_overlayer_lowered  }
0x9c: {  	s22 =	simm.s32 $0x1BFF;
	s21 =	sshll.u32 s7, $0x1;
	s4 =	sadd.s32 s5, s19  }
0x9d: {  	s8 =	simm.s32 $0x0;
	s20 =	sshll.u32 s6, $0x1;
	s6 =	sadd.s32 s21, s4  }
0x9e: {  	[timem:s8], [sflag:s22] =	dma.local [hbm:s6], s20  }
0x9f: {  	_ =	swait.ge [sflag:s22], s20  }
0xa0: {  	s5 =	ssub.s32 $0x0, s20;
	[sflag:s22] =	ssyncset.done $0x0  }
0xa1: {  	[sflag:s22] =	ssyncadd.s32 s5;
	_ =	sdelay $0x1  }
0xa2: {  	s23 =	simm.s32 $0x1B8B  }
0xa3: {  	_ =	swait.ge [sflag:s23], $0x1  }
0xa4: {  	[sflag:s23] =	ssyncset.done $0x0  }
0xa5: {  	s25 =	simm.s32 $0x1B8E;
	s24 =	sld [smem:$0x3FFE];
	[sflag:s23] =	ssyncadd.s32 $0xFFFFFFFF  }
0xa6: {  	s26 =	simm.s32 $execute0_lowered;
	[smem:$0x3FD2] =	sst s25  }
0xa7: {  	s6 =	sshll.u32 s26, $0x1;
	_ =	strace $0x80000046;
	[dreg:$0x1] =	wrdreg $0xFFFFFFFF  }
0xa8: {  	s28 =	simm.s32 $_size_execute0_lowered;
	s4 =	sadd.s32 s4, s6;
	[dreg:$0x0] =	wrdreg $0x0  }
0xa9: {  	s6 =	sshll.u32 s28, $0x1;
	[dreg:$0x2] =	wrdreg s4  }
0xaa: {  	[dreg:$0x3] =	wrdreg s6  }
0xab: {  	[dreg:$0x4] =	wrdreg $0xC0  }
0xac: {  	_ =	task [dreg:s8], $0x5FFFF  }
0xad: {  	[dreg:$0x1] =	wrdreg $0xFFFFFFFF  }
0xae: {  	[dreg:$0x0] =	wrdreg $0x60  }
0xaf: {  	[dreg:$0x2] =	wrdreg s2  }
0xb0: {  	[dreg:$0x3] =	wrdreg s18  }
0xb1: {  	[dreg:$0x4] =	wrdreg s24  }
0xb2: {  	[dreg:$0x5] =	wrdreg $0x90800  }
0xb3: {  	[dreg:$0x6] =	wrdreg $0x1C9000  }
0xb4: {  	[dreg:$0x7] =	wrdreg $0x9  }
0xb5: {  	_ =	task.clear_ibuf [dreg:s8], $0x8FFFF;
	_ =	strace $0x90000046  }
0xb6: {  	s29 =	simm.s32 $0x9;
	_ =	strace $0x80000048  }
0xb7: {  	_ =	swait.ge [sflag:s29], $0x1  }
0xb8: {  	[sflag:s29] =	ssyncadd.s32 $0xFFFFFFFF  }
0xb9: {  	_ =	strace $0x90000048  }
0xba: {  	_ =	sfence  }
0xbb: {  	s30 =	sld [smem:$0x0];
	_ =	sdelay $0x2  }
0xbc: {  	s31 =	sshll.u32 s1, $0xD;
	s1 =	sshrl.u32 s1, $0x2  }
0xbd: {  	s3 =	sand.u32 $0x4000, s31;
	s1 =	sadd.s32 s1, s30  }
0xbe: {  	s0 =	sor.u32 s3, s0;
	s1 =	sshll.u32 s1, $0x11  }
0xbf: {  	s0 =	sor.u32 s1, s0  }
0xc0: {  	s0 =	sadd.s32 $0x8F2B, s0  }
0xc1: {  	[sflag:s0] =	ssyncadd.remote.s32 $0x1  }
0xc2: {  	_ =	sfence.sel $0xFFFF  }
0xc3: {  	[dreg:$0x0] =	wrdreg $0xFFFFFFFF;
	(pc) =	sbr.abs _section_cstart, $3  }
0xc4: {  	[dreg:$0x1] =	wrdreg $0xFFFFFFFF  }
0xc5: {  	_ =	task.clear_ibuf [dreg:s8], $0x2FFFF;
	_ =	strace $0x9FFFFFFF  }
0xc6: {  	(tm) =	ssettm $0x7FFFFFFF  }
0xc7: {  	_ =	shalt  }
tec
execute0_lowered:
.L_overlay_start_1:
0x0: {  	(tag) =	ssettag $0x1  }
0x1: {  	s0 =	rddreg [dreg:$0x0]  }
0x2: {  	s1 =	rddreg [dreg:$0x1]  }
0x3: {  	s2 =	rddreg [dreg:$0x2];
	s13 =	stileid.u32  }
0x4: {  	s3 =	rddreg [dreg:$0x3];
	s8 =	smul.u32 $0x1F400, s13  }
0x5: {  	s5 =	srdreg.scid;
	s9 =	smul.u32 $0x3E8, s13  }
0x6: {  	s4 =	rddreg [dreg:$0x4];
	s12 =	smul.u32 $0xFA0, s13  }
0x7: {  	s6 =	sand.u32 $0x1, s5;
	s5 =	simm.s32 $0x0;
	s16 =	smul.u32 $0x7D000, s13  }
0x8: {  	s11 =	sshll.u32 s13, $0x7;
	p0 =	sgt.u32 s13, $0x9;
	s7 =	smul.u32 $0x138800, s6  }
0x9: {  	[smem:$0x7FF] =	sst s5;
	s17 =	smul.u32 $0x2710, s6;
	s10 =	sshll.u32 s6, $0x4  }
0xa: {  	s6 =	ssub.s32 $0x2, s6;
	s11 =	sand.u32 $0x380, s11;
	_ =	strace $0x80000047  }
0xb: {  	s10 =	sor.u32 s13, s10;
	s18 =	sshrl.u32 s6, $0x1;
	s19 =	sshrl.u32 s12, $0x2  }
0xc: {  	s7 =	sadd.s32 s8, s7;
	s8 =	sadd.s32 s9, s17;
	s10 =	sshrl.u32 s10, $0x3  }
0xd: {  	s7 =	sshrl.u32 s7, $0x3;
	s8 =	sshrl.u32 s8, $0x3;
	s10 =	smul.u32 $0x13C00, s10  }
0xe: {  	s6 =	ssub.s32 s6, s18;
	s7 =	sadd.s32 s7, s2;
	s2 =	sadd.s32 s8, s2  }
0xf: {  	s8 =	sadd.s32 s19, s4;
	s19 =	sshrl.u32 s16, $0x2;
	s10 =	sor.u32 s11, s10  }
0x10: {  	[dreg:$0x6] =	wrdreg s8;
	s16 =	sadd.s32 s19, s3;
	s19 =	smax.u32 s6, $0x1  }
0x11: {  	s11 =	sadd.s32 $0x4F000, s10;
	s20 =	sshrl.u32 s10, $0x3;
	s22 =	sadd.s32 $0x5000, s10  }
0x12: {  	s23 =	sadd.s32 $0x54000, s10;
	s24 =	sadd.s32 $0xA000, s10;
	s6 =	sadd.s32 $0x7800, s16  }
0x13: {  	s14 =	sadd.s32 $0x59000, s10;
	s13 =	sadd.s32 $0x10400, s16;
	[dreg:$0x17] =	wrdreg s6  }
0x14: {  	s15 =	sadd.s32 $0xF000, s10;
	s8 =	sadd.s32 s1, s20;
	[dreg:$0x1e] =	wrdreg s13  }
0x15: {  	s10 =	sadd.s32 $0x5E000, s10;
	s20 =	sadd.s32 $0x2400, s7;
	[dreg:$0x7] =	wrdreg s8  }
0x16: {  	s25 =	sshrl.u32 s23, $0x3;
	s23 =	sadd.s32 $0x1400, s16;
	[dreg:$0xf] =	wrdreg s20  }
0x17: {  	s26 =	sshrl.u32 s24, $0x3;
	s24 =	sadd.s32 $0x2800, s16;
	[dreg:$0x12] =	wrdreg s23  }
0x18: {  	s11 =	sshrl.u32 s11, $0x3;
	s7 =	sadd.s32 $0x8C00, s16;
	[dreg:$0x13] =	wrdreg s24  }
0x19: {  	s18 =	sshrl.u32 s10, $0x3;
	s10 =	sadd.s32 $0xC800, s16;
	[dreg:$0x18] =	wrdreg s7  }
0x1a: {  	s17 =	sshrl.u32 s15, $0x3;
	s15 =	sadd.s32 $0x12C00, s16;
	[dreg:$0x1b] =	wrdreg s10  }
0x1b: {  	s21 =	sadd.s32 s1, s11;
	[smem:$0x7F4] =	sst s15  }
0x1c: {  	s12 =	sadd.s32 s1, s26;
	[dreg:$0x8] =	wrdreg s21  }
0x1d: {  	s8 =	sshrl.u32 s22, $0x3;
	s22 =	sadd.s32 $0x1A00, s2;
	[dreg:$0xb] =	wrdreg s12  }
0x1e: {  	s26 =	sadd.s32 $0x5000, s16;
	[dreg:$0x11] =	wrdreg s22  }
0x1f: {  	s2 =	sadd.s32 $0x6400, s16;
	[dreg:$0x15] =	wrdreg s26  }
0x20: {  	s28 =	simm.s32 $0x8C00;
	s11 =	sadd.s32 $0xDC00, s16;
	[dreg:$0x16] =	wrdreg s2  }
0x21: {  	s29 =	simm.s32 $0x7;
	s20 =	sadd.s32 $0x16800, s16;
	[dreg:$0x1c] =	wrdreg s11  }
0x22: {  	s30 =	simm.s32 $0x6;
	s23 =	sadd.s32 $0x1A400, s16;
	[smem:$0x7F7] =	sst s20  }
0x23: {  	s31 =	simm.s32 $0x6400;
	s24 =	sadd.s32 $0x1B800, s16;
	[smem:$0x7FA] =	sst s23  }
0x24: {  	s6 =	simm.s32 $0x8;
	s8 =	sadd.s32 s1, s8;
	[smem:$0x7FB] =	sst s24  }
0x25: {  	s13 =	simm.s32 $0x12C0;
	s21 =	sadd.s32 s9, s4;
	[dreg:$0x9] =	wrdreg s8  }
0x26: {  	s7 =	simm.s32 $0x3;
	s9 =	sadd.s32 $0xB400, s16;
	[dreg:$0x10] =	wrdreg s21  }
0x27: {  	s10 =	simm.s32 $0x1360;
	s12 =	sadd.s32 $0xF000, s16;
	[dreg:$0x1a] =	wrdreg s9  }
0x28: {  	s22 =	sadd.s32 $0x19000, s16;
	s26 =	sadd.s32 $0x1E000, s16;
	[dreg:$0x1d] =	wrdreg s12  }
0x29: {  	s20 =	simm.s32 $0x4;
	s23 =	simm.s32 $0xA00;
	[smem:$0x7F9] =	sst s22  }
0x2a: {  	s24 =	simm.s32 $0x50;
	s8 =	sadd.s32 s1, s25;
	[smem:$0x7FD] =	sst s26  }
0x2b: {  	s2 =	simm.s32 $0x2;
	s25 =	sadd.s32 $0x3C00, s16;
	[dreg:$0xa] =	wrdreg s8  }
0x2c: {  	s11 =	simm.s32 $0x13B0;
	s21 =	sadd.s32 $0x17C00, s16;
	[dreg:$0x14] =	wrdreg s25  }
0x2d: {  	s8 =	sshrl.u32 s14, $0x3;
	s14 =	sadd.s32 $0x11800, s16;
	[smem:$0x7F8] =	sst s21  }
0x2e: {  	s22 =	simm.s32 $0x400;
	s25 =	sadd.s32 $0x1CC00, s16;
	[dreg:$0x1f] =	wrdreg s14  }
0x2f: {  	s26 =	simm.s32 $0x1;
	s8 =	sadd.s32 s1, s8;
	[smem:$0x7FC] =	sst s25  }
0x30: {  	s9 =	simm.s32 $0x9B0;
	[dreg:$0xc] =	wrdreg s8;
	s8 =	sadd.s32 s1, s17  }
.Ltmp0:
0x31: {  	s1 =	sadd.s32 s1, s18;
	[dreg:$0xd] =	wrdreg s8;
	(pc) =	sbr.rel .LBB2_1-.Ltmp0, $4  }
0x32: {  	s12 =	simm.s32 $0x1270;
	s17 =	sadd.s32 $0x14000, s16;
	[dreg:$0xe] =	wrdreg s1  }
0x33: {  	s21 =	simm.s32 $0x80;
	s18 =	sadd.s32 $0x15400, s16;
	[smem:$0x7F5] =	sst s17  }
0x34: {  	s25 =	simm.s32 $0x3C00;
	s8 =	sadd.s32 $0xA000, s16;
	[smem:$0x7F6] =	sst s18  }
0x35: {  	v0 =	vimm.f32 $0.0e+00;
	v1 =	vimm.f32 $1.000000000e+00;
	s1 =	simm.s32 $0x1400;
	[dreg:$0x19] =	wrdreg s8;
	s8 =	simm.s32 $0x5  }
.LBB2_35:
0x36: {  	_ =	swait.ge [sflag:s8], $0x2800  }
0x37: {  	[sflag:s8] =	ssyncset.done $0x0  }
0x38: {  	s14 =	simm.s32 $0x8C0;
	[sflag:s8] =	ssyncadd.s32 $0xFFFFD800  }
0x39: {  	[tilespmem:s25], [sflag:$0x2] =	stream.indirect.gather [hbm4b:s0+s24], $0x80, s14, s24, $0xb8;
	[tilespmem:$0x1CB78] =	vst v63  }
0x3a: {  	_ =	swait.ge [sflag:s26], $0x2800  }
0x3b: {  	[sflag:s26] =	ssyncset.done $0x0  }
0x3c: {  	[sflag:s26] =	ssyncadd.s32 $0xFFFFD800  }
0x3d: {  	[spmem:s4] =	stream.indirect.scatter.add.f32 [tilespmem:s28], [sflag:$0x7], $0x1, s12, s24, $0xb8;
	[tilespmem:$0x1CB78] =	vst v63  }
0x3e: {  	_ = 	snop  }
0x3f: {  	[spmem:s3] =	stream.indirect.scatter.add.f32 [tilespmem:s1], [sflag:$0x4], $0x80, s12, s24, $0xb8;
	[tilespmem:$0x1CB78] =	vst v63  }
0x40: {  	_ =	swait.ge [sflag:s29], $0x50  }
0x41: {  	[sflag:s29] =	ssyncset.done $0x0  }
0x42: {  	[sflag:s29] =	ssyncadd.s32 $0xFFFFFFB0  }
0x43: {  	_ =	swait.ge [sflag:s30], $0x2800  }
0x44: {  	[sflag:s30] =	ssyncset.done $0x0  }
0x45: {  	[sflag:s30] =	ssyncadd.s32 $0xFFFFD800  }
0x46: {  	_ =	swait.ge [sflag:s2], $0x2800  }
0x47: {  	[sflag:s2] =	ssyncset.done $0x0  }
0x48: {  	[sflag:s2] =	ssyncadd.s32 $0xFFFFD800  }
0x49: {  	[spmem:s4] =	stream.indirect.scatter.add.f32 [tilespmem:s28], [sflag:$0x7], $0x1, s13, s24, $0xb8;
	[tilespmem:$0x1CB78] =	vst v63  }
0x4a: {  	_ = 	snop  }
0x4b: {  	[spmem:s3] =	stream.indirect.scatter.add.f32 [tilespmem:s25], [sflag:$0x5], $0x80, s13, s24, $0xb8;
	[tilespmem:$0x1CB78] =	vst v63  }
0x4c: {  	_ =	swait.ge [sflag:s29], $0x50  }
0x4d: {  	[sflag:s29] =	ssyncset.done $0x0  }
0x4e: {  	[sflag:s29] =	ssyncadd.s32 $0xFFFFFFB0  }
0x4f: {  	_ =	swait.ge [sflag:s20], $0x2800  }
0x50: {  	[sflag:s20] =	ssyncset.done $0x0  }
0x51: {  	[sflag:s20] =	ssyncadd.s32 $0xFFFFD800  }
0x52: {  	_ =	swait.ge [sflag:s29], $0x50  }
0x53: {  	[sflag:s29] =	ssyncset.done $0x0  }
0x54: {  	[sflag:s29] =	ssyncadd.s32 $0xFFFFFFB0  }
0x55: {  	_ =	swait.ge [sflag:s8], $0x2800  }
0x56: {  	[sflag:s8] =	ssyncset.done $0x0  }
0x57: {  	[sflag:s8] =	ssyncadd.s32 $0xFFFFD800  }
0x58: {  	_ =	swait.ge [sflag:s29], $0x50  }
0x59: {  	[sflag:s29] =	ssyncset.done $0x0  }
0x5a: {  	s14 =	stileid.u32;
	[sflag:s29] =	ssyncadd.s32 $0xFFFFFFB0  }
0x5b: {  	s14 =	sshll.u32 @!p0 s14, $0x6;
	[bflag:$0x0] =	sbarrier.arrive $0xFFFF  }
0x5c: {  	s15 =	sshrl.u32 @!p0 s16, $0x3;
	s14 =	sor.u32 @!p0 $0x1C04, s14;
	s17 =	rddreg [dreg:$0xf]  }
0x5d: {  	[hbm:s17], [sflag:s14] =	dma.local @!p0 [spmem:s15], $0x3E80  }
0x5e: {  	s14 =	simm.s32 @!p0 $0x8C80;
	s15 =	rddreg [dreg:$0x10]  }
0x5f: {  	[tilespmem:s14], [sflag:$0x8] =	stream.linear.gather @!p0 [spmem:s15], $0x3E8, $0x38;
	[tilespmem:$0x1CB78] =	vst v63  }
0x60: {  	s15 =	simm.s32 @!p0 $0x8  }
0x61: {  	_ =	swait.ge @!p0 [sflag:s15], $0x3E8  }
0x62: {  	s5 =	sadd.s32 $0x1, s5;
	[sflag:s15] =	ssyncset.done @!p0 $0x0  }
0x63: {  	s17 =	simm.s32 @!p0 $0x0;
	s18 =	rddreg [dreg:$0x11];
	[sflag:s15] =	ssyncadd.s32 @!p0 $0xFFFFFC18  }
0x64: {  	[hbm4b:s18+s17] =	stream.linear.scatter @!p0 [tilespmem:s14], [sflag:$0x8], $0x3E8, $0x38;
	[tilespmem:$0x1CB78] =	vst v63  }
0x65: {  	p1 =	sne.s32 s5, s19;
	_ =	swait.ge @!p0 [sflag:s15], $0x3E8  }
.Ltmp1:
0x66: {  	[sflag:s15] =	ssyncset.done @!p0 $0x0;
	(pc) =	sbr.rel @!p1 .LBB2_36-.Ltmp1, $4  }
0x67: {  	s14 =	simm.s32 @!p0 $0x4;
	[sflag:s15] =	ssyncadd.s32 @!p0 $0xFFFFFC18  }
0x68: {  	_ =	swait.ge @!p0 [sflag:s14], $0x3E80  }
0x69: {  	[sflag:s14] =	ssyncset.done @!p0 $0x0  }
0x6a: {  	[sflag:s14] =	ssyncadd.s32 @!p0 $0xFFFFC180  }
.LBB2_1:
0x6b: {  	s14 =	simm.s32 $0x0;
	s15 =	simm.s32 $0x0  }
.LBB2_2:
0x6c: {  	p1 =	sne.s32 s15, $0x9FC0  }
.Ltmp2:
0x6d: {  	_ = 	snop;
	(pc) =	sbr.rel @p1 .LBB2_2-.Ltmp2, $4  }
0x6e: {  	s17 =	sand.u32 $0xFE00, s15  }
0x6f: {  	s18 =	sand.u32 $0x70, s14;
	s17 =	sshrl.u32 s17, $0x2  }
0x70: {  	s17 =	sor.u32 s18, s17  }
0x71: {  	s14 =	sadd.s32 $0x10, s14;
	s15 =	sadd.s32 $0x40, s15;
	[tilespmem:s17+$0x1400] =	vst v0  }
0x72: {  	s14 =	simm.s32 $0x40;
	s15 =	simm.s32 $0x0  }
.LBB2_4:
0x73: {  	p1 =	sne.s32 s14, $0xF80;
	[tilespmem:s15+$0x8C80] =	vst v0;
	s15 =	smov.u32 s14;
	s14 =	sadd.s32 $0x40, s14  }
.Ltmp3:
0x74: {  	(pc) =	sbr.rel @p1 .LBB2_4-.Ltmp3, $2  }
0x75: {  	_ =	sdelay $0x2  }
0x76: {  	s15 =	sshra.s32 s15, $0x2  }
0x77: {  	[tilespmem:s15+$0x8C80] =	vst v0  }
.Ltmp4:
0x78: {  	[tilespmem:$0x8C00] =	vst v1;
	(pc) =	sbr.rel @p0 .LBB2_7-.Ltmp4, $4  }
0x79: {  	[tilespmem:$0x8C10] =	vst v1  }
0x7a: {  	[tilespmem:$0x8C20] =	vst v1  }
0x7b: {  	[tilespmem:$0x8C30] =	vst v1  }
0x7c: {  	[tilespmem:$0x8C40] =	vst v1  }
0x7d: {  	[spmem:s16] =	stream.linear.scatter [tilespmem:s1], [sflag:$0x4], $0x1400, $0x38;
	[tilespmem:$0x1CB78] =	vst v63  }
0x7e: {  	s14 =	rddreg [dreg:$0x12]  }
0x7f: {  	s15 =	rddreg [dreg:$0x13]  }
0x80: {  	[spmem:s14] =	stream.linear.scatter [tilespmem:s1], [sflag:$0x4], $0x1400, $0x38;
	[tilespmem:$0x1CB78] =	vst v63  }
0x81: {  	s17 =	rddreg [dreg:$0x14]  }
0x82: {  	[spmem:s15] =	stream.linear.scatter [tilespmem:s1], [sflag:$0x4], $0x1400, $0x38;
	[tilespmem:$0x1CB78] =	vst v63  }
0x83: {  	s18 =	rddreg [dreg:$0x15]  }
0x84: {  	[spmem:s17] =	stream.linear.scatter [tilespmem:s1], [sflag:$0x4], $0x1400, $0x38;
	[tilespmem:$0x1CB78] =	vst v63  }
0x85: {  	s15 =	rddreg [dreg:$0x16]  }
0x86: {  	[spmem:s18] =	stream.linear.scatter [tilespmem:s1], [sflag:$0x4], $0x1400, $0x38;
	[tilespmem:$0x1CB78] =	vst v63  }
0x87: {  	s17 =	rddreg [dreg:$0x17]  }
0x88: {  	[spmem:s15] =	stream.linear.scatter [tilespmem:s1], [sflag:$0x4], $0x1400, $0x38;
	[tilespmem:$0x1CB78] =	vst v63  }
0x89: {  	s18 =	rddreg [dreg:$0x18]  }
0x8a: {  	[spmem:s17] =	stream.linear.scatter [tilespmem:s1], [sflag:$0x4], $0x1400, $0x38;
	[tilespmem:$0x1CB78] =	vst v63  }
0x8b: {  	s15 =	rddreg [dreg:$0x19]  }
0x8c: {  	[spmem:s18] =	stream.linear.scatter [tilespmem:s1], [sflag:$0x4], $0x1400, $0x38;
	[tilespmem:$0x1CB78] =	vst v63  }
0x8d: {  	s17 =	rddreg [dreg:$0x1a]  }
0x8e: {  	[spmem:s15] =	stream.linear.scatter [tilespmem:s1], [sflag:$0x4], $0x1400, $0x38;
	[tilespmem:$0x1CB78] =	vst v63  }
0x8f: {  	s18 =	rddreg [dreg:$0x1b]  }
0x90: {  	[spmem:s17] =	stream.linear.scatter [tilespmem:s1], [sflag:$0x4], $0x1400, $0x38;
	[tilespmem:$0x1CB78] =	vst v63  }
0x91: {  	s15 =	rddreg [dreg:$0x1c]  }
0x92: {  	[spmem:s18] =	stream.linear.scatter [tilespmem:s1], [sflag:$0x4], $0x1400, $0x38;
	[tilespmem:$0x1CB78] =	vst v63  }
0x93: {  	s17 =	rddreg [dreg:$0x1d]  }
0x94: {  	[spmem:s15] =	stream.linear.scatter [tilespmem:s1], [sflag:$0x4], $0x1400, $0x38;
	[tilespmem:$0x1CB78] =	vst v63  }
0x95: {  	s18 =	rddreg [dreg:$0x1e]  }
0x96: {  	[spmem:s17] =	stream.linear.scatter [tilespmem:s1], [sflag:$0x4], $0x1400, $0x38;
	[tilespmem:$0x1CB78] =	vst v63  }
0x97: {  	s15 =	rddreg [dreg:$0x1f]  }
0x98: {  	[spmem:s18] =	stream.linear.scatter [tilespmem:s1], [sflag:$0x4], $0x1400, $0x38;
	[tilespmem:$0x1CB78] =	vst v63  }
0x99: {  	s17 =	sld [smem:$0x7F4]  }
0x9a: {  	[spmem:s15] =	stream.linear.scatter [tilespmem:s1], [sflag:$0x4], $0x1400, $0x38;
	[tilespmem:$0x1CB78] =	vst v63  }
0x9b: {  	s18 =	sld [smem:$0x7F5]  }
0x9c: {  	[spmem:s17] =	stream.linear.scatter [tilespmem:s1], [sflag:$0x4], $0x1400, $0x38;
	[tilespmem:$0x1CB78] =	vst v63  }
0x9d: {  	s15 =	sld [smem:$0x7F6]  }
0x9e: {  	[spmem:s18] =	stream.linear.scatter [tilespmem:s1], [sflag:$0x4], $0x1400, $0x38;
	[tilespmem:$0x1CB78] =	vst v63  }
0x9f: {  	s17 =	sld [smem:$0x7F7]  }
0xa0: {  	[spmem:s15] =	stream.linear.scatter [tilespmem:s1], [sflag:$0x4], $0x1400, $0x38;
	[tilespmem:$0x1CB78] =	vst v63  }
0xa1: {  	s18 =	sld [smem:$0x7F8]  }
0xa2: {  	[spmem:s17] =	stream.linear.scatter [tilespmem:s1], [sflag:$0x4], $0x1400, $0x38;
	[tilespmem:$0x1CB78] =	vst v63  }
0xa3: {  	s15 =	sld [smem:$0x7F9]  }
0xa4: {  	[spmem:s18] =	stream.linear.scatter [tilespmem:s1], [sflag:$0x4], $0x1400, $0x38;
	[tilespmem:$0x1CB78] =	vst v63  }
0xa5: {  	s17 =	sld [smem:$0x7FA]  }
0xa6: {  	[spmem:s15] =	stream.linear.scatter [tilespmem:s1], [sflag:$0x4], $0x1400, $0x38;
	[tilespmem:$0x1CB78] =	vst v63  }
0xa7: {  	s18 =	sld [smem:$0x7FB]  }
0xa8: {  	[spmem:s17] =	stream.linear.scatter [tilespmem:s1], [sflag:$0x4], $0x1400, $0x38;
	[tilespmem:$0x1CB78] =	vst v63  }
0xa9: {  	s15 =	sld [smem:$0x7FC]  }
0xaa: {  	[spmem:s18] =	stream.linear.scatter [tilespmem:s1], [sflag:$0x4], $0x1400, $0x38;
	[tilespmem:$0x1CB78] =	vst v63  }
0xab: {  	s17 =	sld [smem:$0x7FD]  }
0xac: {  	[spmem:s15] =	stream.linear.scatter [tilespmem:s1], [sflag:$0x4], $0x1400, $0x38;
	[tilespmem:$0x1CB78] =	vst v63  }
0xad: {  	_ = 	snop  }
0xae: {  	[spmem:s17] =	stream.linear.scatter [tilespmem:s1], [sflag:$0x4], $0x1400, $0x38;
	[tilespmem:$0x1CB78] =	vst v63  }
0xaf: {  	s18 =	rddreg [dreg:$0x6];
	s15 =	simm.s32 $0x8C80  }
0xb0: {  	[spmem:s18] =	stream.linear.scatter [tilespmem:s15], [sflag:$0x8], $0x3E8, $0x38;
	[tilespmem:$0x1CB78] =	vst v63  }
0xb1: {  	_ =	swait.ge [sflag:s6], $0x3E8  }
0xb2: {  	[sflag:s6] =	ssyncset.done $0x0  }
0xb3: {  	[sflag:s6] =	ssyncadd.s32 $0xFFFFFC18  }
0xb4: {  	_ =	swait.ge [sflag:s20], $0x1400  }
0xb5: {  	[sflag:s20] =	ssyncset.done $0x0  }
0xb6: {  	[sflag:s20] =	ssyncadd.s32 $0xFFFFEC00  }
0xb7: {  	_ =	swait.ge [sflag:s20], $0x1400  }
0xb8: {  	[sflag:s20] =	ssyncset.done $0x0  }
0xb9: {  	[sflag:s20] =	ssyncadd.s32 $0xFFFFEC00  }
0xba: {  	_ =	swait.ge [sflag:s20], $0x1400  }
0xbb: {  	[sflag:s20] =	ssyncset.done $0x0  }
0xbc: {  	[sflag:s20] =	ssyncadd.s32 $0xFFFFEC00  }
0xbd: {  	_ =	swait.ge [sflag:s20], $0x1400  }
0xbe: {  	[sflag:s20] =	ssyncset.done $0x0  }
0xbf: {  	[sflag:s20] =	ssyncadd.s32 $0xFFFFEC00  }
0xc0: {  	_ =	swait.ge [sflag:s20], $0x1400  }
0xc1: {  	[sflag:s20] =	ssyncset.done $0x0  }
0xc2: {  	[sflag:s20] =	ssyncadd.s32 $0xFFFFEC00  }
0xc3: {  	_ =	swait.ge [sflag:s20], $0x1400  }
0xc4: {  	[sflag:s20] =	ssyncset.done $0x0  }
0xc5: {  	[sflag:s20] =	ssyncadd.s32 $0xFFFFEC00  }
0xc6: {  	_ =	swait.ge [sflag:s20], $0x1400  }
0xc7: {  	[sflag:s20] =	ssyncset.done $0x0  }
0xc8: {  	[sflag:s20] =	ssyncadd.s32 $0xFFFFEC00  }
0xc9: {  	_ =	swait.ge [sflag:s20], $0x1400  }
0xca: {  	[sflag:s20] =	ssyncset.done $0x0  }
0xcb: {  	[sflag:s20] =	ssyncadd.s32 $0xFFFFEC00  }
0xcc: {  	_ =	swait.ge [sflag:s20], $0x1400  }
0xcd: {  	[sflag:s20] =	ssyncset.done $0x0  }
0xce: {  	[sflag:s20] =	ssyncadd.s32 $0xFFFFEC00  }
0xcf: {  	_ =	swait.ge [sflag:s20], $0x1400  }
0xd0: {  	[sflag:s20] =	ssyncset.done $0x0  }
0xd1: {  	[sflag:s20] =	ssyncadd.s32 $0xFFFFEC00  }
0xd2: {  	_ =	swait.ge [sflag:s20], $0x1400  }
0xd3: {  	[sflag:s20] =	ssyncset.done $0x0  }
0xd4: {  	[sflag:s20] =	ssyncadd.s32 $0xFFFFEC00  }
0xd5: {  	_ =	swait.ge [sflag:s20], $0x1400  }
0xd6: {  	[sflag:s20] =	ssyncset.done $0x0  }
0xd7: {  	[sflag:s20] =	ssyncadd.s32 $0xFFFFEC00  }
0xd8: {  	_ =	swait.ge [sflag:s20], $0x1400  }
0xd9: {  	[sflag:s20] =	ssyncset.done $0x0  }
0xda: {  	[sflag:s20] =	ssyncadd.s32 $0xFFFFEC00  }
0xdb: {  	_ =	swait.ge [sflag:s20], $0x1400  }
0xdc: {  	[sflag:s20] =	ssyncset.done $0x0  }
0xdd: {  	[sflag:s20] =	ssyncadd.s32 $0xFFFFEC00  }
0xde: {  	_ =	swait.ge [sflag:s20], $0x1400  }
0xdf: {  	[sflag:s20] =	ssyncset.done $0x0  }
0xe0: {  	[sflag:s20] =	ssyncadd.s32 $0xFFFFEC00  }
0xe1: {  	_ =	swait.ge [sflag:s20], $0x1400  }
0xe2: {  	[sflag:s20] =	ssyncset.done $0x0  }
0xe3: {  	[sflag:s20] =	ssyncadd.s32 $0xFFFFEC00  }
0xe4: {  	_ =	swait.ge [sflag:s20], $0x1400  }
0xe5: {  	[sflag:s20] =	ssyncset.done $0x0  }
0xe6: {  	[sflag:s20] =	ssyncadd.s32 $0xFFFFEC00  }
0xe7: {  	_ =	swait.ge [sflag:s20], $0x1400  }
0xe8: {  	[sflag:s20] =	ssyncset.done $0x0  }
0xe9: {  	[sflag:s20] =	ssyncadd.s32 $0xFFFFEC00  }
0xea: {  	_ =	swait.ge [sflag:s20], $0x1400  }
0xeb: {  	[sflag:s20] =	ssyncset.done $0x0  }
0xec: {  	[sflag:s20] =	ssyncadd.s32 $0xFFFFEC00  }
0xed: {  	_ =	swait.ge [sflag:s20], $0x1400  }
0xee: {  	[sflag:s20] =	ssyncset.done $0x0  }
0xef: {  	[sflag:s20] =	ssyncadd.s32 $0xFFFFEC00  }
0xf0: {  	_ =	swait.ge [sflag:s20], $0x1400  }
0xf1: {  	[sflag:s20] =	ssyncset.done $0x0  }
0xf2: {  	[sflag:s20] =	ssyncadd.s32 $0xFFFFEC00  }
0xf3: {  	_ =	swait.ge [sflag:s20], $0x1400  }
0xf4: {  	[sflag:s20] =	ssyncset.done $0x0  }
0xf5: {  	[sflag:s20] =	ssyncadd.s32 $0xFFFFEC00  }
0xf6: {  	_ =	swait.ge [sflag:s20], $0x1400  }
0xf7: {  	[sflag:s20] =	ssyncset.done $0x0  }
0xf8: {  	[sflag:s20] =	ssyncadd.s32 $0xFFFFEC00  }
0xf9: {  	_ =	swait.ge [sflag:s20], $0x1400  }
0xfa: {  	[sflag:s20] =	ssyncset.done $0x0  }
0xfb: {  	[sflag:s20] =	ssyncadd.s32 $0xFFFFEC00  }
0xfc: {  	_ =	swait.ge [sflag:s20], $0x1400  }
0xfd: {  	[sflag:s20] =	ssyncset.done $0x0  }
0xfe: {  	[sflag:s20] =	ssyncadd.s32 $0xFFFFEC00  }
.LBB2_7:
0xff: {  	[bflag:$0x0] =	sbarrier.arrive $0xFFFF  }
0x100: {  	s14 =	simm.s32 $0x0;
	s15 =	rddreg [dreg:$0x7]  }
0x101: {  	[tilespmem:s14], [sflag:$0x8] =	stream.strided.gather [hbm4b:s15+s21], $0xA00, s22, s21, $0x38;
	[tilespmem:$0x1CB78] =	vst v63  }
0x102: {  	_ =	swait.ge [sflag:s6], $0xA00  }
0x103: {  	[sflag:s6] =	ssyncset.done $0x0  }
0x104: {  	s18 =	rddreg [dreg:$0x8];
	[sflag:s6] =	ssyncadd.s32 $0xFFFFF600  }
0x105: {  	[tilespmem:s23], [sflag:$0x8] =	stream.strided.gather [hbm4b:s18+s21], $0xA00, s22, s21, $0x38;
	[tilespmem:$0x1CB78] =	vst v63  }
.Ltmp5:
0x106: {  	_ = 	snop;
	(pc) =	sbr.rel .LBB2_8-.Ltmp5, $4  }
0x107: {  	_ =	swait.ge [sflag:s6], $0xA00  }
0x108: {  	[sflag:s6] =	ssyncset.done $0x0  }
0x109: {  	s15 =	simm.s32 $0xFFFFFFFE;
	[sflag:s6] =	ssyncadd.s32 $0xFFFFF600  }
0x10a: {  	[tilespmem:s1], [sflag:$0x1] =	stream.indirect.gather [hbm4b:s0+s24], $0x80, s14, s24, $0xb8;
	[tilespmem:$0x1CB78] =	vst v63  }
.LBB2_12:
0x10b: {  	s18 =	sadd.s32 $0xA0, s17  }
0x10c: {  	[tilespmem:s31], [sflag:$0x3] =	stream.indirect.gather [hbm4b:s0+s24], $0x80, s18, s24, $0xb8;
	[tilespmem:$0x1CB78] =	vst v63  }
0x10d: {  	_ =	swait.ge [sflag:s2], $0x2800  }
0x10e: {  	[sflag:s2] =	ssyncset.done $0x0  }
0x10f: {  	s18 =	sadd.s32 $0xA50, s17;
	[sflag:s2] =	ssyncadd.s32 $0xFFFFD800  }
0x110: {  	[spmem:s4] =	stream.indirect.scatter.add.f32 [tilespmem:s28], [sflag:$0x7], $0x1, s18, s24, $0xb8;
	[tilespmem:$0x1CB78] =	vst v63  }
0x111: {  	_ = 	snop  }
0x112: {  	[spmem:s3] =	stream.indirect.scatter.add.f32 [tilespmem:s25], [sflag:$0x5], $0x80, s18, s24, $0xb8;
	[tilespmem:$0x1CB78] =	vst v63  }
.LBB2_13:
0x113: {  	_ =	swait.ge [sflag:s20], $0x2800  }
0x114: {  	[sflag:s20] =	ssyncset.done $0x0  }
0x115: {  	s18 =	sadd.s32 $0xF0, s17;
	[sflag:s20] =	ssyncadd.s32 $0xFFFFD800  }
0x116: {  	[tilespmem:s1], [sflag:$0x1] =	stream.indirect.gather [hbm4b:s0+s24], $0x80, s18, s24, $0xb8;
	[tilespmem:$0x1CB78] =	vst v63  }
0x117: {  	_ =	swait.ge [sflag:s7], $0x2800  }
0x118: {  	s14 =	sadd.s32 $0x3C0, s14;
	[sflag:s7] =	ssyncset.done $0x0  }
0x119: {  	p1 =	sne.s32 s14, $0x2580;
	s18 =	sadd.s32 $0xAA0, s17;
	[sflag:s7] =	ssyncadd.s32 $0xFFFFD800  }
0x11a: {  	[spmem:s4] =	stream.indirect.scatter.add.f32 [tilespmem:s28], [sflag:$0x7], $0x1, s18, s24, $0xb8;
	[tilespmem:$0x1CB78] =	vst v63  }
.Ltmp6:
0x11b: {  	_ = 	snop;
	(pc) =	sbr.rel @!p1 .LBB2_14-.Ltmp6, $4  }
0x11c: {  	[spmem:s3] =	stream.indirect.scatter.add.f32 [tilespmem:s31], [sflag:$0x6], $0x80, s18, s24, $0xb8;
	[tilespmem:$0x1CB78] =	vst v63  }
0x11d: {  	_ =	swait.ge [sflag:s29], $0x50  }
0x11e: {  	[sflag:s29] =	ssyncset.done $0x0  }
0x11f: {  	s15 =	sadd.s32 $0x3, s15;
	[sflag:s29] =	ssyncadd.s32 $0xFFFFFFB0  }
.LBB2_8:
0x120: {  	p1 =	sgt.u32 s15, $0x1D  }
0x121: {  	s18 =	simm.s32 @!p1 $0x5  }
0x122: {  	_ =	swait.ge @!p1 [sflag:s18], $0x2800  }
0x123: {  	s17 =	sshra.s32 s14, $0x2;
	[sflag:s18] =	ssyncset.done @!p1 $0x0  }
0x124: {  	[sflag:s18] =	ssyncadd.s32 @!p1 $0xFFFFD800;
	s18 =	sadd.s32 $0x50, s17  }
0x125: {  	[tilespmem:s25], [sflag:$0x2] =	stream.indirect.gather [hbm4b:s0+s24], $0x80, s18, s24, $0xb8;
	[tilespmem:$0x1CB78] =	vst v63  }
0x126: {  	_ =	swait.ge [sflag:s26], $0x2800  }
.Ltmp7:
0x127: {  	[sflag:s26] =	ssyncset.done $0x0;
	(pc) =	sbr.rel @p1 .LBB2_10-.Ltmp7, $4  }
0x128: {  	s18 =	sadd.s32 $0xA00, s17;
	[sflag:s26] =	ssyncadd.s32 $0xFFFFD800  }
0x129: {  	[spmem:s4] =	stream.indirect.scatter.add.f32 [tilespmem:s28], [sflag:$0x7], $0x1, s18, s24, $0xb8;
	[tilespmem:$0x1CB78] =	vst v63  }
0x12a: {  	_ = 	snop  }
0x12b: {  	[spmem:s3] =	stream.indirect.scatter.add.f32 [tilespmem:s1], [sflag:$0x4], $0x80, s18, s24, $0xb8;
	[tilespmem:$0x1CB78] =	vst v63  }
.Ltmp8:
0x12c: {  	(pc) =	sbr.rel .LBB2_11-.Ltmp8, $4  }
0x12d: {  	_ = 	snop  }
0x12e: {  	_ =	swait.ge [sflag:s29], $0x50  }
0x12f: {  	[sflag:s29] =	ssyncset.done $0x0  }
0x130: {  	[sflag:s29] =	ssyncadd.s32 $0xFFFFFFB0  }
.LBB2_10:
0x131: {  	s18 =	sadd.s32 $0x1, s15  }
0x132: {  	p1 =	sgt.u32 s18, $0x1D  }
.Ltmp9:
0x133: {  	_ = 	snop;
	(pc) =	sbr.rel @p1 .LBB2_12-.Ltmp9, $1  }
0x134: {  	_ =	sdelay $0x3  }
.LBB2_11:
0x135: {  	_ =	swait.ge [sflag:s30], $0x2800  }
0x136: {  	[sflag:s30] =	ssyncset.done $0x0  }
0x137: {  	s18 =	sadd.s32 $0xA0, s17;
	[sflag:s30] =	ssyncadd.s32 $0xFFFFD800  }
0x138: {  	[tilespmem:s31], [sflag:$0x3] =	stream.indirect.gather [hbm4b:s0+s24], $0x80, s18, s24, $0xb8;
	[tilespmem:$0x1CB78] =	vst v63  }
0x139: {  	_ =	swait.ge [sflag:s2], $0x2800  }
0x13a: {  	[sflag:s2] =	ssyncset.done $0x0  }
0x13b: {  	s18 =	sadd.s32 $0xA50, s17;
	[sflag:s2] =	ssyncadd.s32 $0xFFFFD800  }
0x13c: {  	[spmem:s4] =	stream.indirect.scatter.add.f32 [tilespmem:s28], [sflag:$0x7], $0x1, s18, s24, $0xb8;
	[tilespmem:$0x1CB78] =	vst v63  }
.Ltmp10:
0x13d: {  	_ = 	snop;
	(pc) =	sbr.rel .LBB2_13-.Ltmp10, $4  }
0x13e: {  	[spmem:s3] =	stream.indirect.scatter.add.f32 [tilespmem:s25], [sflag:$0x5], $0x80, s18, s24, $0xb8;
	[tilespmem:$0x1CB78] =	vst v63  }
0x13f: {  	_ =	swait.ge [sflag:s29], $0x50  }
0x140: {  	[sflag:s29] =	ssyncset.done $0x0  }
0x141: {  	[sflag:s29] =	ssyncadd.s32 $0xFFFFFFB0  }
.LBB2_14:
0x142: {  	_ =	swait.ge [sflag:s8], $0x2800  }
0x143: {  	[sflag:s8] =	ssyncset.done $0x0  }
0x144: {  	[sflag:s8] =	ssyncadd.s32 $0xFFFFD800  }
0x145: {  	[tilespmem:s25], [sflag:$0x2] =	stream.indirect.gather [hbm4b:s0+s24], $0x80, s9, s24, $0xb8;
	[tilespmem:$0x1CB78] =	vst v63  }
0x146: {  	_ =	swait.ge [sflag:s26], $0x2800  }
0x147: {  	[sflag:s26] =	ssyncset.done $0x0  }
0x148: {  	[sflag:s26] =	ssyncadd.s32 $0xFFFFD800  }
0x149: {  	[spmem:s4] =	stream.indirect.scatter.add.f32 [tilespmem:s28], [sflag:$0x7], $0x1, s10, s24, $0xb8;
	[tilespmem:$0x1CB78] =	vst v63  }
0x14a: {  	_ = 	snop  }
0x14b: {  	[spmem:s3] =	stream.indirect.scatter.add.f32 [tilespmem:s1], [sflag:$0x4], $0x80, s10, s24, $0xb8;
	[tilespmem:$0x1CB78] =	vst v63  }
0x14c: {  	_ =	swait.ge [sflag:s29], $0x50  }
0x14d: {  	[sflag:s29] =	ssyncset.done $0x0  }
0x14e: {  	[sflag:s29] =	ssyncadd.s32 $0xFFFFFFB0  }
0x14f: {  	_ =	swait.ge [sflag:s30], $0x2800  }
0x150: {  	[sflag:s30] =	ssyncset.done $0x0  }
0x151: {  	[sflag:s30] =	ssyncadd.s32 $0xFFFFD800  }
0x152: {  	_ =	swait.ge [sflag:s2], $0x2800  }
0x153: {  	[sflag:s2] =	ssyncset.done $0x0  }
0x154: {  	[sflag:s2] =	ssyncadd.s32 $0xFFFFD800  }
0x155: {  	[spmem:s4] =	stream.indirect.scatter.add.f32 [tilespmem:s28], [sflag:$0x7], $0x1, s11, s24, $0xb8;
	[tilespmem:$0x1CB78] =	vst v63  }
0x156: {  	_ = 	snop  }
0x157: {  	[spmem:s3] =	stream.indirect.scatter.add.f32 [tilespmem:s25], [sflag:$0x5], $0x80, s11, s24, $0xb8;
	[tilespmem:$0x1CB78] =	vst v63  }
0x158: {  	_ =	swait.ge [sflag:s29], $0x50  }
0x159: {  	[sflag:s29] =	ssyncset.done $0x0  }
0x15a: {  	[sflag:s29] =	ssyncadd.s32 $0xFFFFFFB0  }
0x15b: {  	_ =	swait.ge [sflag:s20], $0x2800  }
0x15c: {  	[sflag:s20] =	ssyncset.done $0x0  }
0x15d: {  	[sflag:s20] =	ssyncadd.s32 $0xFFFFD800  }
0x15e: {  	_ =	swait.ge [sflag:s29], $0x50  }
0x15f: {  	[sflag:s29] =	ssyncset.done $0x0  }
0x160: {  	[sflag:s29] =	ssyncadd.s32 $0xFFFFFFB0  }
0x161: {  	_ =	swait.ge [sflag:s8], $0x2800  }
0x162: {  	[sflag:s8] =	ssyncset.done $0x0  }
0x163: {  	[sflag:s8] =	ssyncadd.s32 $0xFFFFD800  }
0x164: {  	_ =	swait.ge [sflag:s29], $0x50  }
0x165: {  	[sflag:s29] =	ssyncset.done $0x0  }
0x166: {  	s14 =	simm.s32 $0x0;
	s15 =	rddreg [dreg:$0x9];
	[sflag:s29] =	ssyncadd.s32 $0xFFFFFFB0  }
0x167: {  	[tilespmem:s14], [sflag:$0x8] =	stream.strided.gather [hbm4b:s15+s21], $0xA00, s22, s21, $0x38;
	[tilespmem:$0x1CB78] =	vst v63  }
0x168: {  	_ =	swait.ge [sflag:s6], $0xA00  }
0x169: {  	[sflag:s6] =	ssyncset.done $0x0  }
0x16a: {  	s18 =	rddreg [dreg:$0xa];
	[sflag:s6] =	ssyncadd.s32 $0xFFFFF600  }
0x16b: {  	[tilespmem:s23], [sflag:$0x8] =	stream.strided.gather [hbm4b:s18+s21], $0xA00, s22, s21, $0x38;
	[tilespmem:$0x1CB78] =	vst v63  }
.Ltmp11:
0x16c: {  	_ = 	snop;
	(pc) =	sbr.rel .LBB2_15-.Ltmp11, $4  }
0x16d: {  	_ =	swait.ge [sflag:s6], $0xA00  }
0x16e: {  	[sflag:s6] =	ssyncset.done $0x0  }
0x16f: {  	s15 =	simm.s32 $0xFFFFFFFE;
	[sflag:s6] =	ssyncadd.s32 $0xFFFFF600  }
0x170: {  	[tilespmem:s1], [sflag:$0x1] =	stream.indirect.gather [hbm4b:s0+s24], $0x80, s14, s24, $0xb8;
	[tilespmem:$0x1CB78] =	vst v63  }
.LBB2_19:
0x171: {  	s18 =	sadd.s32 $0xA0, s17  }
0x172: {  	[tilespmem:s31], [sflag:$0x3] =	stream.indirect.gather [hbm4b:s0+s24], $0x80, s18, s24, $0xb8;
	[tilespmem:$0x1CB78] =	vst v63  }
0x173: {  	_ =	swait.ge [sflag:s2], $0x2800  }
0x174: {  	[sflag:s2] =	ssyncset.done $0x0  }
0x175: {  	s18 =	sadd.s32 $0xA50, s17;
	[sflag:s2] =	ssyncadd.s32 $0xFFFFD800  }
0x176: {  	[spmem:s4] =	stream.indirect.scatter.add.f32 [tilespmem:s28], [sflag:$0x7], $0x1, s18, s24, $0xb8;
	[tilespmem:$0x1CB78] =	vst v63  }
0x177: {  	_ = 	snop  }
0x178: {  	[spmem:s3] =	stream.indirect.scatter.add.f32 [tilespmem:s25], [sflag:$0x5], $0x80, s18, s24, $0xb8;
	[tilespmem:$0x1CB78] =	vst v63  }
.LBB2_20:
0x179: {  	_ =	swait.ge [sflag:s20], $0x2800  }
0x17a: {  	[sflag:s20] =	ssyncset.done $0x0  }
0x17b: {  	s18 =	sadd.s32 $0xF0, s17;
	[sflag:s20] =	ssyncadd.s32 $0xFFFFD800  }
0x17c: {  	[tilespmem:s1], [sflag:$0x1] =	stream.indirect.gather [hbm4b:s0+s24], $0x80, s18, s24, $0xb8;
	[tilespmem:$0x1CB78] =	vst v63  }
0x17d: {  	_ =	swait.ge [sflag:s7], $0x2800  }
0x17e: {  	s14 =	sadd.s32 $0x3C0, s14;
	[sflag:s7] =	ssyncset.done $0x0  }
0x17f: {  	p1 =	sne.s32 s14, $0x2580;
	s18 =	sadd.s32 $0xAA0, s17;
	[sflag:s7] =	ssyncadd.s32 $0xFFFFD800  }
0x180: {  	[spmem:s4] =	stream.indirect.scatter.add.f32 [tilespmem:s28], [sflag:$0x7], $0x1, s18, s24, $0xb8;
	[tilespmem:$0x1CB78] =	vst v63  }
.Ltmp12:
0x181: {  	_ = 	snop;
	(pc) =	sbr.rel @!p1 .LBB2_21-.Ltmp12, $4  }
0x182: {  	[spmem:s3] =	stream.indirect.scatter.add.f32 [tilespmem:s31], [sflag:$0x6], $0x80, s18, s24, $0xb8;
	[tilespmem:$0x1CB78] =	vst v63  }
0x183: {  	_ =	swait.ge [sflag:s29], $0x50  }
0x184: {  	[sflag:s29] =	ssyncset.done $0x0  }
0x185: {  	s15 =	sadd.s32 $0x3, s15;
	[sflag:s29] =	ssyncadd.s32 $0xFFFFFFB0  }
.LBB2_15:
0x186: {  	p1 =	sgt.u32 s15, $0x1D  }
0x187: {  	s18 =	simm.s32 @!p1 $0x5  }
0x188: {  	_ =	swait.ge @!p1 [sflag:s18], $0x2800  }
0x189: {  	s17 =	sshra.s32 s14, $0x2;
	[sflag:s18] =	ssyncset.done @!p1 $0x0  }
0x18a: {  	[sflag:s18] =	ssyncadd.s32 @!p1 $0xFFFFD800;
	s18 =	sadd.s32 $0x50, s17  }
0x18b: {  	[tilespmem:s25], [sflag:$0x2] =	stream.indirect.gather [hbm4b:s0+s24], $0x80, s18, s24, $0xb8;
	[tilespmem:$0x1CB78] =	vst v63  }
0x18c: {  	_ =	swait.ge [sflag:s26], $0x2800  }
.Ltmp13:
0x18d: {  	[sflag:s26] =	ssyncset.done $0x0;
	(pc) =	sbr.rel @p1 .LBB2_17-.Ltmp13, $4  }
0x18e: {  	s18 =	sadd.s32 $0xA00, s17;
	[sflag:s26] =	ssyncadd.s32 $0xFFFFD800  }
0x18f: {  	[spmem:s4] =	stream.indirect.scatter.add.f32 [tilespmem:s28], [sflag:$0x7], $0x1, s18, s24, $0xb8;
	[tilespmem:$0x1CB78] =	vst v63  }
0x190: {  	_ = 	snop  }
0x191: {  	[spmem:s3] =	stream.indirect.scatter.add.f32 [tilespmem:s1], [sflag:$0x4], $0x80, s18, s24, $0xb8;
	[tilespmem:$0x1CB78] =	vst v63  }
.Ltmp14:
0x192: {  	(pc) =	sbr.rel .LBB2_18-.Ltmp14, $4  }
0x193: {  	_ = 	snop  }
0x194: {  	_ =	swait.ge [sflag:s29], $0x50  }
0x195: {  	[sflag:s29] =	ssyncset.done $0x0  }
0x196: {  	[sflag:s29] =	ssyncadd.s32 $0xFFFFFFB0  }
.LBB2_17:
0x197: {  	s18 =	sadd.s32 $0x1, s15  }
0x198: {  	p1 =	sgt.u32 s18, $0x1D  }
.Ltmp15:
0x199: {  	_ = 	snop;
	(pc) =	sbr.rel @p1 .LBB2_19-.Ltmp15, $1  }
0x19a: {  	_ =	sdelay $0x3  }
.LBB2_18:
0x19b: {  	_ =	swait.ge [sflag:s30], $0x2800  }
0x19c: {  	[sflag:s30] =	ssyncset.done $0x0  }
0x19d: {  	s18 =	sadd.s32 $0xA0, s17;
	[sflag:s30] =	ssyncadd.s32 $0xFFFFD800  }
0x19e: {  	[tilespmem:s31], [sflag:$0x3] =	stream.indirect.gather [hbm4b:s0+s24], $0x80, s18, s24, $0xb8;
	[tilespmem:$0x1CB78] =	vst v63  }
0x19f: {  	_ =	swait.ge [sflag:s2], $0x2800  }
0x1a0: {  	[sflag:s2] =	ssyncset.done $0x0  }
0x1a1: {  	s18 =	sadd.s32 $0xA50, s17;
	[sflag:s2] =	ssyncadd.s32 $0xFFFFD800  }
0x1a2: {  	[spmem:s4] =	stream.indirect.scatter.add.f32 [tilespmem:s28], [sflag:$0x7], $0x1, s18, s24, $0xb8;
	[tilespmem:$0x1CB78] =	vst v63  }
.Ltmp16:
0x1a3: {  	_ = 	snop;
	(pc) =	sbr.rel .LBB2_20-.Ltmp16, $4  }
0x1a4: {  	[spmem:s3] =	stream.indirect.scatter.add.f32 [tilespmem:s25], [sflag:$0x5], $0x80, s18, s24, $0xb8;
	[tilespmem:$0x1CB78] =	vst v63  }
0x1a5: {  	_ =	swait.ge [sflag:s29], $0x50  }
0x1a6: {  	[sflag:s29] =	ssyncset.done $0x0  }
0x1a7: {  	[sflag:s29] =	ssyncadd.s32 $0xFFFFFFB0  }
.LBB2_21:
0x1a8: {  	_ =	swait.ge [sflag:s8], $0x2800  }
0x1a9: {  	[sflag:s8] =	ssyncset.done $0x0  }
0x1aa: {  	[sflag:s8] =	ssyncadd.s32 $0xFFFFD800  }
0x1ab: {  	[tilespmem:s25], [sflag:$0x2] =	stream.indirect.gather [hbm4b:s0+s24], $0x80, s9, s24, $0xb8;
	[tilespmem:$0x1CB78] =	vst v63  }
0x1ac: {  	_ =	swait.ge [sflag:s26], $0x2800  }
0x1ad: {  	[sflag:s26] =	ssyncset.done $0x0  }
0x1ae: {  	[sflag:s26] =	ssyncadd.s32 $0xFFFFD800  }
0x1af: {  	[spmem:s4] =	stream.indirect.scatter.add.f32 [tilespmem:s28], [sflag:$0x7], $0x1, s10, s24, $0xb8;
	[tilespmem:$0x1CB78] =	vst v63  }
0x1b0: {  	_ = 	snop  }
0x1b1: {  	[spmem:s3] =	stream.indirect.scatter.add.f32 [tilespmem:s1], [sflag:$0x4], $0x80, s10, s24, $0xb8;
	[tilespmem:$0x1CB78] =	vst v63  }
0x1b2: {  	_ =	swait.ge [sflag:s29], $0x50  }
0x1b3: {  	[sflag:s29] =	ssyncset.done $0x0  }
0x1b4: {  	[sflag:s29] =	ssyncadd.s32 $0xFFFFFFB0  }
0x1b5: {  	_ =	swait.ge [sflag:s30], $0x2800  }
0x1b6: {  	[sflag:s30] =	ssyncset.done $0x0  }
0x1b7: {  	[sflag:s30] =	ssyncadd.s32 $0xFFFFD800  }
0x1b8: {  	_ =	swait.ge [sflag:s2], $0x2800  }
0x1b9: {  	[sflag:s2] =	ssyncset.done $0x0  }
0x1ba: {  	[sflag:s2] =	ssyncadd.s32 $0xFFFFD800  }
0x1bb: {  	[spmem:s4] =	stream.indirect.scatter.add.f32 [tilespmem:s28], [sflag:$0x7], $0x1, s11, s24, $0xb8;
	[tilespmem:$0x1CB78] =	vst v63  }
0x1bc: {  	_ = 	snop  }
0x1bd: {  	[spmem:s3] =	stream.indirect.scatter.add.f32 [tilespmem:s25], [sflag:$0x5], $0x80, s11, s24, $0xb8;
	[tilespmem:$0x1CB78] =	vst v63  }
0x1be: {  	_ =	swait.ge [sflag:s29], $0x50  }
0x1bf: {  	[sflag:s29] =	ssyncset.done $0x0  }
0x1c0: {  	[sflag:s29] =	ssyncadd.s32 $0xFFFFFFB0  }
0x1c1: {  	_ =	swait.ge [sflag:s20], $0x2800  }
0x1c2: {  	[sflag:s20] =	ssyncset.done $0x0  }
0x1c3: {  	[sflag:s20] =	ssyncadd.s32 $0xFFFFD800  }
0x1c4: {  	_ =	swait.ge [sflag:s29], $0x50  }
0x1c5: {  	[sflag:s29] =	ssyncset.done $0x0  }
0x1c6: {  	[sflag:s29] =	ssyncadd.s32 $0xFFFFFFB0  }
0x1c7: {  	_ =	swait.ge [sflag:s8], $0x2800  }
0x1c8: {  	[sflag:s8] =	ssyncset.done $0x0  }
0x1c9: {  	[sflag:s8] =	ssyncadd.s32 $0xFFFFD800  }
0x1ca: {  	_ =	swait.ge [sflag:s29], $0x50  }
0x1cb: {  	[sflag:s29] =	ssyncset.done $0x0  }
0x1cc: {  	s14 =	simm.s32 $0x0;
	s15 =	rddreg [dreg:$0xb];
	[sflag:s29] =	ssyncadd.s32 $0xFFFFFFB0  }
0x1cd: {  	[tilespmem:s14], [sflag:$0x8] =	stream.strided.gather [hbm4b:s15+s21], $0xA00, s22, s21, $0x38;
	[tilespmem:$0x1CB78] =	vst v63  }
0x1ce: {  	_ =	swait.ge [sflag:s6], $0xA00  }
0x1cf: {  	[sflag:s6] =	ssyncset.done $0x0  }
0x1d0: {  	s18 =	rddreg [dreg:$0xc];
	[sflag:s6] =	ssyncadd.s32 $0xFFFFF600  }
0x1d1: {  	[tilespmem:s23], [sflag:$0x8] =	stream.strided.gather [hbm4b:s18+s21], $0xA00, s22, s21, $0x38;
	[tilespmem:$0x1CB78] =	vst v63  }
.Ltmp17:
0x1d2: {  	_ = 	snop;
	(pc) =	sbr.rel .LBB2_22-.Ltmp17, $4  }
0x1d3: {  	_ =	swait.ge [sflag:s6], $0xA00  }
0x1d4: {  	[sflag:s6] =	ssyncset.done $0x0  }
0x1d5: {  	s15 =	simm.s32 $0xFFFFFFFE;
	[sflag:s6] =	ssyncadd.s32 $0xFFFFF600  }
0x1d6: {  	[tilespmem:s1], [sflag:$0x1] =	stream.indirect.gather [hbm4b:s0+s24], $0x80, s14, s24, $0xb8;
	[tilespmem:$0x1CB78] =	vst v63  }
.LBB2_26:
0x1d7: {  	s18 =	sadd.s32 $0xA0, s17  }
0x1d8: {  	[tilespmem:s31], [sflag:$0x3] =	stream.indirect.gather [hbm4b:s0+s24], $0x80, s18, s24, $0xb8;
	[tilespmem:$0x1CB78] =	vst v63  }
0x1d9: {  	_ =	swait.ge [sflag:s2], $0x2800  }
0x1da: {  	[sflag:s2] =	ssyncset.done $0x0  }
0x1db: {  	s18 =	sadd.s32 $0xA50, s17;
	[sflag:s2] =	ssyncadd.s32 $0xFFFFD800  }
0x1dc: {  	[spmem:s4] =	stream.indirect.scatter.add.f32 [tilespmem:s28], [sflag:$0x7], $0x1, s18, s24, $0xb8;
	[tilespmem:$0x1CB78] =	vst v63  }
0x1dd: {  	_ = 	snop  }
0x1de: {  	[spmem:s3] =	stream.indirect.scatter.add.f32 [tilespmem:s25], [sflag:$0x5], $0x80, s18, s24, $0xb8;
	[tilespmem:$0x1CB78] =	vst v63  }
.LBB2_27:
0x1df: {  	_ =	swait.ge [sflag:s20], $0x2800  }
0x1e0: {  	[sflag:s20] =	ssyncset.done $0x0  }
0x1e1: {  	s18 =	sadd.s32 $0xF0, s17;
	[sflag:s20] =	ssyncadd.s32 $0xFFFFD800  }
0x1e2: {  	[tilespmem:s1], [sflag:$0x1] =	stream.indirect.gather [hbm4b:s0+s24], $0x80, s18, s24, $0xb8;
	[tilespmem:$0x1CB78] =	vst v63  }
0x1e3: {  	_ =	swait.ge [sflag:s7], $0x2800  }
0x1e4: {  	s14 =	sadd.s32 $0x3C0, s14;
	[sflag:s7] =	ssyncset.done $0x0  }
0x1e5: {  	p1 =	sne.s32 s14, $0x2580;
	s18 =	sadd.s32 $0xAA0, s17;
	[sflag:s7] =	ssyncadd.s32 $0xFFFFD800  }
0x1e6: {  	[spmem:s4] =	stream.indirect.scatter.add.f32 [tilespmem:s28], [sflag:$0x7], $0x1, s18, s24, $0xb8;
	[tilespmem:$0x1CB78] =	vst v63  }
.Ltmp18:
0x1e7: {  	_ = 	snop;
	(pc) =	sbr.rel @!p1 .LBB2_28-.Ltmp18, $4  }
0x1e8: {  	[spmem:s3] =	stream.indirect.scatter.add.f32 [tilespmem:s31], [sflag:$0x6], $0x80, s18, s24, $0xb8;
	[tilespmem:$0x1CB78] =	vst v63  }
0x1e9: {  	_ =	swait.ge [sflag:s29], $0x50  }
0x1ea: {  	[sflag:s29] =	ssyncset.done $0x0  }
0x1eb: {  	s15 =	sadd.s32 $0x3, s15;
	[sflag:s29] =	ssyncadd.s32 $0xFFFFFFB0  }
.LBB2_22:
0x1ec: {  	p1 =	sgt.u32 s15, $0x1D  }
0x1ed: {  	s18 =	simm.s32 @!p1 $0x5  }
0x1ee: {  	_ =	swait.ge @!p1 [sflag:s18], $0x2800  }
0x1ef: {  	s17 =	sshra.s32 s14, $0x2;
	[sflag:s18] =	ssyncset.done @!p1 $0x0  }
0x1f0: {  	[sflag:s18] =	ssyncadd.s32 @!p1 $0xFFFFD800;
	s18 =	sadd.s32 $0x50, s17  }
0x1f1: {  	[tilespmem:s25], [sflag:$0x2] =	stream.indirect.gather [hbm4b:s0+s24], $0x80, s18, s24, $0xb8;
	[tilespmem:$0x1CB78] =	vst v63  }
0x1f2: {  	_ =	swait.ge [sflag:s26], $0x2800  }
.Ltmp19:
0x1f3: {  	[sflag:s26] =	ssyncset.done $0x0;
	(pc) =	sbr.rel @p1 .LBB2_24-.Ltmp19, $4  }
0x1f4: {  	s18 =	sadd.s32 $0xA00, s17;
	[sflag:s26] =	ssyncadd.s32 $0xFFFFD800  }
0x1f5: {  	[spmem:s4] =	stream.indirect.scatter.add.f32 [tilespmem:s28], [sflag:$0x7], $0x1, s18, s24, $0xb8;
	[tilespmem:$0x1CB78] =	vst v63  }
0x1f6: {  	_ = 	snop  }
0x1f7: {  	[spmem:s3] =	stream.indirect.scatter.add.f32 [tilespmem:s1], [sflag:$0x4], $0x80, s18, s24, $0xb8;
	[tilespmem:$0x1CB78] =	vst v63  }
.Ltmp20:
0x1f8: {  	(pc) =	sbr.rel .LBB2_25-.Ltmp20, $4  }
0x1f9: {  	_ = 	snop  }
0x1fa: {  	_ =	swait.ge [sflag:s29], $0x50  }
0x1fb: {  	[sflag:s29] =	ssyncset.done $0x0  }
0x1fc: {  	[sflag:s29] =	ssyncadd.s32 $0xFFFFFFB0  }
.LBB2_24:
0x1fd: {  	s18 =	sadd.s32 $0x1, s15  }
0x1fe: {  	p1 =	sgt.u32 s18, $0x1D  }
.Ltmp21:
0x1ff: {  	_ = 	snop;
	(pc) =	sbr.rel @p1 .LBB2_26-.Ltmp21, $1  }
0x200: {  	_ =	sdelay $0x3  }
.LBB2_25:
0x201: {  	_ =	swait.ge [sflag:s30], $0x2800  }
0x202: {  	[sflag:s30] =	ssyncset.done $0x0  }
0x203: {  	s18 =	sadd.s32 $0xA0, s17;
	[sflag:s30] =	ssyncadd.s32 $0xFFFFD800  }
0x204: {  	[tilespmem:s31], [sflag:$0x3] =	stream.indirect.gather [hbm4b:s0+s24], $0x80, s18, s24, $0xb8;
	[tilespmem:$0x1CB78] =	vst v63  }
0x205: {  	_ =	swait.ge [sflag:s2], $0x2800  }
0x206: {  	[sflag:s2] =	ssyncset.done $0x0  }
0x207: {  	s18 =	sadd.s32 $0xA50, s17;
	[sflag:s2] =	ssyncadd.s32 $0xFFFFD800  }
0x208: {  	[spmem:s4] =	stream.indirect.scatter.add.f32 [tilespmem:s28], [sflag:$0x7], $0x1, s18, s24, $0xb8;
	[tilespmem:$0x1CB78] =	vst v63  }
.Ltmp22:
0x209: {  	_ = 	snop;
	(pc) =	sbr.rel .LBB2_27-.Ltmp22, $4  }
0x20a: {  	[spmem:s3] =	stream.indirect.scatter.add.f32 [tilespmem:s25], [sflag:$0x5], $0x80, s18, s24, $0xb8;
	[tilespmem:$0x1CB78] =	vst v63  }
0x20b: {  	_ =	swait.ge [sflag:s29], $0x50  }
0x20c: {  	[sflag:s29] =	ssyncset.done $0x0  }
0x20d: {  	[sflag:s29] =	ssyncadd.s32 $0xFFFFFFB0  }
.LBB2_28:
0x20e: {  	_ =	swait.ge [sflag:s8], $0x2800  }
0x20f: {  	[sflag:s8] =	ssyncset.done $0x0  }
0x210: {  	[sflag:s8] =	ssyncadd.s32 $0xFFFFD800  }
0x211: {  	[tilespmem:s25], [sflag:$0x2] =	stream.indirect.gather [hbm4b:s0+s24], $0x80, s9, s24, $0xb8;
	[tilespmem:$0x1CB78] =	vst v63  }
0x212: {  	_ =	swait.ge [sflag:s26], $0x2800  }
0x213: {  	[sflag:s26] =	ssyncset.done $0x0  }
0x214: {  	[sflag:s26] =	ssyncadd.s32 $0xFFFFD800  }
0x215: {  	[spmem:s4] =	stream.indirect.scatter.add.f32 [tilespmem:s28], [sflag:$0x7], $0x1, s10, s24, $0xb8;
	[tilespmem:$0x1CB78] =	vst v63  }
0x216: {  	_ = 	snop  }
0x217: {  	[spmem:s3] =	stream.indirect.scatter.add.f32 [tilespmem:s1], [sflag:$0x4], $0x80, s10, s24, $0xb8;
	[tilespmem:$0x1CB78] =	vst v63  }
0x218: {  	_ =	swait.ge [sflag:s29], $0x50  }
0x219: {  	[sflag:s29] =	ssyncset.done $0x0  }
0x21a: {  	[sflag:s29] =	ssyncadd.s32 $0xFFFFFFB0  }
0x21b: {  	_ =	swait.ge [sflag:s30], $0x2800  }
0x21c: {  	[sflag:s30] =	ssyncset.done $0x0  }
0x21d: {  	[sflag:s30] =	ssyncadd.s32 $0xFFFFD800  }
0x21e: {  	_ =	swait.ge [sflag:s2], $0x2800  }
0x21f: {  	[sflag:s2] =	ssyncset.done $0x0  }
0x220: {  	[sflag:s2] =	ssyncadd.s32 $0xFFFFD800  }
0x221: {  	[spmem:s4] =	stream.indirect.scatter.add.f32 [tilespmem:s28], [sflag:$0x7], $0x1, s11, s24, $0xb8;
	[tilespmem:$0x1CB78] =	vst v63  }
0x222: {  	_ = 	snop  }
0x223: {  	[spmem:s3] =	stream.indirect.scatter.add.f32 [tilespmem:s25], [sflag:$0x5], $0x80, s11, s24, $0xb8;
	[tilespmem:$0x1CB78] =	vst v63  }
0x224: {  	_ =	swait.ge [sflag:s29], $0x50  }
0x225: {  	[sflag:s29] =	ssyncset.done $0x0  }
0x226: {  	[sflag:s29] =	ssyncadd.s32 $0xFFFFFFB0  }
0x227: {  	_ =	swait.ge [sflag:s20], $0x2800  }
0x228: {  	[sflag:s20] =	ssyncset.done $0x0  }
0x229: {  	[sflag:s20] =	ssyncadd.s32 $0xFFFFD800  }
0x22a: {  	_ =	swait.ge [sflag:s29], $0x50  }
0x22b: {  	[sflag:s29] =	ssyncset.done $0x0  }
0x22c: {  	[sflag:s29] =	ssyncadd.s32 $0xFFFFFFB0  }
0x22d: {  	_ =	swait.ge [sflag:s8], $0x2800  }
0x22e: {  	[sflag:s8] =	ssyncset.done $0x0  }
0x22f: {  	[sflag:s8] =	ssyncadd.s32 $0xFFFFD800  }
0x230: {  	_ =	swait.ge [sflag:s29], $0x50  }
0x231: {  	[sflag:s29] =	ssyncset.done $0x0  }
0x232: {  	s14 =	simm.s32 $0x0;
	s15 =	rddreg [dreg:$0xd];
	[sflag:s29] =	ssyncadd.s32 $0xFFFFFFB0  }
0x233: {  	[tilespmem:s14], [sflag:$0x8] =	stream.strided.gather [hbm4b:s15+s21], $0x980, s22, s21, $0x38;
	[tilespmem:$0x1CB78] =	vst v63  }
0x234: {  	_ =	swait.ge [sflag:s6], $0x980  }
0x235: {  	[sflag:s6] =	ssyncset.done $0x0  }
0x236: {  	s18 =	rddreg [dreg:$0xe];
	[sflag:s6] =	ssyncadd.s32 $0xFFFFF680  }
0x237: {  	[tilespmem:s23], [sflag:$0x8] =	stream.strided.gather [hbm4b:s18+s21], $0x980, s22, s21, $0x38;
	[tilespmem:$0x1CB78] =	vst v63  }
.Ltmp23:
0x238: {  	_ = 	snop;
	(pc) =	sbr.rel .LBB2_29-.Ltmp23, $4  }
0x239: {  	_ =	swait.ge [sflag:s6], $0x980  }
0x23a: {  	[sflag:s6] =	ssyncset.done $0x0  }
0x23b: {  	s15 =	simm.s32 $0xFFFFFFFE;
	[sflag:s6] =	ssyncadd.s32 $0xFFFFF680  }
0x23c: {  	[tilespmem:s1], [sflag:$0x1] =	stream.indirect.gather [hbm4b:s0+s24], $0x80, s14, s24, $0xb8;
	[tilespmem:$0x1CB78] =	vst v63  }
.LBB2_33:
0x23d: {  	s18 =	sadd.s32 $0xA0, s17  }
0x23e: {  	[tilespmem:s31], [sflag:$0x3] =	stream.indirect.gather [hbm4b:s0+s24], $0x80, s18, s24, $0xb8;
	[tilespmem:$0x1CB78] =	vst v63  }
0x23f: {  	_ =	swait.ge [sflag:s2], $0x2800  }
0x240: {  	[sflag:s2] =	ssyncset.done $0x0  }
0x241: {  	s18 =	sadd.s32 $0xA50, s17;
	[sflag:s2] =	ssyncadd.s32 $0xFFFFD800  }
0x242: {  	[spmem:s4] =	stream.indirect.scatter.add.f32 [tilespmem:s28], [sflag:$0x7], $0x1, s18, s24, $0xb8;
	[tilespmem:$0x1CB78] =	vst v63  }
0x243: {  	_ = 	snop  }
0x244: {  	[spmem:s3] =	stream.indirect.scatter.add.f32 [tilespmem:s25], [sflag:$0x5], $0x80, s18, s24, $0xb8;
	[tilespmem:$0x1CB78] =	vst v63  }
.LBB2_34:
0x245: {  	_ =	swait.ge [sflag:s20], $0x2800  }
0x246: {  	[sflag:s20] =	ssyncset.done $0x0  }
0x247: {  	s18 =	sadd.s32 $0xF0, s17;
	[sflag:s20] =	ssyncadd.s32 $0xFFFFD800  }
0x248: {  	[tilespmem:s1], [sflag:$0x1] =	stream.indirect.gather [hbm4b:s0+s24], $0x80, s18, s24, $0xb8;
	[tilespmem:$0x1CB78] =	vst v63  }
0x249: {  	_ =	swait.ge [sflag:s7], $0x2800  }
0x24a: {  	s14 =	sadd.s32 $0x3C0, s14;
	[sflag:s7] =	ssyncset.done $0x0  }
0x24b: {  	p1 =	sne.s32 s14, $0x21C0;
	s18 =	sadd.s32 $0xAA0, s17;
	[sflag:s7] =	ssyncadd.s32 $0xFFFFD800  }
0x24c: {  	[spmem:s4] =	stream.indirect.scatter.add.f32 [tilespmem:s28], [sflag:$0x7], $0x1, s18, s24, $0xb8;
	[tilespmem:$0x1CB78] =	vst v63  }
.Ltmp24:
0x24d: {  	_ = 	snop;
	(pc) =	sbr.rel @!p1 .LBB2_35-.Ltmp24, $4  }
0x24e: {  	[spmem:s3] =	stream.indirect.scatter.add.f32 [tilespmem:s31], [sflag:$0x6], $0x80, s18, s24, $0xb8;
	[tilespmem:$0x1CB78] =	vst v63  }
0x24f: {  	_ =	swait.ge [sflag:s29], $0x50  }
0x250: {  	[sflag:s29] =	ssyncset.done $0x0  }
0x251: {  	s15 =	sadd.s32 $0x3, s15;
	[sflag:s29] =	ssyncadd.s32 $0xFFFFFFB0  }
.LBB2_29:
0x252: {  	p1 =	sgt.u32 s15, $0x1A  }
0x253: {  	s18 =	simm.s32 @!p1 $0x5  }
0x254: {  	_ =	swait.ge @!p1 [sflag:s18], $0x2800  }
0x255: {  	s17 =	sshra.s32 s14, $0x2;
	[sflag:s18] =	ssyncset.done @!p1 $0x0  }
0x256: {  	[sflag:s18] =	ssyncadd.s32 @!p1 $0xFFFFD800;
	s18 =	sadd.s32 $0x50, s17  }
0x257: {  	[tilespmem:s25], [sflag:$0x2] =	stream.indirect.gather [hbm4b:s0+s24], $0x80, s18, s24, $0xb8;
	[tilespmem:$0x1CB78] =	vst v63  }
0x258: {  	_ =	swait.ge [sflag:s26], $0x2800  }
.Ltmp25:
0x259: {  	[sflag:s26] =	ssyncset.done $0x0;
	(pc) =	sbr.rel @p1 .LBB2_31-.Ltmp25, $4  }
0x25a: {  	s18 =	sadd.s32 $0xA00, s17;
	[sflag:s26] =	ssyncadd.s32 $0xFFFFD800  }
0x25b: {  	[spmem:s4] =	stream.indirect.scatter.add.f32 [tilespmem:s28], [sflag:$0x7], $0x1, s18, s24, $0xb8;
	[tilespmem:$0x1CB78] =	vst v63  }
0x25c: {  	_ = 	snop  }
0x25d: {  	[spmem:s3] =	stream.indirect.scatter.add.f32 [tilespmem:s1], [sflag:$0x4], $0x80, s18, s24, $0xb8;
	[tilespmem:$0x1CB78] =	vst v63  }
.Ltmp26:
0x25e: {  	(pc) =	sbr.rel .LBB2_32-.Ltmp26, $4  }
0x25f: {  	_ = 	snop  }
0x260: {  	_ =	swait.ge [sflag:s29], $0x50  }
0x261: {  	[sflag:s29] =	ssyncset.done $0x0  }
0x262: {  	[sflag:s29] =	ssyncadd.s32 $0xFFFFFFB0  }
.LBB2_31:
0x263: {  	s18 =	sadd.s32 $0x1, s15  }
0x264: {  	p1 =	sgt.u32 s18, $0x1A  }
.Ltmp27:
0x265: {  	_ = 	snop;
	(pc) =	sbr.rel @p1 .LBB2_33-.Ltmp27, $1  }
0x266: {  	_ =	sdelay $0x3  }
.LBB2_32:
0x267: {  	_ =	swait.ge [sflag:s30], $0x2800  }
0x268: {  	[sflag:s30] =	ssyncset.done $0x0  }
0x269: {  	s18 =	sadd.s32 $0xA0, s17;
	[sflag:s30] =	ssyncadd.s32 $0xFFFFD800  }
0x26a: {  	[tilespmem:s31], [sflag:$0x3] =	stream.indirect.gather [hbm4b:s0+s24], $0x80, s18, s24, $0xb8;
	[tilespmem:$0x1CB78] =	vst v63  }
0x26b: {  	_ =	swait.ge [sflag:s2], $0x2800  }
0x26c: {  	[sflag:s2] =	ssyncset.done $0x0  }
0x26d: {  	s18 =	sadd.s32 $0xA50, s17;
	[sflag:s2] =	ssyncadd.s32 $0xFFFFD800  }
0x26e: {  	[spmem:s4] =	stream.indirect.scatter.add.f32 [tilespmem:s28], [sflag:$0x7], $0x1, s18, s24, $0xb8;
	[tilespmem:$0x1CB78] =	vst v63  }
.Ltmp28:
0x26f: {  	_ = 	snop;
	(pc) =	sbr.rel .LBB2_34-.Ltmp28, $4  }
0x270: {  	[spmem:s3] =	stream.indirect.scatter.add.f32 [tilespmem:s25], [sflag:$0x5], $0x80, s18, s24, $0xb8;
	[tilespmem:$0x1CB78] =	vst v63  }
0x271: {  	_ =	swait.ge [sflag:s29], $0x50  }
0x272: {  	[sflag:s29] =	ssyncset.done $0x0  }
0x273: {  	[sflag:s29] =	ssyncadd.s32 $0xFFFFFFB0  }
.LBB2_36:
0x274: {  	_ =	sfence.sel $0x180000  }
0x275: {  	[bflag:$0x0] =	sbarrier.arrive $0xFFFF  }
0x276: {  	_ =	strace $0x90000047  }
0x277: {  	s0 =	stileid.u32;
	[bflag:$0x2] =	sbarrier.arrive $0xFFFF  }
0x278: {  	p0 =	sne.s32 s0, $0x0;
	s0 =	rddreg [dreg:$0x5]  }
0x279: {  	s0 =	sadd.s32 @!p0 $0x100000, s0  }
0x27a: {  	[sflag:s0] =	ssyncadd.tile.s32 @!p0 $0x1;
	_ =	shalt  }
.Lfunc_end2:
_tile_overlayer_lowered:
.L_overlay_start_2:
0x27b: {  	(tag) =	ssettag $0x2  }
0x27c: {  	s0 =	rddreg [dreg:$0x0];
	s2 =	stileid.u32  }
0x27d: {  	s1 =	rddreg [dreg:$0x1];
	p0 =	sne.s32 s2, $0x0  }
0x27e: {  	s3 =	rddreg [dreg:$0x2];
	[bflag:$0x3] =	sbarrier.arrive $0xFFFF;
	s2 =	simm.s32 @!p0 $0x1C08  }
0x27f: {  	[timem:s3], [sflag:s2] =	dma.local @!p0 [hbm:s0], s1  }
0x280: {  	s0 =	simm.s32 @!p0 $0x8  }
0x281: {  	_ =	swait.ge @!p0 [sflag:s0], s1  }
0x282: {  	s1 =	ssub.s32 @!p0 $0x0, s1;
	[sflag:s0] =	ssyncset.done @!p0 $0x0  }
0x283: {  	[sflag:s0] =	ssyncadd.s32 @!p0 s1  }
0x284: {  	[bflag:$0x3] =	sbarrier.arrive $0xFFFF  }
0x285: {  	_ =	shalt  }

</sc_bundles>
